<compile_context>
chip_gen: v7x
topology: tpu7x:2x2x1
jax: 0.10.2.dev20260603
libtpu: 0.0.44.dev20260713+nightly
codegen_flags: <defaults>
</compile_context>

<pallas_src>
import functools

import jax
import jax.numpy as jnp
from jax import lax
from jax.experimental import pallas as pl
from jax.experimental.pallas import tpu as pltpu
from jax.experimental.pallas import tpu_sc as plsc

_VOCAB = 1000000
_EMBED = 64
_OUT = 3
_DPAD = 8
_BATCH = 16384
_HIST = 50
_NIDX = _BATCH * _HIST

_NC, _NS = 2, 16
_NW = _NC * _NS
_BPW = _NIDX // _NW
_CHUNK = 3200
_NCHUNK = _BPW // _CHUNK

_MM_COLS = 32768


def _mm_body(t_ref, w_ref, b_ref, o0_ref, o1_ref, o2_ref):
    t = t_ref[...]
    for c, o_ref in enumerate((o0_ref, o1_ref, o2_ref)):
        o_ref[...] = lax.dot_general(
            w_ref[:, c:c + 1], t, (((0,), (0,)), ((), ())),
            preferred_element_type=jnp.float32,
        ) + b_ref[c, 0]


def _project_table(emb_t, w, b2):
    grid = (_VOCAB + _MM_COLS - 1) // _MM_COLS
    plane = jax.ShapeDtypeStruct((1, _VOCAB), jnp.float32)
    return pl.pallas_call(
        _mm_body,
        grid=(grid,),
        in_specs=[
            pl.BlockSpec((_EMBED, _MM_COLS), lambda i: (0, i)),
            pl.BlockSpec((_EMBED, _OUT), lambda i: (0, 0)),
            pl.BlockSpec((_OUT, 1), lambda i: (0, 0)),
        ],
        out_specs=[pl.BlockSpec((1, _MM_COLS), lambda i: (0, i))] * _OUT,
        out_shape=[plane] * _OUT,
    )(emb_t, w, b2)


_sc_mesh = plsc.VectorSubcoreMesh(core_axis_name="c", subcore_axis_name="s")


@functools.partial(
    pl.kernel,
    mesh=_sc_mesh,
    compiler_params=pltpu.CompilerParams(
        use_tc_tiling_on_sc=False, needs_layout_passes=False
    ),
    out_type=jax.ShapeDtypeStruct((_OUT, _NIDX), jnp.float32),
    scratch_types=[
        pltpu.VMEM((2, _CHUNK), jnp.int32),
        pltpu.VMEM((2, _OUT, _CHUNK), jnp.float32),
        pltpu.SemaphoreType.DMA,
        pltpu.SemaphoreType.DMA,
    ],
)
def _gather_sc(p0, p1, p2, idx_hbm, out_hbm, idx_v, vals_v, s0, s1):
    wid = lax.axis_index("s") * _NC + lax.axis_index("c")
    base = wid * _BPW
    planes = (p0, p1, p2)
    sems = (s0, s1)

    def _start(ci):
        b = ci % 2
        off = base + ci * _CHUNK
        pltpu.sync_copy(idx_hbm.at[pl.ds(off, _CHUNK)], idx_v.at[b])
        return [
            pltpu.async_copy(planes[c].at[idx_v.at[b]], vals_v.at[b, c], sems[b])
            for c in range(_OUT)
        ]

    def _finish(ci, copies):
        b = ci % 2
        off = base + ci * _CHUNK
        for cp in copies:
            cp.wait()
        for c in range(_OUT):
            pltpu.sync_copy(vals_v.at[b, c], out_hbm.at[c, pl.ds(off, _CHUNK)])

    pending = _start(0)
    for ci in range(1, _NCHUNK):
        nxt = _start(ci)
        _finish(ci - 1, pending)
        pending = nxt
    _finish(_NCHUNK - 1, pending)


def kernel(x, emb_table, W, b):
    p0, p1, p2 = _project_table(emb_table.T, W, b.reshape(_OUT, 1))
    idx_lin = x.T.reshape(-1)
    out2 = _gather_sc(p0.reshape(-1), p1.reshape(-1), p2.reshape(-1), idx_lin)
    return out2.reshape(_OUT, _HIST, _BATCH).transpose(2, 1, 0)

# --- scband reference (transcript-rebuilt; emitter-appended) ---
"""Pipeline reference for scband-color-embedding-model-58961311040070 (READ-ONLY COPY).

The authoritative reference and input builder live on the scoring server;
editing this copy changes nothing except your own understanding.
"""

import jax, jax.numpy as jnp
import numpy as np

VOCAB = 1000000
EMBED_DIM = 64
OUTPUT_DIM = 3
BATCH = 16384
HIST = 50

def setup_inputs(seed: int = 0) -> dict:
    key = jax.random.key(seed)
    k_idx, k_emb, k_w, k_b = jax.random.split(key, 4)
    x = jax.random.randint(k_idx, (BATCH, HIST), 0, VOCAB, dtype=jnp.int64 if jax.config.read('jax_enable_x64') else jnp.int32).astype(jnp.int32)
    emb_table = jax.random.normal(k_emb, (VOCAB, EMBED_DIM), dtype=jnp.float32)
    W = jax.random.normal(k_w, (EMBED_DIM, OUTPUT_DIM), dtype=jnp.float32) * (1.0 / np.sqrt(EMBED_DIM))
    b = jax.random.normal(k_b, (OUTPUT_DIM,), dtype=jnp.float32) * 0.01
    return {"x": x, "emb_table": emb_table, "W": W, "b": b}

def reference(x, emb_table, W, b):
    # nn.Embedding lookup: gather rows of the embedding table
    embedded = jnp.take(emb_table, x, axis=0)  # [B, L, embed_dim]
    # nn.Linear: embedded @ W + b
    output = jnp.dot(embedded, W) + b  # [B, L, output_dim]
    return output

if __name__ == "__main__":
    import jax
    _d = setup_inputs()
    print(jax.jit(kernel)(*tuple(_d.values())))

</pallas_src>

<mosaic_0001>
#map = affine_map<(d0, d1) -> (0)>
#map1 = affine_map<(d0, d1) -> (0, 0)>
module attributes {stable_mosaic.version = 14 : i64} {
  func.func @_gather_sc(%arg0: i32, %arg1: i32, %arg2: memref<1000000xf32, #tpu.memory_space<hbm>>, %arg3: memref<1000000xf32, #tpu.memory_space<hbm>>, %arg4: memref<1000000xf32, #tpu.memory_space<hbm>>, %arg5: memref<819200xi32, #tpu.memory_space<hbm>>, %arg6: memref<3x819200xf32, #tpu.memory_space<hbm>>, %arg7: memref<2x3200xi32, #tpu.memory_space<vmem>>, %arg8: memref<2x3x3200xf32, #tpu.memory_space<vmem>>, %arg9: memref<!tpu.dma_semaphore, #tpu.memory_space<semaphore_mem>>, %arg10: memref<!tpu.dma_semaphore, #tpu.memory_space<semaphore_mem>>) attributes {dimension_semantics = [#tpu.dimension_semantics<core_parallel>, #tpu.dimension_semantics<subcore_parallel>], iteration_bounds = array<i64: 2, 16>, scalar_prefetch = 0 : i64, scratch_operands = 4 : i64, tpu.core_type = #tpu.core_type<sc_vector_subcore>, window_params = [{transform_indices = #map}, {transform_indices = #map}, {transform_indices = #map}, {transform_indices = #map}, {transform_indices = #map1}]} {
    %mul3A = arith.constant 2 : i32
    %mul3A_0 = arith.muli %arg1, %mul3A : i32
    %add3A = arith.addi %mul3A_0, %arg0 : i32
    %mul3A_1 = arith.constant 25600 : i32
    %mul3A_2 = arith.muli %add3A, %mul3A_1 : i32
    %add3A_3 = arith.constant 0 : i32
    %add3A_4 = arith.addi %mul3A_2, %add3A_3 : i32
    %run_scoped3A = arith.constant 0 : i32
    "tpu.region"() ({
      %run_scoped3A_640 = tpu.sem_alloc : memref<!tpu.dma_semaphore, #tpu.memory_space<semaphore_mem>>
      %dma_start3A_641 = arith.constant 0 : i32
      %dma_start3A_642 = tpu.memref_slice %arg7[%run_scoped3A, %dma_start3A_641] : memref<2x3200xi32, #tpu.memory_space<vmem>> -> memref<1x3200xi32, #tpu.memory_space<vmem>>
      %dma_start3A_643 = tpu.memref_squeeze %dma_start3A_642 : memref<1x3200xi32, #tpu.memory_space<vmem>> -> memref<3200xi32, #tpu.memory_space<vmem>>
      %dma_start3A_644 = tpu.memref_slice %arg5[%add3A_4] : memref<819200xi32, #tpu.memory_space<hbm>> -> memref<3200xi32, #tpu.memory_space<hbm>>
      %dma_start3A_645 = arith.constant 0 : i32
      %dma_start3A_646 = tpu.memref_slice %arg7[%run_scoped3A, %dma_start3A_645] : memref<2x3200xi32, #tpu.memory_space<vmem>> -> memref<1x3200xi32, #tpu.memory_space<vmem>>
      %dma_start3A_647 = tpu.memref_squeeze %dma_start3A_646 : memref<1x3200xi32, #tpu.memory_space<vmem>> -> memref<3200xi32, #tpu.memory_space<vmem>>
      %dma_start3A_648 = tpu.memref_slice %arg5[%add3A_4] : memref<819200xi32, #tpu.memory_space<hbm>> -> memref<3200xi32, #tpu.memory_space<hbm>>
      tpu.enqueue_dma source(%dma_start3A_648 : memref<3200xi32, #tpu.memory_space<hbm>>) target(%dma_start3A_647 : memref<3200xi32, #tpu.memory_space<vmem>>) target_semaphore(%run_scoped3A_640 : memref<!tpu.dma_semaphore, #tpu.memory_space<semaphore_mem>>)
      %dma_wait3A_649 = arith.constant 0 : i32
      %dma_wait3A_650 = tpu.memref_slice %arg7[%run_scoped3A, %dma_wait3A_649] : memref<2x3200xi32, #tpu.memory_space<vmem>> -> memref<1x3200xi32, #tpu.memory_space<vmem>>
      %dma_wait3A_651 = tpu.memref_squeeze %dma_wait3A_650 : memref<1x3200xi32, #tpu.memory_space<vmem>> -> memref<3200xi32, #tpu.memory_space<vmem>>
      %dma_wait3A_652 = tpu.memref_slice %arg5[%add3A_4] : memref<819200xi32, #tpu.memory_space<hbm>> -> memref<3200xi32, #tpu.memory_space<hbm>>
      %dma_wait3A_653 = arith.constant 0 : i32
      %dma_wait3A_654 = tpu.memref_slice %arg7[%run_scoped3A, %dma_wait3A_653] : memref<2x3200xi32, #tpu.memory_space<vmem>> -> memref<1x3200xi32, #tpu.memory_space<vmem>>
      %dma_wait3A_655 = tpu.memref_squeeze %dma_wait3A_654 : memref<1x3200xi32, #tpu.memory_space<vmem>> -> memref<3200xi32, #tpu.memory_space<vmem>>
      %dma_wait3A_656 = tpu.memref_slice %arg5[%add3A_4] : memref<819200xi32, #tpu.memory_space<hbm>> -> memref<3200xi32, #tpu.memory_space<hbm>>
      tpu.wait_dma2 semaphore(%run_scoped3A_640 : memref<!tpu.dma_semaphore, #tpu.memory_space<semaphore_mem>>) src(%dma_wait3A_656 : memref<3200xi32, #tpu.memory_space<hbm>>) dst(%dma_wait3A_655 : memref<3200xi32, #tpu.memory_space<vmem>>)
      tpu.yield
    }) : () -> ()
    %dma_start3A = arith.constant 0 : i32
    %dma_start3A_5 = arith.constant 0 : i32
    %dma_start3A_6 = arith.constant 0 : i32
    %dma_start3A_7 = arith.constant 0 : i32
    %dma_start3A_8 = tpu.memref_slice %arg8[%dma_start3A_5, %dma_start3A_6, %dma_start3A_7] : memref<2x3x3200xf32, #tpu.memory_space<vmem>> -> memref<1x1x3200xf32, #tpu.memory_space<vmem>>
    %dma_start3A_9 = tpu.memref_squeeze %dma_start3A_8 : memref<1x1x3200xf32, #tpu.memory_space<vmem>> -> memref<3200xf32, #tpu.memory_space<vmem>>
    %dma_start3A_10 = arith.constant 0 : i32
    %dma_start3A_11 = tpu.memref_slice %arg7[%dma_start3A, %dma_start3A_10] : memref<2x3200xi32, #tpu.memory_space<vmem>> -> memref<1x3200xi32, #tpu.memory_space<vmem>>
    %dma_start3A_12 = tpu.memref_squeeze %dma_start3A_11 : memref<1x3200xi32, #tpu.memory_space<vmem>> -> memref<3200xi32, #tpu.memory_space<vmem>>
    %dma_start3A_13 = arith.constant 0 : i32
    %dma_start3A_14 = tpu.memref_slice %arg2[%dma_start3A_13] : memref<1000000xf32, #tpu.memory_space<hbm>> -> memref<1000000xf32, #tpu.memory_space<hbm>>
    tpu.enqueue_indirect_dma source(%dma_start3A_14 : memref<1000000xf32, #tpu.memory_space<hbm>>) target(%dma_start3A_9 : memref<3200xf32, #tpu.memory_space<vmem>>) offsets(%dma_start3A_12 : memref<3200xi32, #tpu.memory_space<vmem>>) semaphore(%arg9 : memref<!tpu.dma_semaphore, #tpu.memory_space<semaphore_mem>>)
    %dma_start3A_15 = arith.constant 0 : i32
    %dma_start3A_16 = arith.constant 0 : i32
    %dma_start3A_17 = arith.constant 1 : i32
    %dma_start3A_18 = arith.constant 0 : i32
    %dma_start3A_19 = tpu.memref_slice %arg8[%dma_start3A_16, %dma_start3A_17, %dma_start3A_18] : memref<2x3x3200xf32, #tpu.memory_space<vmem>> -> memref<1x1x3200xf32, #tpu.memory_space<vmem>>
    %dma_start3A_20 = tpu.memref_squeeze %dma_start3A_19 : memref<1x1x3200xf32, #tpu.memory_space<vmem>> -> memref<3200xf32, #tpu.memory_space<vmem>>
    %dma_start3A_21 = arith.constant 0 : i32
    %dma_start3A_22 = tpu.memref_slice %arg7[%dma_start3A_15, %dma_start3A_21] : memref<2x3200xi32, #tpu.memory_space<vmem>> -> memref<1x3200xi32, #tpu.memory_space<vmem>>
    %dma_start3A_23 = tpu.memref_squeeze %dma_start3A_22 : memref<1x3200xi32, #tpu.memory_space<vmem>> -> memref<3200xi32, #tpu.memory_space<vmem>>
    %dma_start3A_24 = arith.constant 0 : i32
    %dma_start3A_25 = tpu.memref_slice %arg3[%dma_start3A_24] : memref<1000000xf32, #tpu.memory_space<hbm>> -> memref<1000000xf32, #tpu.memory_space<hbm>>
    tpu.enqueue_indirect_dma source(%dma_start3A_25 : memref<1000000xf32, #tpu.memory_space<hbm>>) target(%dma_start3A_20 : memref<3200xf32, #tpu.memory_space<vmem>>) offsets(%dma_start3A_23 : memref<3200xi32, #tpu.memory_space<vmem>>) semaphore(%arg9 : memref<!tpu.dma_semaphore, #tpu.memory_space<semaphore_mem>>)
    %dma_start3A_26 = arith.constant 0 : i32
    %dma_start3A_27 = arith.constant 0 : i32
    %dma_start3A_28 = arith.constant 2 : i32
    %dma_start3A_29 = arith.constant 0 : i32
    %dma_start3A_30 = tpu.memref_slice %arg8[%dma_start3A_27, %dma_start3A_28, %dma_start3A_29] : memref<2x3x3200xf32, #tpu.memory_space<vmem>> -> memref<1x1x3200xf32, #tpu.memory_space<vmem>>
    %dma_start3A_31 = tpu.memref_squeeze %dma_start3A_30 : memref<1x1x3200xf32, #tpu.memory_space<vmem>> -> memref<3200xf32, #tpu.memory_space<vmem>>
    %dma_start3A_32 = arith.constant 0 : i32
    %dma_start3A_33 = tpu.memref_slice %arg7[%dma_start3A_26, %dma_start3A_32] : memref<2x3200xi32, #tpu.memory_space<vmem>> -> memref<1x3200xi32, #tpu.memory_space<vmem>>
    %dma_start3A_34 = tpu.memref_squeeze %dma_start3A_33 : memref<1x3200xi32, #tpu.memory_space<vmem>> -> memref<3200xi32, #tpu.memory_space<vmem>>
    %dma_start3A_35 = arith.constant 0 : i32
    %dma_start3A_36 = tpu.memref_slice %arg4[%dma_start3A_35] : memref<1000000xf32, #tpu.memory_space<hbm>> -> memref<1000000xf32, #tpu.memory_space<hbm>>
    tpu.enqueue_indirect_dma source(%dma_start3A_36 : memref<1000000xf32, #tpu.memory_space<hbm>>) target(%dma_start3A_31 : memref<3200xf32, #tpu.memory_space<vmem>>) offsets(%dma_start3A_34 : memref<3200xi32, #tpu.memory_space<vmem>>) semaphore(%arg9 : memref<!tpu.dma_semaphore, #tpu.memory_space<semaphore_mem>>)
    %add3A_37 = arith.constant 3200 : i32
    %add3A_38 = arith.addi %mul3A_2, %add3A_37 : i32
    %run_scoped3A_39 = arith.constant 1 : i32
    "tpu.region"() ({
      %run_scoped3A_640 = tpu.sem_alloc : memref<!tpu.dma_semaphore, #tpu.memory_space<semaphore_mem>>
      %dma_start3A_641 = arith.constant 0 : i32
      %dma_start3A_642 = tpu.memref_slice %arg7[%run_scoped3A_39, %dma_start3A_641] : memref<2x3200xi32, #tpu.memory_space<vmem>> -> memref<1x3200xi32, #tpu.memory_space<vmem>>
      %dma_start3A_643 = tpu.memref_squeeze %dma_start3A_642 : memref<1x3200xi32, #tpu.memory_space<vmem>> -> memref<3200xi32, #tpu.memory_space<vmem>>
      %dma_start3A_644 = tpu.memref_slice %arg5[%add3A_38] : memref<819200xi32, #tpu.memory_space<hbm>> -> memref<3200xi32, #tpu.memory_space<hbm>>
      %dma_start3A_645 = arith.constant 0 : i32
      %dma_start3A_646 = tpu.memref_slice %arg7[%run_scoped3A_39, %dma_start3A_645] : memref<2x3200xi32, #tpu.memory_space<vmem>> -> memref<1x3200xi32, #tpu.memory_space<vmem>>
      %dma_start3A_647 = tpu.memref_squeeze %dma_start3A_646 : memref<1x3200xi32, #tpu.memory_space<vmem>> -> memref<3200xi32, #tpu.memory_space<vmem>>
      %dma_start3A_648 = tpu.memref_slice %arg5[%add3A_38] : memref<819200xi32, #tpu.memory_space<hbm>> -> memref<3200xi32, #tpu.memory_space<hbm>>
      tpu.enqueue_dma source(%dma_start3A_648 : memref<3200xi32, #tpu.memory_space<hbm>>) target(%dma_start3A_647 : memref<3200xi32, #tpu.memory_space<vmem>>) target_semaphore(%run_scoped3A_640 : memref<!tpu.dma_semaphore, #tpu.memory_space<semaphore_mem>>)
      %dma_wait3A_649 = arith.constant 0 : i32
      %dma_wait3A_650 = tpu.memref_slice %arg7[%run_scoped3A_39, %dma_wait3A_649] : memref<2x3200xi32, #tpu.memory_space<vmem>> -> memref<1x3200xi32, #tpu.memory_space<vmem>>
      %dma_wait3A_651 = tpu.memref_squeeze %dma_wait3A_650 : memref<1x3200xi32, #tpu.memory_space<vmem>> -> memref<3200xi32, #tpu.memory_space<vmem>>
      %dma_wait3A_652 = tpu.memref_slice %arg5[%add3A_38] : memref<819200xi32, #tpu.memory_space<hbm>> -> memref<3200xi32, #tpu.memory_space<hbm>>
      %dma_wait3A_653 = arith.constant 0 : i32
      %dma_wait3A_654 = tpu.memref_slice %arg7[%run_scoped3A_39, %dma_wait3A_653] : memref<2x3200xi32, #tpu.memory_space<vmem>> -> memref<1x3200xi32, #tpu.memory_space<vmem>>
      %dma_wait3A_655 = tpu.memref_squeeze %dma_wait3A_654 : memref<1x3200xi32, #tpu.memory_space<vmem>> -> memref<3200xi32, #tpu.memory_space<vmem>>
      %dma_wait3A_656 = tpu.memref_slice %arg5[%add3A_38] : memref<819200xi32, #tpu.memory_space<hbm>> -> memref<3200xi32, #tpu.memory_space<hbm>>
      tpu.wait_dma2 semaphore(%run_scoped3A_640 : memref<!tpu.dma_semaphore, #tpu.memory_space<semaphore_mem>>) src(%dma_wait3A_656 : memref<3200xi32, #tpu.memory_space<hbm>>) dst(%dma_wait3A_655 : memref<3200xi32, #tpu.memory_space<vmem>>)
      tpu.yield
    }) : () -> ()
    %dma_start3A_40 = arith.constant 1 : i32
    %dma_start3A_41 = arith.constant 1 : i32
    %dma_start3A_42 = arith.constant 0 : i32
    %dma_start3A_43 = arith.constant 0 : i32
    %dma_start3A_44 = tpu.memref_slice %arg8[%dma_start3A_41, %dma_start3A_42, %dma_start3A_43] : memref<2x3x3200xf32, #tpu.memory_space<vmem>> -> memref<1x1x3200xf32, #tpu.memory_space<vmem>>
    %dma_start3A_45 = tpu.memref_squeeze %dma_start3A_44 : memref<1x1x3200xf32, #tpu.memory_space<vmem>> -> memref<3200xf32, #tpu.memory_space<vmem>>
    %dma_start3A_46 = arith.constant 0 : i32
    %dma_start3A_47 = tpu.memref_slice %arg7[%dma_start3A_40, %dma_start3A_46] : memref<2x3200xi32, #tpu.memory_space<vmem>> -> memref<1x3200xi32, #tpu.memory_space<vmem>>
    %dma_start3A_48 = tpu.memref_squeeze %dma_start3A_47 : memref<1x3200xi32, #tpu.memory_space<vmem>> -> memref<3200xi32, #tpu.memory_space<vmem>>
    %dma_start3A_49 = arith.constant 0 : i32
    %dma_start3A_50 = tpu.memref_slice %arg2[%dma_start3A_49] : memref<1000000xf32, #tpu.memory_space<hbm>> -> memref<1000000xf32, #tpu.memory_space<hbm>>
    tpu.enqueue_indirect_dma source(%dma_start3A_50 : memref<1000000xf32, #tpu.memory_space<hbm>>) target(%dma_start3A_45 : memref<3200xf32, #tpu.memory_space<vmem>>) offsets(%dma_start3A_48 : memref<3200xi32, #tpu.memory_space<vmem>>) semaphore(%arg10 : memref<!tpu.dma_semaphore, #tpu.memory_space<semaphore_mem>>)
    %dma_start3A_51 = arith.constant 1 : i32
    %dma_start3A_52 = arith.constant 1 : i32
    %dma_start3A_53 = arith.constant 1 : i32
    %dma_start3A_54 = arith.constant 0 : i32
    %dma_start3A_55 = tpu.memref_slice %arg8[%dma_start3A_52, %dma_start3A_53, %dma_start3A_54] : memref<2x3x3200xf32, #tpu.memory_space<vmem>> -> memref<1x1x3200xf32, #tpu.memory_space<vmem>>
    %dma_start3A_56 = tpu.memref_squeeze %dma_start3A_55 : memref<1x1x3200xf32, #tpu.memory_space<vmem>> -> memref<3200xf32, #tpu.memory_space<vmem>>
    %dma_start3A_57 = arith.constant 0 : i32
    %dma_start3A_58 = tpu.memref_slice %arg7[%dma_start3A_51, %dma_start3A_57] : memref<2x3200xi32, #tpu.memory_space<vmem>> -> memref<1x3200xi32, #tpu.memory_space<vmem>>
    %dma_start3A_59 = tpu.memref_squeeze %dma_start3A_58 : memref<1x3200xi32, #tpu.memory_space<vmem>> -> memref<3200xi32, #tpu.memory_space<vmem>>
    %dma_start3A_60 = arith.constant 0 : i32
    %dma_start3A_61 = tpu.memref_slice %arg3[%dma_start3A_60] : memref<1000000xf32, #tpu.memory_space<hbm>> -> memref<1000000xf32, #tpu.memory_space<hbm>>
    tpu.enqueue_indirect_dma source(%dma_start3A_61 : memref<1000000xf32, #tpu.memory_space<hbm>>) target(%dma_start3A_56 : memref<3200xf32, #tpu.memory_space<vmem>>) offsets(%dma_start3A_59 : memref<3200xi32, #tpu.memory_space<vmem>>) semaphore(%arg10 : memref<!tpu.dma_semaphore, #tpu.memory_space<semaphore_mem>>)
    %dma_start3A_62 = arith.constant 1 : i32
    %dma_start3A_63 = arith.constant 1 : i32
    %dma_start3A_64 = arith.constant 2 : i32
    %dma_start3A_65 = arith.constant 0 : i32
    %dma_start3A_66 = tpu.memref_slice %arg8[%dma_start3A_63, %dma_start3A_64, %dma_start3A_65] : memref<2x3x3200xf32, #tpu.memory_space<vmem>> -> memref<1x1x3200xf32, #tpu.memory_space<vmem>>
    %dma_start3A_67 = tpu.memref_squeeze %dma_start3A_66 : memref<1x1x3200xf32, #tpu.memory_space<vmem>> -> memref<3200xf32, #tpu.memory_space<vmem>>
    %dma_start3A_68 = arith.constant 0 : i32
    %dma_start3A_69 = tpu.memref_slice %arg7[%dma_start3A_62, %dma_start3A_68] : memref<2x3200xi32, #tpu.memory_space<vmem>> -> memref<1x3200xi32, #tpu.memory_space<vmem>>
    %dma_start3A_70 = tpu.memref_squeeze %dma_start3A_69 : memref<1x3200xi32, #tpu.memory_space<vmem>> -> memref<3200xi32, #tpu.memory_space<vmem>>
    %dma_start3A_71 = arith.constant 0 : i32
    %dma_start3A_72 = tpu.memref_slice %arg4[%dma_start3A_71] : memref<1000000xf32, #tpu.memory_space<hbm>> -> memref<1000000xf32, #tpu.memory_space<hbm>>
    tpu.enqueue_indirect_dma source(%dma_start3A_72 : memref<1000000xf32, #tpu.memory_space<hbm>>) target(%dma_start3A_67 : memref<3200xf32, #tpu.memory_space<vmem>>) offsets(%dma_start3A_70 : memref<3200xi32, #tpu.memory_space<vmem>>) semaphore(%arg10 : memref<!tpu.dma_semaphore, #tpu.memory_space<semaphore_mem>>)
    %add3A_73 = arith.constant 0 : i32
    %add3A_74 = arith.addi %mul3A_2, %add3A_73 : i32
    %dma_wait3A = arith.constant 0 : i32
    %dma_wait3A_75 = arith.constant 0 : i32
    %dma_wait3A_76 = arith.constant 0 : i32
    %dma_wait3A_77 = arith.constant 0 : i32
    %dma_wait3A_78 = tpu.memref_slice %arg8[%dma_wait3A_75, %dma_wait3A_76, %dma_wait3A_77] : memref<2x3x3200xf32, #tpu.memory_space<vmem>> -> memref<1x1x3200xf32, #tpu.memory_space<vmem>>
    %dma_wait3A_79 = tpu.memref_squeeze %dma_wait3A_78 : memref<1x1x3200xf32, #tpu.memory_space<vmem>> -> memref<3200xf32, #tpu.memory_space<vmem>>
    %dma_wait3A_80 = arith.constant 0 : i32
    %dma_wait3A_81 = tpu.memref_slice %arg7[%dma_wait3A, %dma_wait3A_80] : memref<2x3200xi32, #tpu.memory_space<vmem>> -> memref<1x3200xi32, #tpu.memory_space<vmem>>
    %dma_wait3A_82 = tpu.memref_squeeze %dma_wait3A_81 : memref<1x3200xi32, #tpu.memory_space<vmem>> -> memref<3200xi32, #tpu.memory_space<vmem>>
    %dma_wait3A_83 = arith.constant 0 : i32
    %dma_wait3A_84 = tpu.memref_slice %arg2[%dma_wait3A_83] : memref<1000000xf32, #tpu.memory_space<hbm>> -> memref<1000000xf32, #tpu.memory_space<hbm>>
    tpu.wait_indirect_dma semaphore(%arg9 : memref<!tpu.dma_semaphore, #tpu.memory_space<semaphore_mem>>) src(%dma_wait3A_84 : memref<1000000xf32, #tpu.memory_space<hbm>>) dst(%dma_wait3A_79 : memref<3200xf32, #tpu.memory_space<vmem>>)
    %dma_wait3A_85 = arith.constant 0 : i32
    %dma_wait3A_86 = arith.constant 0 : i32
    %dma_wait3A_87 = arith.constant 1 : i32
    %dma_wait3A_88 = arith.constant 0 : i32
    %dma_wait3A_89 = tpu.memref_slice %arg8[%dma_wait3A_86, %dma_wait3A_87, %dma_wait3A_88] : memref<2x3x3200xf32, #tpu.memory_space<vmem>> -> memref<1x1x3200xf32, #tpu.memory_space<vmem>>
    %dma_wait3A_90 = tpu.memref_squeeze %dma_wait3A_89 : memref<1x1x3200xf32, #tpu.memory_space<vmem>> -> memref<3200xf32, #tpu.memory_space<vmem>>
    %dma_wait3A_91 = arith.constant 0 : i32
    %dma_wait3A_92 = tpu.memref_slice %arg7[%dma_wait3A_85, %dma_wait3A_91] : memref<2x3200xi32, #tpu.memory_space<vmem>> -> memref<1x3200xi32, #tpu.memory_space<vmem>>
    %dma_wait3A_93 = tpu.memref_squeeze %dma_wait3A_92 : memref<1x3200xi32, #tpu.memory_space<vmem>> -> memref<3200xi32, #tpu.memory_space<vmem>>
    %dma_wait3A_94 = arith.constant 0 : i32
    %dma_wait3A_95 = tpu.memref_slice %arg3[%dma_wait3A_94] : memref<1000000xf32, #tpu.memory_space<hbm>> -> memref<1000000xf32, #tpu.memory_space<hbm>>
    tpu.wait_indirect_dma semaphore(%arg9 : memref<!tpu.dma_semaphore, #tpu.memory_space<semaphore_mem>>) src(%dma_wait3A_95 : memref<1000000xf32, #tpu.memory_space<hbm>>) dst(%dma_wait3A_90 : memref<3200xf32, #tpu.memory_space<vmem>>)
    %dma_wait3A_96 = arith.constant 0 : i32
    %dma_wait3A_97 = arith.constant 0 : i32
    %dma_wait3A_98 = arith.constant 2 : i32
    %dma_wait3A_99 = arith.constant 0 : i32
    %dma_wait3A_100 = tpu.memref_slice %arg8[%dma_wait3A_97, %dma_wait3A_98, %dma_wait3A_99] : memref<2x3x3200xf32, #tpu.memory_space<vmem>> -> memref<1x1x3200xf32, #tpu.memory_space<vmem>>
    %dma_wait3A_101 = tpu.memref_squeeze %dma_wait3A_100 : memref<1x1x3200xf32, #tpu.memory_space<vmem>> -> memref<3200xf32, #tpu.memory_space<vmem>>
    %dma_wait3A_102 = arith.constant 0 : i32
    %dma_wait3A_103 = tpu.memref_slice %arg7[%dma_wait3A_96, %dma_wait3A_102] : memref<2x3200xi32, #tpu.memory_space<vmem>> -> memref<1x3200xi32, #tpu.memory_space<vmem>>
    %dma_wait3A_104 = tpu.memref_squeeze %dma_wait3A_103 : memref<1x3200xi32, #tpu.memory_space<vmem>> -> memref<3200xi32, #tpu.memory_space<vmem>>
    %dma_wait3A_105 = arith.constant 0 : i32
    %dma_wait3A_106 = tpu.memref_slice %arg4[%dma_wait3A_105] : memref<1000000xf32, #tpu.memory_space<hbm>> -> memref<1000000xf32, #tpu.memory_space<hbm>>
    tpu.wait_indirect_dma semaphore(%arg9 : memref<!tpu.dma_semaphore, #tpu.memory_space<semaphore_mem>>) src(%dma_wait3A_106 : memref<1000000xf32, #tpu.memory_space<hbm>>) dst(%dma_wait3A_101 : memref<3200xf32, #tpu.memory_space<vmem>>)
    %run_scoped3A_107 = arith.constant 0 : i32
    %run_scoped3A_108 = arith.constant 0 : i32
    %run_scoped3A_109 = arith.constant 0 : i32
    "tpu.region"() ({
      %run_scoped3A_640 = tpu.sem_alloc : memref<!tpu.dma_semaphore, #tpu.memory_space<semaphore_mem>>
      %dma_start3A_641 = arith.constant 0 : i32
      %dma_start3A_642 = tpu.memref_slice %arg8[%run_scoped3A_107, %run_scoped3A_108, %dma_start3A_641] : memref<2x3x3200xf32, #tpu.memory_space<vmem>> -> memref<1x1x3200xf32, #tpu.memory_space<vmem>>
      %dma_start3A_643 = tpu.memref_squeeze %dma_start3A_642 : memref<1x1x3200xf32, #tpu.memory_space<vmem>> -> memref<3200xf32, #tpu.memory_space<vmem>>
      %dma_start3A_644 = tpu.memref_slice %arg6[%run_scoped3A_109, %add3A_74] : memref<3x819200xf32, #tpu.memory_space<hbm>> -> memref<1x3200xf32, #tpu.memory_space<hbm>>
      %dma_start3A_645 = tpu.memref_squeeze %dma_start3A_644 : memref<1x3200xf32, #tpu.memory_space<hbm>> -> memref<3200xf32, #tpu.memory_space<hbm>>
      %dma_start3A_646 = tpu.memref_slice %arg6[%run_scoped3A_109, %add3A_74] : memref<3x819200xf32, #tpu.memory_space<hbm>> -> memref<1x3200xf32, #tpu.memory_space<hbm>>
      %dma_start3A_647 = tpu.memref_squeeze %dma_start3A_646 : memref<1x3200xf32, #tpu.memory_space<hbm>> -> memref<3200xf32, #tpu.memory_space<hbm>>
      %dma_start3A_648 = arith.constant 0 : i32
      %dma_start3A_649 = tpu.memref_slice %arg8[%run_scoped3A_107, %run_scoped3A_108, %dma_start3A_648] : memref<2x3x3200xf32, #tpu.memory_space<vmem>> -> memref<1x1x3200xf32, #tpu.memory_space<vmem>>
      %dma_start3A_650 = tpu.memref_squeeze %dma_start3A_649 : memref<1x1x3200xf32, #tpu.memory_space<vmem>> -> memref<3200xf32, #tpu.memory_space<vmem>>
      tpu.enqueue_dma source(%dma_start3A_650 : memref<3200xf32, #tpu.memory_space<vmem>>) target(%dma_start3A_647 : memref<3200xf32, #tpu.memory_space<hbm>>) target_semaphore(%run_scoped3A_640 : memref<!tpu.dma_semaphore, #tpu.memory_space<semaphore_mem>>)
      %dma_wait3A_651 = arith.constant 0 : i32
      %dma_wait3A_652 = tpu.memref_slice %arg8[%run_scoped3A_107, %run_scoped3A_108, %dma_wait3A_651] : memref<2x3x3200xf32, #tpu.memory_space<vmem>> -> memref<1x1x3200xf32, #tpu.memory_space<vmem>>
      %dma_wait3A_653 = tpu.memref_squeeze %dma_wait3A_652 : memref<1x1x3200xf32, #tpu.memory_space<vmem>> -> memref<3200xf32, #tpu.memory_space<vmem>>
      %dma_wait3A_654 = tpu.memref_slice %arg6[%run_scoped3A_109, %add3A_74] : memref<3x819200xf32, #tpu.memory_space<hbm>> -> memref<1x3200xf32, #tpu.memory_space<hbm>>
      %dma_wait3A_655 = tpu.memref_squeeze %dma_wait3A_654 : memref<1x3200xf32, #tpu.memory_space<hbm>> -> memref<3200xf32, #tpu.memory_space<hbm>>
      %dma_wait3A_656 = tpu.memref_slice %arg6[%run_scoped3A_109, %add3A_74] : memref<3x819200xf32, #tpu.memory_space<hbm>> -> memref<1x3200xf32, #tpu.memory_space<hbm>>
      %dma_wait3A_657 = tpu.memref_squeeze %dma_wait3A_656 : memref<1x3200xf32, #tpu.memory_space<hbm>> -> memref<3200xf32, #tpu.memory_space<hbm>>
      %dma_wait3A_658 = arith.constant 0 : i32
      %dma_wait3A_659 = tpu.memref_slice %arg8[%run_scoped3A_107, %run_scoped3A_108, %dma_wait3A_658] : memref<2x3x3200xf32, #tpu.memory_space<vmem>> -> memref<1x1x3200xf32, #tpu.memory_space<vmem>>
      %dma_wait3A_660 = tpu.memref_squeeze %dma_wait3A_659 : memref<1x1x3200xf32, #tpu.memory_space<vmem>> -> memref<3200xf32, #tpu.memory_space<vmem>>
      tpu.wait_dma2 semaphore(%run_scoped3A_640 : memref<!tpu.dma_semaphore, #tpu.memory_space<semaphore_mem>>) src(%dma_wait3A_660 : memref<3200xf32, #tpu.memory_space<vmem>>) dst(%dma_wait3A_657 : memref<3200xf32, #tpu.memory_space<hbm>>)
      tpu.yield
    }) : () -> ()
    %run_scoped3A_110 = arith.constant 0 : i32
    %run_scoped3A_111 = arith.constant 1 : i32
    %run_scoped3A_112 = arith.constant 1 : i32
    "tpu.region"() ({
      %run_scoped3A_640 = tpu.sem_alloc : memref<!tpu.dma_semaphore, #tpu.memory_space<semaphore_mem>>
      %dma_start3A_641 = arith.constant 0 : i32
      %dma_start3A_642 = tpu.memref_slice %arg8[%run_scoped3A_110, %run_scoped3A_111, %dma_start3A_641] : memref<2x3x3200xf32, #tpu.memory_space<vmem>> -> memref<1x1x3200xf32, #tpu.memory_space<vmem>>
      %dma_start3A_643 = tpu.memref_squeeze %dma_start3A_642 : memref<1x1x3200xf32, #tpu.memory_space<vmem>> -> memref<3200xf32, #tpu.memory_space<vmem>>
      %dma_start3A_644 = tpu.memref_slice %arg6[%run_scoped3A_112, %add3A_74] : memref<3x819200xf32, #tpu.memory_space<hbm>> -> memref<1x3200xf32, #tpu.memory_space<hbm>>
      %dma_start3A_645 = tpu.memref_squeeze %dma_start3A_644 : memref<1x3200xf32, #tpu.memory_space<hbm>> -> memref<3200xf32, #tpu.memory_space<hbm>>
      %dma_start3A_646 = tpu.memref_slice %arg6[%run_scoped3A_112, %add3A_74] : memref<3x819200xf32, #tpu.memory_space<hbm>> -> memref<1x3200xf32, #tpu.memory_space<hbm>>
      %dma_start3A_647 = tpu.memref_squeeze %dma_start3A_646 : memref<1x3200xf32, #tpu.memory_space<hbm>> -> memref<3200xf32, #tpu.memory_space<hbm>>
      %dma_start3A_648 = arith.constant 0 : i32
      %dma_start3A_649 = tpu.memref_slice %arg8[%run_scoped3A_110, %run_scoped3A_111, %dma_start3A_648] : memref<2x3x3200xf32, #tpu.memory_space<vmem>> -> memref<1x1x3200xf32, #tpu.memory_space<vmem>>
      %dma_start3A_650 = tpu.memref_squeeze %dma_start3A_649 : memref<1x1x3200xf32, #tpu.memory_space<vmem>> -> memref<3200xf32, #tpu.memory_space<vmem>>
      tpu.enqueue_dma source(%dma_start3A_650 : memref<3200xf32, #tpu.memory_space<vmem>>) target(%dma_start3A_647 : memref<3200xf32, #tpu.memory_space<hbm>>) target_semaphore(%run_scoped3A_640 : memref<!tpu.dma_semaphore, #tpu.memory_space<semaphore_mem>>)
      %dma_wait3A_651 = arith.constant 0 : i32
      %dma_wait3A_652 = tpu.memref_slice %arg8[%run_scoped3A_110, %run_scoped3A_111, %dma_wait3A_651] : memref<2x3x3200xf32, #tpu.memory_space<vmem>> -> memref<1x1x3200xf32, #tpu.memory_space<vmem>>
      %dma_wait3A_653 = tpu.memref_squeeze %dma_wait3A_652 : memref<1x1x3200xf32, #tpu.memory_space<vmem>> -> memref<3200xf32, #tpu.memory_space<vmem>>
      %dma_wait3A_654 = tpu.memref_slice %arg6[%run_scoped3A_112, %add3A_74] : memref<3x819200xf32, #tpu.memory_space<hbm>> -> memref<1x3200xf32, #tpu.memory_space<hbm>>
      %dma_wait3A_655 = tpu.memref_squeeze %dma_wait3A_654 : memref<1x3200xf32, #tpu.memory_space<hbm>> -> memref<3200xf32, #tpu.memory_space<hbm>>
      %dma_wait3A_656 = tpu.memref_slice %arg6[%run_scoped3A_112, %add3A_74] : memref<3x819200xf32, #tpu.memory_space<hbm>> -> memref<1x3200xf32, #tpu.memory_space<hbm>>
      %dma_wait3A_657 = tpu.memref_squeeze %dma_wait3A_656 : memref<1x3200xf32, #tpu.memory_space<hbm>> -> memref<3200xf32, #tpu.memory_space<hbm>>
      %dma_wait3A_658 = arith.constant 0 : i32
      %dma_wait3A_659 = tpu.memref_slice %arg8[%run_scoped3A_110, %run_scoped3A_111, %dma_wait3A_658] : memref<2x3x3200xf32, #tpu.memory_space<vmem>> -> memref<1x1x3200xf32, #tpu.memory_space<vmem>>
      %dma_wait3A_660 = tpu.memref_squeeze %dma_wait3A_659 : memref<1x1x3200xf32, #tpu.memory_space<vmem>> -> memref<3200xf32, #tpu.memory_space<vmem>>
      tpu.wait_dma2 semaphore(%run_scoped3A_640 : memref<!tpu.dma_semaphore, #tpu.memory_space<semaphore_mem>>) src(%dma_wait3A_660 : memref<3200xf32, #tpu.memory_space<vmem>>) dst(%dma_wait3A_657 : memref<3200xf32, #tpu.memory_space<hbm>>)
      tpu.yield
    }) : () -> ()
    %run_scoped3A_113 = arith.constant 0 : i32
    %run_scoped3A_114 = arith.constant 2 : i32
    %run_scoped3A_115 = arith.constant 2 : i32
    "tpu.region"() ({
      %run_scoped3A_640 = tpu.sem_alloc : memref<!tpu.dma_semaphore, #tpu.memory_space<semaphore_mem>>
      %dma_start3A_641 = arith.constant 0 : i32
      %dma_start3A_642 = tpu.memref_slice %arg8[%run_scoped3A_113, %run_scoped3A_114, %dma_start3A_641] : memref<2x3x3200xf32, #tpu.memory_space<vmem>> -> memref<1x1x3200xf32, #tpu.memory_space<vmem>>
      %dma_start3A_643 = tpu.memref_squeeze %dma_start3A_642 : memref<1x1x3200xf32, #tpu.memory_space<vmem>> -> memref<3200xf32, #tpu.memory_space<vmem>>
      %dma_start3A_644 = tpu.memref_slice %arg6[%run_scoped3A_115, %add3A_74] : memref<3x819200xf32, #tpu.memory_space<hbm>> -> memref<1x3200xf32, #tpu.memory_space<hbm>>
      %dma_start3A_645 = tpu.memref_squeeze %dma_start3A_644 : memref<1x3200xf32, #tpu.memory_space<hbm>> -> memref<3200xf32, #tpu.memory_space<hbm>>
      %dma_start3A_646 = tpu.memref_slice %arg6[%run_scoped3A_115, %add3A_74] : memref<3x819200xf32, #tpu.memory_space<hbm>> -> memref<1x3200xf32, #tpu.memory_space<hbm>>
      %dma_start3A_647 = tpu.memref_squeeze %dma_start3A_646 : memref<1x3200xf32, #tpu.memory_space<hbm>> -> memref<3200xf32, #tpu.memory_space<hbm>>
      %dma_start3A_648 = arith.constant 0 : i32
      %dma_start3A_649 = tpu.memref_slice %arg8[%run_scoped3A_113, %run_scoped3A_114, %dma_start3A_648] : memref<2x3x3200xf32, #tpu.memory_space<vmem>> -> memref<1x1x3200xf32, #tpu.memory_space<vmem>>
      %dma_start3A_650 = tpu.memref_squeeze %dma_start3A_649 : memref<1x1x3200xf32, #tpu.memory_space<vmem>> -> memref<3200xf32, #tpu.memory_space<vmem>>
      tpu.enqueue_dma source(%dma_start3A_650 : memref<3200xf32, #tpu.memory_space<vmem>>) target(%dma_start3A_647 : memref<3200xf32, #tpu.memory_space<hbm>>) target_semaphore(%run_scoped3A_640 : memref<!tpu.dma_semaphore, #tpu.memory_space<semaphore_mem>>)
      %dma_wait3A_651 = arith.constant 0 : i32
      %dma_wait3A_652 = tpu.memref_slice %arg8[%run_scoped3A_113, %run_scoped3A_114, %dma_wait3A_651] : memref<2x3x3200xf32, #tpu.memory_space<vmem>> -> memref<1x1x3200xf32, #tpu.memory_space<vmem>>
      %dma_wait3A_653 = tpu.memref_squeeze %dma_wait3A_652 : memref<1x1x3200xf32, #tpu.memory_space<vmem>> -> memref<3200xf32, #tpu.memory_space<vmem>>
      %dma_wait3A_654 = tpu.memref_slice %arg6[%run_scoped3A_115, %add3A_74] : memref<3x819200xf32, #tpu.memory_space<hbm>> -> memref<1x3200xf32, #tpu.memory_space<hbm>>
      %dma_wait3A_655 = tpu.memref_squeeze %dma_wait3A_654 : memref<1x3200xf32, #tpu.memory_space<hbm>> -> memref<3200xf32, #tpu.memory_space<hbm>>
      %dma_wait3A_656 = tpu.memref_slice %arg6[%run_scoped3A_115, %add3A_74] : memref<3x819200xf32, #tpu.memory_space<hbm>> -> memref<1x3200xf32, #tpu.memory_space<hbm>>
      %dma_wait3A_657 = tpu.memref_squeeze %dma_wait3A_656 : memref<1x3200xf32, #tpu.memory_space<hbm>> -> memref<3200xf32, #tpu.memory_space<hbm>>
      %dma_wait3A_658 = arith.constant 0 : i32
      %dma_wait3A_659 = tpu.memref_slice %arg8[%run_scoped3A_113, %run_scoped3A_114, %dma_wait3A_658] : memref<2x3x3200xf32, #tpu.memory_space<vmem>> -> memref<1x1x3200xf32, #tpu.memory_space<vmem>>
      %dma_wait3A_660 = tpu.memref_squeeze %dma_wait3A_659 : memref<1x1x3200xf32, #tpu.memory_space<vmem>> -> memref<3200xf32, #tpu.memory_space<vmem>>
      tpu.wait_dma2 semaphore(%run_scoped3A_640 : memref<!tpu.dma_semaphore, #tpu.memory_space<semaphore_mem>>) src(%dma_wait3A_660 : memref<3200xf32, #tpu.memory_space<vmem>>) dst(%dma_wait3A_657 : memref<3200xf32, #tpu.memory_space<hbm>>)
      tpu.yield
    }) : () -> ()
    %add3A_116 = arith.constant 6400 : i32
    %add3A_117 = arith.addi %mul3A_2, %add3A_116 : i32
    %run_scoped3A_118 = arith.constant 0 : i32
    "tpu.region"() ({
      %run_scoped3A_640 = tpu.sem_alloc : memref<!tpu.dma_semaphore, #tpu.memory_space<semaphore_mem>>
      %dma_start3A_641 = arith.constant 0 : i32
      %dma_start3A_642 = tpu.memref_slice %arg7[%run_scoped3A_118, %dma_start3A_641] : memref<2x3200xi32, #tpu.memory_space<vmem>> -> memref<1x3200xi32, #tpu.memory_space<vmem>>
      %dma_start3A_643 = tpu.memref_squeeze %dma_start3A_642 : memref<1x3200xi32, #tpu.memory_space<vmem>> -> memref<3200xi32, #tpu.memory_space<vmem>>
      %dma_start3A_644 = tpu.memref_slice %arg5[%add3A_117] : memref<819200xi32, #tpu.memory_space<hbm>> -> memref<3200xi32, #tpu.memory_space<hbm>>
      %dma_start3A_645 = arith.constant 0 : i32
      %dma_start3A_646 = tpu.memref_slice %arg7[%run_scoped3A_118, %dma_start3A_645] : memref<2x3200xi32, #tpu.memory_space<vmem>> -> memref<1x3200xi32, #tpu.memory_space<vmem>>
      %dma_start3A_647 = tpu.memref_squeeze %dma_start3A_646 : memref<1x3200xi32, #tpu.memory_space<vmem>> -> memref<3200xi32, #tpu.memory_space<vmem>>
      %dma_start3A_648 = tpu.memref_slice %arg5[%add3A_117] : memref<819200xi32, #tpu.memory_space<hbm>> -> memref<3200xi32, #tpu.memory_space<hbm>>
      tpu.enqueue_dma source(%dma_start3A_648 : memref<3200xi32, #tpu.memory_space<hbm>>) target(%dma_start3A_647 : memref<3200xi32, #tpu.memory_space<vmem>>) target_semaphore(%run_scoped3A_640 : memref<!tpu.dma_semaphore, #tpu.memory_space<semaphore_mem>>)
      %dma_wait3A_649 = arith.constant 0 : i32
      %dma_wait3A_650 = tpu.memref_slice %arg7[%run_scoped3A_118, %dma_wait3A_649] : memref<2x3200xi32, #tpu.memory_space<vmem>> -> memref<1x3200xi32, #tpu.memory_space<vmem>>
      %dma_wait3A_651 = tpu.memref_squeeze %dma_wait3A_650 : memref<1x3200xi32, #tpu.memory_space<vmem>> -> memref<3200xi32, #tpu.memory_space<vmem>>
      %dma_wait3A_652 = tpu.memref_slice %arg5[%add3A_117] : memref<819200xi32, #tpu.memory_space<hbm>> -> memref<3200xi32, #tpu.memory_space<hbm>>
      %dma_wait3A_653 = arith.constant 0 : i32
      %dma_wait3A_654 = tpu.memref_slice %arg7[%run_scoped3A_118, %dma_wait3A_653] : memref<2x3200xi32, #tpu.memory_space<vmem>> -> memref<1x3200xi32, #tpu.memory_space<vmem>>
      %dma_wait3A_655 = tpu.memref_squeeze %dma_wait3A_654 : memref<1x3200xi32, #tpu.memory_space<vmem>> -> memref<3200xi32, #tpu.memory_space<vmem>>
      %dma_wait3A_656 = tpu.memref_slice %arg5[%add3A_117] : memref<819200xi32, #tpu.memory_space<hbm>> -> memref<3200xi32, #tpu.memory_space<hbm>>
      tpu.wait_dma2 semaphore(%run_scoped3A_640 : memref<!tpu.dma_semaphore, #tpu.memory_space<semaphore_mem>>) src(%dma_wait3A_656 : memref<3200xi32, #tpu.memory_space<hbm>>) dst(%dma_wait3A_655 : memref<3200xi32, #tpu.memory_space<vmem>>)
      tpu.yield
    }) : () -> ()
    %dma_start3A_119 = arith.constant 0 : i32
    %dma_start3A_120 = arith.constant 0 : i32
    %dma_start3A_121 = arith.constant 0 : i32
    %dma_start3A_122 = arith.constant 0 : i32
    %dma_start3A_123 = tpu.memref_slice %arg8[%dma_start3A_120, %dma_start3A_121, %dma_start3A_122] : memref<2x3x3200xf32, #tpu.memory_space<vmem>> -> memref<1x1x3200xf32, #tpu.memory_space<vmem>>
    %dma_start3A_124 = tpu.memref_squeeze %dma_start3A_123 : memref<1x1x3200xf32, #tpu.memory_space<vmem>> -> memref<3200xf32, #tpu.memory_space<vmem>>
    %dma_start3A_125 = arith.constant 0 : i32
    %dma_start3A_126 = tpu.memref_slice %arg7[%dma_start3A_119, %dma_start3A_125] : memref<2x3200xi32, #tpu.memory_space<vmem>> -> memref<1x3200xi32, #tpu.memory_space<vmem>>
    %dma_start3A_127 = tpu.memref_squeeze %dma_start3A_126 : memref<1x3200xi32, #tpu.memory_space<vmem>> -> memref<3200xi32, #tpu.memory_space<vmem>>
    %dma_start3A_128 = arith.constant 0 : i32
    %dma_start3A_129 = tpu.memref_slice %arg2[%dma_start3A_128] : memref<1000000xf32, #tpu.memory_space<hbm>> -> memref<1000000xf32, #tpu.memory_space<hbm>>
    tpu.enqueue_indirect_dma source(%dma_start3A_129 : memref<1000000xf32, #tpu.memory_space<hbm>>) target(%dma_start3A_124 : memref<3200xf32, #tpu.memory_space<vmem>>) offsets(%dma_start3A_127 : memref<3200xi32, #tpu.memory_space<vmem>>) semaphore(%arg9 : memref<!tpu.dma_semaphore, #tpu.memory_space<semaphore_mem>>)
    %dma_start3A_130 = arith.constant 0 : i32
    %dma_start3A_131 = arith.constant 0 : i32
    %dma_start3A_132 = arith.constant 1 : i32
    %dma_start3A_133 = arith.constant 0 : i32
    %dma_start3A_134 = tpu.memref_slice %arg8[%dma_start3A_131, %dma_start3A_132, %dma_start3A_133] : memref<2x3x3200xf32, #tpu.memory_space<vmem>> -> memref<1x1x3200xf32, #tpu.memory_space<vmem>>
    %dma_start3A_135 = tpu.memref_squeeze %dma_start3A_134 : memref<1x1x3200xf32, #tpu.memory_space<vmem>> -> memref<3200xf32, #tpu.memory_space<vmem>>
    %dma_start3A_136 = arith.constant 0 : i32
    %dma_start3A_137 = tpu.memref_slice %arg7[%dma_start3A_130, %dma_start3A_136] : memref<2x3200xi32, #tpu.memory_space<vmem>> -> memref<1x3200xi32, #tpu.memory_space<vmem>>
    %dma_start3A_138 = tpu.memref_squeeze %dma_start3A_137 : memref<1x3200xi32, #tpu.memory_space<vmem>> -> memref<3200xi32, #tpu.memory_space<vmem>>
    %dma_start3A_139 = arith.constant 0 : i32
    %dma_start3A_140 = tpu.memref_slice %arg3[%dma_start3A_139] : memref<1000000xf32, #tpu.memory_space<hbm>> -> memref<1000000xf32, #tpu.memory_space<hbm>>
    tpu.enqueue_indirect_dma source(%dma_start3A_140 : memref<1000000xf32, #tpu.memory_space<hbm>>) target(%dma_start3A_135 : memref<3200xf32, #tpu.memory_space<vmem>>) offsets(%dma_start3A_138 : memref<3200xi32, #tpu.memory_space<vmem>>) semaphore(%arg9 : memref<!tpu.dma_semaphore, #tpu.memory_space<semaphore_mem>>)
    %dma_start3A_141 = arith.constant 0 : i32
    %dma_start3A_142 = arith.constant 0 : i32
    %dma_start3A_143 = arith.constant 2 : i32
    %dma_start3A_144 = arith.constant 0 : i32
    %dma_start3A_145 = tpu.memref_slice %arg8[%dma_start3A_142, %dma_start3A_143, %dma_start3A_144] : memref<2x3x3200xf32, #tpu.memory_space<vmem>> -> memref<1x1x3200xf32, #tpu.memory_space<vmem>>
    %dma_start3A_146 = tpu.memref_squeeze %dma_start3A_145 : memref<1x1x3200xf32, #tpu.memory_space<vmem>> -> memref<3200xf32, #tpu.memory_space<vmem>>
    %dma_start3A_147 = arith.constant 0 : i32
    %dma_start3A_148 = tpu.memref_slice %arg7[%dma_start3A_141, %dma_start3A_147] : memref<2x3200xi32, #tpu.memory_space<vmem>> -> memref<1x3200xi32, #tpu.memory_space<vmem>>
    %dma_start3A_149 = tpu.memref_squeeze %dma_start3A_148 : memref<1x3200xi32, #tpu.memory_space<vmem>> -> memref<3200xi32, #tpu.memory_space<vmem>>
    %dma_start3A_150 = arith.constant 0 : i32
    %dma_start3A_151 = tpu.memref_slice %arg4[%dma_start3A_150] : memref<1000000xf32, #tpu.memory_space<hbm>> -> memref<1000000xf32, #tpu.memory_space<hbm>>
    tpu.enqueue_indirect_dma source(%dma_start3A_151 : memref<1000000xf32, #tpu.memory_space<hbm>>) target(%dma_start3A_146 : memref<3200xf32, #tpu.memory_space<vmem>>) offsets(%dma_start3A_149 : memref<3200xi32, #tpu.memory_space<vmem>>) semaphore(%arg9 : memref<!tpu.dma_semaphore, #tpu.memory_space<semaphore_mem>>)
    %add3A_152 = arith.constant 3200 : i32
    %add3A_153 = arith.addi %mul3A_2, %add3A_152 : i32
    %dma_wait3A_154 = arith.constant 1 : i32
    %dma_wait3A_155 = arith.constant 1 : i32
    %dma_wait3A_156 = arith.constant 0 : i32
    %dma_wait3A_157 = arith.constant 0 : i32
    %dma_wait3A_158 = tpu.memref_slice %arg8[%dma_wait3A_155, %dma_wait3A_156, %dma_wait3A_157] : memref<2x3x3200xf32, #tpu.memory_space<vmem>> -> memref<1x1x3200xf32, #tpu.memory_space<vmem>>
    %dma_wait3A_159 = tpu.memref_squeeze %dma_wait3A_158 : memref<1x1x3200xf32, #tpu.memory_space<vmem>> -> memref<3200xf32, #tpu.memory_space<vmem>>
    %dma_wait3A_160 = arith.constant 0 : i32
    %dma_wait3A_161 = tpu.memref_slice %arg7[%dma_wait3A_154, %dma_wait3A_160] : memref<2x3200xi32, #tpu.memory_space<vmem>> -> memref<1x3200xi32, #tpu.memory_space<vmem>>
    %dma_wait3A_162 = tpu.memref_squeeze %dma_wait3A_161 : memref<1x3200xi32, #tpu.memory_space<vmem>> -> memref<3200xi32, #tpu.memory_space<vmem>>
    %dma_wait3A_163 = arith.constant 0 : i32
    %dma_wait3A_164 = tpu.memref_slice %arg2[%dma_wait3A_163] : memref<1000000xf32, #tpu.memory_space<hbm>> -> memref<1000000xf32, #tpu.memory_space<hbm>>
    tpu.wait_indirect_dma semaphore(%arg10 : memref<!tpu.dma_semaphore, #tpu.memory_space<semaphore_mem>>) src(%dma_wait3A_164 : memref<1000000xf32, #tpu.memory_space<hbm>>) dst(%dma_wait3A_159 : memref<3200xf32, #tpu.memory_space<vmem>>)
    %dma_wait3A_165 = arith.constant 1 : i32
    %dma_wait3A_166 = arith.constant 1 : i32
    %dma_wait3A_167 = arith.constant 1 : i32
    %dma_wait3A_168 = arith.constant 0 : i32
    %dma_wait3A_169 = tpu.memref_slice %arg8[%dma_wait3A_166, %dma_wait3A_167, %dma_wait3A_168] : memref<2x3x3200xf32, #tpu.memory_space<vmem>> -> memref<1x1x3200xf32, #tpu.memory_space<vmem>>
    %dma_wait3A_170 = tpu.memref_squeeze %dma_wait3A_169 : memref<1x1x3200xf32, #tpu.memory_space<vmem>> -> memref<3200xf32, #tpu.memory_space<vmem>>
    %dma_wait3A_171 = arith.constant 0 : i32
    %dma_wait3A_172 = tpu.memref_slice %arg7[%dma_wait3A_165, %dma_wait3A_171] : memref<2x3200xi32, #tpu.memory_space<vmem>> -> memref<1x3200xi32, #tpu.memory_space<vmem>>
    %dma_wait3A_173 = tpu.memref_squeeze %dma_wait3A_172 : memref<1x3200xi32, #tpu.memory_space<vmem>> -> memref<3200xi32, #tpu.memory_space<vmem>>
    %dma_wait3A_174 = arith.constant 0 : i32
    %dma_wait3A_175 = tpu.memref_slice %arg3[%dma_wait3A_174] : memref<1000000xf32, #tpu.memory_space<hbm>> -> memref<1000000xf32, #tpu.memory_space<hbm>>
    tpu.wait_indirect_dma semaphore(%arg10 : memref<!tpu.dma_semaphore, #tpu.memory_space<semaphore_mem>>) src(%dma_wait3A_175 : memref<1000000xf32, #tpu.memory_space<hbm>>) dst(%dma_wait3A_170 : memref<3200xf32, #tpu.memory_space<vmem>>)
    %dma_wait3A_176 = arith.constant 1 : i32
    %dma_wait3A_177 = arith.constant 1 : i32
    %dma_wait3A_178 = arith.constant 2 : i32
    %dma_wait3A_179 = arith.constant 0 : i32
    %dma_wait3A_180 = tpu.memref_slice %arg8[%dma_wait3A_177, %dma_wait3A_178, %dma_wait3A_179] : memref<2x3x3200xf32, #tpu.memory_space<vmem>> -> memref<1x1x3200xf32, #tpu.memory_space<vmem>>
    %dma_wait3A_181 = tpu.memref_squeeze %dma_wait3A_180 : memref<1x1x3200xf32, #tpu.memory_space<vmem>> -> memref<3200xf32, #tpu.memory_space<vmem>>
    %dma_wait3A_182 = arith.constant 0 : i32
    %dma_wait3A_183 = tpu.memref_slice %arg7[%dma_wait3A_176, %dma_wait3A_182] : memref<2x3200xi32, #tpu.memory_space<vmem>> -> memref<1x3200xi32, #tpu.memory_space<vmem>>
    %dma_wait3A_184 = tpu.memref_squeeze %dma_wait3A_183 : memref<1x3200xi32, #tpu.memory_space<vmem>> -> memref<3200xi32, #tpu.memory_space<vmem>>
    %dma_wait3A_185 = arith.constant 0 : i32
    %dma_wait3A_186 = tpu.memref_slice %arg4[%dma_wait3A_185] : memref<1000000xf32, #tpu.memory_space<hbm>> -> memref<1000000xf32, #tpu.memory_space<hbm>>
    tpu.wait_indirect_dma semaphore(%arg10 : memref<!tpu.dma_semaphore, #tpu.memory_space<semaphore_mem>>) src(%dma_wait3A_186 : memref<1000000xf32, #tpu.memory_space<hbm>>) dst(%dma_wait3A_181 : memref<3200xf32, #tpu.memory_space<vmem>>)
    %run_scoped3A_187 = arith.constant 1 : i32
    %run_scoped3A_188 = arith.constant 0 : i32
    %run_scoped3A_189 = arith.constant 0 : i32
    "tpu.region"() ({
      %run_scoped3A_640 = tpu.sem_alloc : memref<!tpu.dma_semaphore, #tpu.memory_space<semaphore_mem>>
      %dma_start3A_641 = arith.constant 0 : i32
      %dma_start3A_642 = tpu.memref_slice %arg8[%run_scoped3A_187, %run_scoped3A_188, %dma_start3A_641] : memref<2x3x3200xf32, #tpu.memory_space<vmem>> -> memref<1x1x3200xf32, #tpu.memory_space<vmem>>
      %dma_start3A_643 = tpu.memref_squeeze %dma_start3A_642 : memref<1x1x3200xf32, #tpu.memory_space<vmem>> -> memref<3200xf32, #tpu.memory_space<vmem>>
      %dma_start3A_644 = tpu.memref_slice %arg6[%run_scoped3A_189, %add3A_153] : memref<3x819200xf32, #tpu.memory_space<hbm>> -> memref<1x3200xf32, #tpu.memory_space<hbm>>
      %dma_start3A_645 = tpu.memref_squeeze %dma_start3A_644 : memref<1x3200xf32, #tpu.memory_space<hbm>> -> memref<3200xf32, #tpu.memory_space<hbm>>
      %dma_start3A_646 = tpu.memref_slice %arg6[%run_scoped3A_189, %add3A_153] : memref<3x819200xf32, #tpu.memory_space<hbm>> -> memref<1x3200xf32, #tpu.memory_space<hbm>>
      %dma_start3A_647 = tpu.memref_squeeze %dma_start3A_646 : memref<1x3200xf32, #tpu.memory_space<hbm>> -> memref<3200xf32, #tpu.memory_space<hbm>>
      %dma_start3A_648 = arith.constant 0 : i32
      %dma_start3A_649 = tpu.memref_slice %arg8[%run_scoped3A_187, %run_scoped3A_188, %dma_start3A_648] : memref<2x3x3200xf32, #tpu.memory_space<vmem>> -> memref<1x1x3200xf32, #tpu.memory_space<vmem>>
      %dma_start3A_650 = tpu.memref_squeeze %dma_start3A_649 : memref<1x1x3200xf32, #tpu.memory_space<vmem>> -> memref<3200xf32, #tpu.memory_space<vmem>>
      tpu.enqueue_dma source(%dma_start3A_650 : memref<3200xf32, #tpu.memory_space<vmem>>) target(%dma_start3A_647 : memref<3200xf32, #tpu.memory_space<hbm>>) target_semaphore(%run_scoped3A_640 : memref<!tpu.dma_semaphore, #tpu.memory_space<semaphore_mem>>)
      %dma_wait3A_651 = arith.constant 0 : i32
      %dma_wait3A_652 = tpu.memref_slice %arg8[%run_scoped3A_187, %run_scoped3A_188, %dma_wait3A_651] : memref<2x3x3200xf32, #tpu.memory_space<vmem>> -> memref<1x1x3200xf32, #tpu.memory_space<vmem>>
      %dma_wait3A_653 = tpu.memref_squeeze %dma_wait3A_652 : memref<1x1x3200xf32, #tpu.memory_space<vmem>> -> memref<3200xf32, #tpu.memory_space<vmem>>
      %dma_wait3A_654 = tpu.memref_slice %arg6[%run_scoped3A_189, %add3A_153] : memref<3x819200xf32, #tpu.memory_space<hbm>> -> memref<1x3200xf32, #tpu.memory_space<hbm>>
      %dma_wait3A_655 = tpu.memref_squeeze %dma_wait3A_654 : memref<1x3200xf32, #tpu.memory_space<hbm>> -> memref<3200xf32, #tpu.memory_space<hbm>>
      %dma_wait3A_656 = tpu.memref_slice %arg6[%run_scoped3A_189, %add3A_153] : memref<3x819200xf32, #tpu.memory_space<hbm>> -> memref<1x3200xf32, #tpu.memory_space<hbm>>
      %dma_wait3A_657 = tpu.memref_squeeze %dma_wait3A_656 : memref<1x3200xf32, #tpu.memory_space<hbm>> -> memref<3200xf32, #tpu.memory_space<hbm>>
      %dma_wait3A_658 = arith.constant 0 : i32
      %dma_wait3A_659 = tpu.memref_slice %arg8[%run_scoped3A_187, %run_scoped3A_188, %dma_wait3A_658] : memref<2x3x3200xf32, #tpu.memory_space<vmem>> -> memref<1x1x3200xf32, #tpu.memory_space<vmem>>
      %dma_wait3A_660 = tpu.memref_squeeze %dma_wait3A_659 : memref<1x1x3200xf32, #tpu.memory_space<vmem>> -> memref<3200xf32, #tpu.memory_space<vmem>>
      tpu.wait_dma2 semaphore(%run_scoped3A_640 : memref<!tpu.dma_semaphore, #tpu.memory_space<semaphore_mem>>) src(%dma_wait3A_660 : memref<3200xf32, #tpu.memory_space<vmem>>) dst(%dma_wait3A_657 : memref<3200xf32, #tpu.memory_space<hbm>>)
      tpu.yield
    }) : () -> ()
    %run_scoped3A_190 = arith.constant 1 : i32
    %run_scoped3A_191 = arith.constant 1 : i32
    %run_scoped3A_192 = arith.constant 1 : i32
    "tpu.region"() ({
      %run_scoped3A_640 = tpu.sem_alloc : memref<!tpu.dma_semaphore, #tpu.memory_space<semaphore_mem>>
      %dma_start3A_641 = arith.constant 0 : i32
      %dma_start3A_642 = tpu.memref_slice %arg8[%run_scoped3A_190, %run_scoped3A_191, %dma_start3A_641] : memref<2x3x3200xf32, #tpu.memory_space<vmem>> -> memref<1x1x3200xf32, #tpu.memory_space<vmem>>
      %dma_start3A_643 = tpu.memref_squeeze %dma_start3A_642 : memref<1x1x3200xf32, #tpu.memory_space<vmem>> -> memref<3200xf32, #tpu.memory_space<vmem>>
      %dma_start3A_644 = tpu.memref_slice %arg6[%run_scoped3A_192, %add3A_153] : memref<3x819200xf32, #tpu.memory_space<hbm>> -> memref<1x3200xf32, #tpu.memory_space<hbm>>
      %dma_start3A_645 = tpu.memref_squeeze %dma_start3A_644 : memref<1x3200xf32, #tpu.memory_space<hbm>> -> memref<3200xf32, #tpu.memory_space<hbm>>
      %dma_start3A_646 = tpu.memref_slice %arg6[%run_scoped3A_192, %add3A_153] : memref<3x819200xf32, #tpu.memory_space<hbm>> -> memref<1x3200xf32, #tpu.memory_space<hbm>>
      %dma_start3A_647 = tpu.memref_squeeze %dma_start3A_646 : memref<1x3200xf32, #tpu.memory_space<hbm>> -> memref<3200xf32, #tpu.memory_space<hbm>>
      %dma_start3A_648 = arith.constant 0 : i32
      %dma_start3A_649 = tpu.memref_slice %arg8[%run_scoped3A_190, %run_scoped3A_191, %dma_start3A_648] : memref<2x3x3200xf32, #tpu.memory_space<vmem>> -> memref<1x1x3200xf32, #tpu.memory_space<vmem>>
      %dma_start3A_650 = tpu.memref_squeeze %dma_start3A_649 : memref<1x1x3200xf32, #tpu.memory_space<vmem>> -> memref<3200xf32, #tpu.memory_space<vmem>>
      tpu.enqueue_dma source(%dma_start3A_650 : memref<3200xf32, #tpu.memory_space<vmem>>) target(%dma_start3A_647 : memref<3200xf32, #tpu.memory_space<hbm>>) target_semaphore(%run_scoped3A_640 : memref<!tpu.dma_semaphore, #tpu.memory_space<semaphore_mem>>)
      %dma_wait3A_651 = arith.constant 0 : i32
      %dma_wait3A_652 = tpu.memref_slice %arg8[%run_scoped3A_190, %run_scoped3A_191, %dma_wait3A_651] : memref<2x3x3200xf32, #tpu.memory_space<vmem>> -> memref<1x1x3200xf32, #tpu.memory_space<vmem>>
      %dma_wait3A_653 = tpu.memref_squeeze %dma_wait3A_652 : memref<1x1x3200xf32, #tpu.memory_space<vmem>> -> memref<3200xf32, #tpu.memory_space<vmem>>
      %dma_wait3A_654 = tpu.memref_slice %arg6[%run_scoped3A_192, %add3A_153] : memref<3x819200xf32, #tpu.memory_space<hbm>> -> memref<1x3200xf32, #tpu.memory_space<hbm>>
      %dma_wait3A_655 = tpu.memref_squeeze %dma_wait3A_654 : memref<1x3200xf32, #tpu.memory_space<hbm>> -> memref<3200xf32, #tpu.memory_space<hbm>>
      %dma_wait3A_656 = tpu.memref_slice %arg6[%run_scoped3A_192, %add3A_153] : memref<3x819200xf32, #tpu.memory_space<hbm>> -> memref<1x3200xf32, #tpu.memory_space<hbm>>
      %dma_wait3A_657 = tpu.memref_squeeze %dma_wait3A_656 : memref<1x3200xf32, #tpu.memory_space<hbm>> -> memref<3200xf32, #tpu.memory_space<hbm>>
      %dma_wait3A_658 = arith.constant 0 : i32
      %dma_wait3A_659 = tpu.memref_slice %arg8[%run_scoped3A_190, %run_scoped3A_191, %dma_wait3A_658] : memref<2x3x3200xf32, #tpu.memory_space<vmem>> -> memref<1x1x3200xf32, #tpu.memory_space<vmem>>
      %dma_wait3A_660 = tpu.memref_squeeze %dma_wait3A_659 : memref<1x1x3200xf32, #tpu.memory_space<vmem>> -> memref<3200xf32, #tpu.memory_space<vmem>>
      tpu.wait_dma2 semaphore(%run_scoped3A_640 : memref<!tpu.dma_semaphore, #tpu.memory_space<semaphore_mem>>) src(%dma_wait3A_660 : memref<3200xf32, #tpu.memory_space<vmem>>) dst(%dma_wait3A_657 : memref<3200xf32, #tpu.memory_space<hbm>>)
      tpu.yield
    }) : () -> ()
    %run_scoped3A_193 = arith.constant 1 : i32
    %run_scoped3A_194 = arith.constant 2 : i32
    %run_scoped3A_195 = arith.constant 2 : i32
    "tpu.region"() ({
      %run_scoped3A_640 = tpu.sem_alloc : memref<!tpu.dma_semaphore, #tpu.memory_space<semaphore_mem>>
      %dma_start3A_641 = arith.constant 0 : i32
      %dma_start3A_642 = tpu.memref_slice %arg8[%run_scoped3A_193, %run_scoped3A_194, %dma_start3A_641] : memref<2x3x3200xf32, #tpu.memory_space<vmem>> -> memref<1x1x3200xf32, #tpu.memory_space<vmem>>
      %dma_start3A_643 = tpu.memref_squeeze %dma_start3A_642 : memref<1x1x3200xf32, #tpu.memory_space<vmem>> -> memref<3200xf32, #tpu.memory_space<vmem>>
      %dma_start3A_644 = tpu.memref_slice %arg6[%run_scoped3A_195, %add3A_153] : memref<3x819200xf32, #tpu.memory_space<hbm>> -> memref<1x3200xf32, #tpu.memory_space<hbm>>
      %dma_start3A_645 = tpu.memref_squeeze %dma_start3A_644 : memref<1x3200xf32, #tpu.memory_space<hbm>> -> memref<3200xf32, #tpu.memory_space<hbm>>
      %dma_start3A_646 = tpu.memref_slice %arg6[%run_scoped3A_195, %add3A_153] : memref<3x819200xf32, #tpu.memory_space<hbm>> -> memref<1x3200xf32, #tpu.memory_space<hbm>>
      %dma_start3A_647 = tpu.memref_squeeze %dma_start3A_646 : memref<1x3200xf32, #tpu.memory_space<hbm>> -> memref<3200xf32, #tpu.memory_space<hbm>>
      %dma_start3A_648 = arith.constant 0 : i32
      %dma_start3A_649 = tpu.memref_slice %arg8[%run_scoped3A_193, %run_scoped3A_194, %dma_start3A_648] : memref<2x3x3200xf32, #tpu.memory_space<vmem>> -> memref<1x1x3200xf32, #tpu.memory_space<vmem>>
      %dma_start3A_650 = tpu.memref_squeeze %dma_start3A_649 : memref<1x1x3200xf32, #tpu.memory_space<vmem>> -> memref<3200xf32, #tpu.memory_space<vmem>>
      tpu.enqueue_dma source(%dma_start3A_650 : memref<3200xf32, #tpu.memory_space<vmem>>) target(%dma_start3A_647 : memref<3200xf32, #tpu.memory_space<hbm>>) target_semaphore(%run_scoped3A_640 : memref<!tpu.dma_semaphore, #tpu.memory_space<semaphore_mem>>)
      %dma_wait3A_651 = arith.constant 0 : i32
      %dma_wait3A_652 = tpu.memref_slice %arg8[%run_scoped3A_193, %run_scoped3A_194, %dma_wait3A_651] : memref<2x3x3200xf32, #tpu.memory_space<vmem>> -> memref<1x1x3200xf32, #tpu.memory_space<vmem>>
      %dma_wait3A_653 = tpu.memref_squeeze %dma_wait3A_652 : memref<1x1x3200xf32, #tpu.memory_space<vmem>> -> memref<3200xf32, #tpu.memory_space<vmem>>
      %dma_wait3A_654 = tpu.memref_slice %arg6[%run_scoped3A_195, %add3A_153] : memref<3x819200xf32, #tpu.memory_space<hbm>> -> memref<1x3200xf32, #tpu.memory_space<hbm>>
      %dma_wait3A_655 = tpu.memref_squeeze %dma_wait3A_654 : memref<1x3200xf32, #tpu.memory_space<hbm>> -> memref<3200xf32, #tpu.memory_space<hbm>>
      %dma_wait3A_656 = tpu.memref_slice %arg6[%run_scoped3A_195, %add3A_153] : memref<3x819200xf32, #tpu.memory_space<hbm>> -> memref<1x3200xf32, #tpu.memory_space<hbm>>
      %dma_wait3A_657 = tpu.memref_squeeze %dma_wait3A_656 : memref<1x3200xf32, #tpu.memory_space<hbm>> -> memref<3200xf32, #tpu.memory_space<hbm>>
      %dma_wait3A_658 = arith.constant 0 : i32
      %dma_wait3A_659 = tpu.memref_slice %arg8[%run_scoped3A_193, %run_scoped3A_194, %dma_wait3A_658] : memref<2x3x3200xf32, #tpu.memory_space<vmem>> -> memref<1x1x3200xf32, #tpu.memory_space<vmem>>
      %dma_wait3A_660 = tpu.memref_squeeze %dma_wait3A_659 : memref<1x1x3200xf32, #tpu.memory_space<vmem>> -> memref<3200xf32, #tpu.memory_space<vmem>>
      tpu.wait_dma2 semaphore(%run_scoped3A_640 : memref<!tpu.dma_semaphore, #tpu.memory_space<semaphore_mem>>) src(%dma_wait3A_660 : memref<3200xf32, #tpu.memory_space<vmem>>) dst(%dma_wait3A_657 : memref<3200xf32, #tpu.memory_space<hbm>>)
      tpu.yield
    }) : () -> ()
    %add3A_196 = arith.constant 9600 : i32
    %add3A_197 = arith.addi %mul3A_2, %add3A_196 : i32
    %run_scoped3A_198 = arith.constant 1 : i32
    "tpu.region"() ({
      %run_scoped3A_640 = tpu.sem_alloc : memref<!tpu.dma_semaphore, #tpu.memory_space<semaphore_mem>>
      %dma_start3A_641 = arith.constant 0 : i32
      %dma_start3A_642 = tpu.memref_slice %arg7[%run_scoped3A_198, %dma_start3A_641] : memref<2x3200xi32, #tpu.memory_space<vmem>> -> memref<1x3200xi32, #tpu.memory_space<vmem>>
      %dma_start3A_643 = tpu.memref_squeeze %dma_start3A_642 : memref<1x3200xi32, #tpu.memory_space<vmem>> -> memref<3200xi32, #tpu.memory_space<vmem>>
      %dma_start3A_644 = tpu.memref_slice %arg5[%add3A_197] : memref<819200xi32, #tpu.memory_space<hbm>> -> memref<3200xi32, #tpu.memory_space<hbm>>
      %dma_start3A_645 = arith.constant 0 : i32
      %dma_start3A_646 = tpu.memref_slice %arg7[%run_scoped3A_198, %dma_start3A_645] : memref<2x3200xi32, #tpu.memory_space<vmem>> -> memref<1x3200xi32, #tpu.memory_space<vmem>>
      %dma_start3A_647 = tpu.memref_squeeze %dma_start3A_646 : memref<1x3200xi32, #tpu.memory_space<vmem>> -> memref<3200xi32, #tpu.memory_space<vmem>>
      %dma_start3A_648 = tpu.memref_slice %arg5[%add3A_197] : memref<819200xi32, #tpu.memory_space<hbm>> -> memref<3200xi32, #tpu.memory_space<hbm>>
      tpu.enqueue_dma source(%dma_start3A_648 : memref<3200xi32, #tpu.memory_space<hbm>>) target(%dma_start3A_647 : memref<3200xi32, #tpu.memory_space<vmem>>) target_semaphore(%run_scoped3A_640 : memref<!tpu.dma_semaphore, #tpu.memory_space<semaphore_mem>>)
      %dma_wait3A_649 = arith.constant 0 : i32
      %dma_wait3A_650 = tpu.memref_slice %arg7[%run_scoped3A_198, %dma_wait3A_649] : memref<2x3200xi32, #tpu.memory_space<vmem>> -> memref<1x3200xi32, #tpu.memory_space<vmem>>
      %dma_wait3A_651 = tpu.memref_squeeze %dma_wait3A_650 : memref<1x3200xi32, #tpu.memory_space<vmem>> -> memref<3200xi32, #tpu.memory_space<vmem>>
      %dma_wait3A_652 = tpu.memref_slice %arg5[%add3A_197] : memref<819200xi32, #tpu.memory_space<hbm>> -> memref<3200xi32, #tpu.memory_space<hbm>>
      %dma_wait3A_653 = arith.constant 0 : i32
      %dma_wait3A_654 = tpu.memref_slice %arg7[%run_scoped3A_198, %dma_wait3A_653] : memref<2x3200xi32, #tpu.memory_space<vmem>> -> memref<1x3200xi32, #tpu.memory_space<vmem>>
      %dma_wait3A_655 = tpu.memref_squeeze %dma_wait3A_654 : memref<1x3200xi32, #tpu.memory_space<vmem>> -> memref<3200xi32, #tpu.memory_space<vmem>>
      %dma_wait3A_656 = tpu.memref_slice %arg5[%add3A_197] : memref<819200xi32, #tpu.memory_space<hbm>> -> memref<3200xi32, #tpu.memory_space<hbm>>
      tpu.wait_dma2 semaphore(%run_scoped3A_640 : memref<!tpu.dma_semaphore, #tpu.memory_space<semaphore_mem>>) src(%dma_wait3A_656 : memref<3200xi32, #tpu.memory_space<hbm>>) dst(%dma_wait3A_655 : memref<3200xi32, #tpu.memory_space<vmem>>)
      tpu.yield
    }) : () -> ()
    %dma_start3A_199 = arith.constant 1 : i32
    %dma_start3A_200 = arith.constant 1 : i32
    %dma_start3A_201 = arith.constant 0 : i32
    %dma_start3A_202 = arith.constant 0 : i32
    %dma_start3A_203 = tpu.memref_slice %arg8[%dma_start3A_200, %dma_start3A_201, %dma_start3A_202] : memref<2x3x3200xf32, #tpu.memory_space<vmem>> -> memref<1x1x3200xf32, #tpu.memory_space<vmem>>
    %dma_start3A_204 = tpu.memref_squeeze %dma_start3A_203 : memref<1x1x3200xf32, #tpu.memory_space<vmem>> -> memref<3200xf32, #tpu.memory_space<vmem>>
    %dma_start3A_205 = arith.constant 0 : i32
    %dma_start3A_206 = tpu.memref_slice %arg7[%dma_start3A_199, %dma_start3A_205] : memref<2x3200xi32, #tpu.memory_space<vmem>> -> memref<1x3200xi32, #tpu.memory_space<vmem>>
    %dma_start3A_207 = tpu.memref_squeeze %dma_start3A_206 : memref<1x3200xi32, #tpu.memory_space<vmem>> -> memref<3200xi32, #tpu.memory_space<vmem>>
    %dma_start3A_208 = arith.constant 0 : i32
    %dma_start3A_209 = tpu.memref_slice %arg2[%dma_start3A_208] : memref<1000000xf32, #tpu.memory_space<hbm>> -> memref<1000000xf32, #tpu.memory_space<hbm>>
    tpu.enqueue_indirect_dma source(%dma_start3A_209 : memref<1000000xf32, #tpu.memory_space<hbm>>) target(%dma_start3A_204 : memref<3200xf32, #tpu.memory_space<vmem>>) offsets(%dma_start3A_207 : memref<3200xi32, #tpu.memory_space<vmem>>) semaphore(%arg10 : memref<!tpu.dma_semaphore, #tpu.memory_space<semaphore_mem>>)
    %dma_start3A_210 = arith.constant 1 : i32
    %dma_start3A_211 = arith.constant 1 : i32
    %dma_start3A_212 = arith.constant 1 : i32
    %dma_start3A_213 = arith.constant 0 : i32
    %dma_start3A_214 = tpu.memref_slice %arg8[%dma_start3A_211, %dma_start3A_212, %dma_start3A_213] : memref<2x3x3200xf32, #tpu.memory_space<vmem>> -> memref<1x1x3200xf32, #tpu.memory_space<vmem>>
    %dma_start3A_215 = tpu.memref_squeeze %dma_start3A_214 : memref<1x1x3200xf32, #tpu.memory_space<vmem>> -> memref<3200xf32, #tpu.memory_space<vmem>>
    %dma_start3A_216 = arith.constant 0 : i32
    %dma_start3A_217 = tpu.memref_slice %arg7[%dma_start3A_210, %dma_start3A_216] : memref<2x3200xi32, #tpu.memory_space<vmem>> -> memref<1x3200xi32, #tpu.memory_space<vmem>>
    %dma_start3A_218 = tpu.memref_squeeze %dma_start3A_217 : memref<1x3200xi32, #tpu.memory_space<vmem>> -> memref<3200xi32, #tpu.memory_space<vmem>>
    %dma_start3A_219 = arith.constant 0 : i32
    %dma_start3A_220 = tpu.memref_slice %arg3[%dma_start3A_219] : memref<1000000xf32, #tpu.memory_space<hbm>> -> memref<1000000xf32, #tpu.memory_space<hbm>>
    tpu.enqueue_indirect_dma source(%dma_start3A_220 : memref<1000000xf32, #tpu.memory_space<hbm>>) target(%dma_start3A_215 : memref<3200xf32, #tpu.memory_space<vmem>>) offsets(%dma_start3A_218 : memref<3200xi32, #tpu.memory_space<vmem>>) semaphore(%arg10 : memref<!tpu.dma_semaphore, #tpu.memory_space<semaphore_mem>>)
    %dma_start3A_221 = arith.constant 1 : i32
    %dma_start3A_222 = arith.constant 1 : i32
    %dma_start3A_223 = arith.constant 2 : i32
    %dma_start3A_224 = arith.constant 0 : i32
    %dma_start3A_225 = tpu.memref_slice %arg8[%dma_start3A_222, %dma_start3A_223, %dma_start3A_224] : memref<2x3x3200xf32, #tpu.memory_space<vmem>> -> memref<1x1x3200xf32, #tpu.memory_space<vmem>>
    %dma_start3A_226 = tpu.memref_squeeze %dma_start3A_225 : memref<1x1x3200xf32, #tpu.memory_space<vmem>> -> memref<3200xf32, #tpu.memory_space<vmem>>
    %dma_start3A_227 = arith.constant 0 : i32
    %dma_start3A_228 = tpu.memref_slice %arg7[%dma_start3A_221, %dma_start3A_227] : memref<2x3200xi32, #tpu.memory_space<vmem>> -> memref<1x3200xi32, #tpu.memory_space<vmem>>
    %dma_start3A_229 = tpu.memref_squeeze %dma_start3A_228 : memref<1x3200xi32, #tpu.memory_space<vmem>> -> memref<3200xi32, #tpu.memory_space<vmem>>
    %dma_start3A_230 = arith.constant 0 : i32
    %dma_start3A_231 = tpu.memref_slice %arg4[%dma_start3A_230] : memref<1000000xf32, #tpu.memory_space<hbm>> -> memref<1000000xf32, #tpu.memory_space<hbm>>
    tpu.enqueue_indirect_dma source(%dma_start3A_231 : memref<1000000xf32, #tpu.memory_space<hbm>>) target(%dma_start3A_226 : memref<3200xf32, #tpu.memory_space<vmem>>) offsets(%dma_start3A_229 : memref<3200xi32, #tpu.memory_space<vmem>>) semaphore(%arg10 : memref<!tpu.dma_semaphore, #tpu.memory_space<semaphore_mem>>)
    %add3A_232 = arith.constant 6400 : i32
    %add3A_233 = arith.addi %mul3A_2, %add3A_232 : i32
    %dma_wait3A_234 = arith.constant 0 : i32
    %dma_wait3A_235 = arith.constant 0 : i32
    %dma_wait3A_236 = arith.constant 0 : i32
    %dma_wait3A_237 = arith.constant 0 : i32
    %dma_wait3A_238 = tpu.memref_slice %arg8[%dma_wait3A_235, %dma_wait3A_236, %dma_wait3A_237] : memref<2x3x3200xf32, #tpu.memory_space<vmem>> -> memref<1x1x3200xf32, #tpu.memory_space<vmem>>
    %dma_wait3A_239 = tpu.memref_squeeze %dma_wait3A_238 : memref<1x1x3200xf32, #tpu.memory_space<vmem>> -> memref<3200xf32, #tpu.memory_space<vmem>>
    %dma_wait3A_240 = arith.constant 0 : i32
    %dma_wait3A_241 = tpu.memref_slice %arg7[%dma_wait3A_234, %dma_wait3A_240] : memref<2x3200xi32, #tpu.memory_space<vmem>> -> memref<1x3200xi32, #tpu.memory_space<vmem>>
    %dma_wait3A_242 = tpu.memref_squeeze %dma_wait3A_241 : memref<1x3200xi32, #tpu.memory_space<vmem>> -> memref<3200xi32, #tpu.memory_space<vmem>>
    %dma_wait3A_243 = arith.constant 0 : i32
    %dma_wait3A_244 = tpu.memref_slice %arg2[%dma_wait3A_243] : memref<1000000xf32, #tpu.memory_space<hbm>> -> memref<1000000xf32, #tpu.memory_space<hbm>>
    tpu.wait_indirect_dma semaphore(%arg9 : memref<!tpu.dma_semaphore, #tpu.memory_space<semaphore_mem>>) src(%dma_wait3A_244 : memref<1000000xf32, #tpu.memory_space<hbm>>) dst(%dma_wait3A_239 : memref<3200xf32, #tpu.memory_space<vmem>>)
    %dma_wait3A_245 = arith.constant 0 : i32
    %dma_wait3A_246 = arith.constant 0 : i32
    %dma_wait3A_247 = arith.constant 1 : i32
    %dma_wait3A_248 = arith.constant 0 : i32
    %dma_wait3A_249 = tpu.memref_slice %arg8[%dma_wait3A_246, %dma_wait3A_247, %dma_wait3A_248] : memref<2x3x3200xf32, #tpu.memory_space<vmem>> -> memref<1x1x3200xf32, #tpu.memory_space<vmem>>
    %dma_wait3A_250 = tpu.memref_squeeze %dma_wait3A_249 : memref<1x1x3200xf32, #tpu.memory_space<vmem>> -> memref<3200xf32, #tpu.memory_space<vmem>>
    %dma_wait3A_251 = arith.constant 0 : i32
    %dma_wait3A_252 = tpu.memref_slice %arg7[%dma_wait3A_245, %dma_wait3A_251] : memref<2x3200xi32, #tpu.memory_space<vmem>> -> memref<1x3200xi32, #tpu.memory_space<vmem>>
    %dma_wait3A_253 = tpu.memref_squeeze %dma_wait3A_252 : memref<1x3200xi32, #tpu.memory_space<vmem>> -> memref<3200xi32, #tpu.memory_space<vmem>>
    %dma_wait3A_254 = arith.constant 0 : i32
    %dma_wait3A_255 = tpu.memref_slice %arg3[%dma_wait3A_254] : memref<1000000xf32, #tpu.memory_space<hbm>> -> memref<1000000xf32, #tpu.memory_space<hbm>>
    tpu.wait_indirect_dma semaphore(%arg9 : memref<!tpu.dma_semaphore, #tpu.memory_space<semaphore_mem>>) src(%dma_wait3A_255 : memref<1000000xf32, #tpu.memory_space<hbm>>) dst(%dma_wait3A_250 : memref<3200xf32, #tpu.memory_space<vmem>>)
    %dma_wait3A_256 = arith.constant 0 : i32
    %dma_wait3A_257 = arith.constant 0 : i32
    %dma_wait3A_258 = arith.constant 2 : i32
    %dma_wait3A_259 = arith.constant 0 : i32
    %dma_wait3A_260 = tpu.memref_slice %arg8[%dma_wait3A_257, %dma_wait3A_258, %dma_wait3A_259] : memref<2x3x3200xf32, #tpu.memory_space<vmem>> -> memref<1x1x3200xf32, #tpu.memory_space<vmem>>
    %dma_wait3A_261 = tpu.memref_squeeze %dma_wait3A_260 : memref<1x1x3200xf32, #tpu.memory_space<vmem>> -> memref<3200xf32, #tpu.memory_space<vmem>>
    %dma_wait3A_262 = arith.constant 0 : i32
    %dma_wait3A_263 = tpu.memref_slice %arg7[%dma_wait3A_256, %dma_wait3A_262] : memref<2x3200xi32, #tpu.memory_space<vmem>> -> memref<1x3200xi32, #tpu.memory_space<vmem>>
    %dma_wait3A_264 = tpu.memref_squeeze %dma_wait3A_263 : memref<1x3200xi32, #tpu.memory_space<vmem>> -> memref<3200xi32, #tpu.memory_space<vmem>>
    %dma_wait3A_265 = arith.constant 0 : i32
    %dma_wait3A_266 = tpu.memref_slice %arg4[%dma_wait3A_265] : memref<1000000xf32, #tpu.memory_space<hbm>> -> memref<1000000xf32, #tpu.memory_space<hbm>>
    tpu.wait_indirect_dma semaphore(%arg9 : memref<!tpu.dma_semaphore, #tpu.memory_space<semaphore_mem>>) src(%dma_wait3A_266 : memref<1000000xf32, #tpu.memory_space<hbm>>) dst(%dma_wait3A_261 : memref<3200xf32, #tpu.memory_space<vmem>>)
    %run_scoped3A_267 = arith.constant 0 : i32
    %run_scoped3A_268 = arith.constant 0 : i32
    %run_scoped3A_269 = arith.constant 0 : i32
    "tpu.region"() ({
      %run_scoped3A_640 = tpu.sem_alloc : memref<!tpu.dma_semaphore, #tpu.memory_space<semaphore_mem>>
      %dma_start3A_641 = arith.constant 0 : i32
      %dma_start3A_642 = tpu.memref_slice %arg8[%run_scoped3A_267, %run_scoped3A_268, %dma_start3A_641] : memref<2x3x3200xf32, #tpu.memory_space<vmem>> -> memref<1x1x3200xf32, #tpu.memory_space<vmem>>
      %dma_start3A_643 = tpu.memref_squeeze %dma_start3A_642 : memref<1x1x3200xf32, #tpu.memory_space<vmem>> -> memref<3200xf32, #tpu.memory_space<vmem>>
      %dma_start3A_644 = tpu.memref_slice %arg6[%run_scoped3A_269, %add3A_233] : memref<3x819200xf32, #tpu.memory_space<hbm>> -> memref<1x3200xf32, #tpu.memory_space<hbm>>
      %dma_start3A_645 = tpu.memref_squeeze %dma_start3A_644 : memref<1x3200xf32, #tpu.memory_space<hbm>> -> memref<3200xf32, #tpu.memory_space<hbm>>
      %dma_start3A_646 = tpu.memref_slice %arg6[%run_scoped3A_269, %add3A_233] : memref<3x819200xf32, #tpu.memory_space<hbm>> -> memref<1x3200xf32, #tpu.memory_space<hbm>>
      %dma_start3A_647 = tpu.memref_squeeze %dma_start3A_646 : memref<1x3200xf32, #tpu.memory_space<hbm>> -> memref<3200xf32, #tpu.memory_space<hbm>>
      %dma_start3A_648 = arith.constant 0 : i32
      %dma_start3A_649 = tpu.memref_slice %arg8[%run_scoped3A_267, %run_scoped3A_268, %dma_start3A_648] : memref<2x3x3200xf32, #tpu.memory_space<vmem>> -> memref<1x1x3200xf32, #tpu.memory_space<vmem>>
      %dma_start3A_650 = tpu.memref_squeeze %dma_start3A_649 : memref<1x1x3200xf32, #tpu.memory_space<vmem>> -> memref<3200xf32, #tpu.memory_space<vmem>>
      tpu.enqueue_dma source(%dma_start3A_650 : memref<3200xf32, #tpu.memory_space<vmem>>) target(%dma_start3A_647 : memref<3200xf32, #tpu.memory_space<hbm>>) target_semaphore(%run_scoped3A_640 : memref<!tpu.dma_semaphore, #tpu.memory_space<semaphore_mem>>)
      %dma_wait3A_651 = arith.constant 0 : i32
      %dma_wait3A_652 = tpu.memref_slice %arg8[%run_scoped3A_267, %run_scoped3A_268, %dma_wait3A_651] : memref<2x3x3200xf32, #tpu.memory_space<vmem>> -> memref<1x1x3200xf32, #tpu.memory_space<vmem>>
      %dma_wait3A_653 = tpu.memref_squeeze %dma_wait3A_652 : memref<1x1x3200xf32, #tpu.memory_space<vmem>> -> memref<3200xf32, #tpu.memory_space<vmem>>
      %dma_wait3A_654 = tpu.memref_slice %arg6[%run_scoped3A_269, %add3A_233] : memref<3x819200xf32, #tpu.memory_space<hbm>> -> memref<1x3200xf32, #tpu.memory_space<hbm>>
      %dma_wait3A_655 = tpu.memref_squeeze %dma_wait3A_654 : memref<1x3200xf32, #tpu.memory_space<hbm>> -> memref<3200xf32, #tpu.memory_space<hbm>>
      %dma_wait3A_656 = tpu.memref_slice %arg6[%run_scoped3A_269, %add3A_233] : memref<3x819200xf32, #tpu.memory_space<hbm>> -> memref<1x3200xf32, #tpu.memory_space<hbm>>
      %dma_wait3A_657 = tpu.memref_squeeze %dma_wait3A_656 : memref<1x3200xf32, #tpu.memory_space<hbm>> -> memref<3200xf32, #tpu.memory_space<hbm>>
      %dma_wait3A_658 = arith.constant 0 : i32
      %dma_wait3A_659 = tpu.memref_slice %arg8[%run_scoped3A_267, %run_scoped3A_268, %dma_wait3A_658] : memref<2x3x3200xf32, #tpu.memory_space<vmem>> -> memref<1x1x3200xf32, #tpu.memory_space<vmem>>
      %dma_wait3A_660 = tpu.memref_squeeze %dma_wait3A_659 : memref<1x1x3200xf32, #tpu.memory_space<vmem>> -> memref<3200xf32, #tpu.memory_space<vmem>>
      tpu.wait_dma2 semaphore(%run_scoped3A_640 : memref<!tpu.dma_semaphore, #tpu.memory_space<semaphore_mem>>) src(%dma_wait3A_660 : memref<3200xf32, #tpu.memory_space<vmem>>) dst(%dma_wait3A_657 : memref<3200xf32, #tpu.memory_space<hbm>>)
      tpu.yield
    }) : () -> ()
    %run_scoped3A_270 = arith.constant 0 : i32
    %run_scoped3A_271 = arith.constant 1 : i32
    %run_scoped3A_272 = arith.constant 1 : i32
    "tpu.region"() ({
      %run_scoped3A_640 = tpu.sem_alloc : memref<!tpu.dma_semaphore, #tpu.memory_space<semaphore_mem>>
      %dma_start3A_641 = arith.constant 0 : i32
      %dma_start3A_642 = tpu.memref_slice %arg8[%run_scoped3A_270, %run_scoped3A_271, %dma_start3A_641] : memref<2x3x3200xf32, #tpu.memory_space<vmem>> -> memref<1x1x3200xf32, #tpu.memory_space<vmem>>
      %dma_start3A_643 = tpu.memref_squeeze %dma_start3A_642 : memref<1x1x3200xf32, #tpu.memory_space<vmem>> -> memref<3200xf32, #tpu.memory_space<vmem>>
      %dma_start3A_644 = tpu.memref_slice %arg6[%run_scoped3A_272, %add3A_233] : memref<3x819200xf32, #tpu.memory_space<hbm>> -> memref<1x3200xf32, #tpu.memory_space<hbm>>
      %dma_start3A_645 = tpu.memref_squeeze %dma_start3A_644 : memref<1x3200xf32, #tpu.memory_space<hbm>> -> memref<3200xf32, #tpu.memory_space<hbm>>
      %dma_start3A_646 = tpu.memref_slice %arg6[%run_scoped3A_272, %add3A_233] : memref<3x819200xf32, #tpu.memory_space<hbm>> -> memref<1x3200xf32, #tpu.memory_space<hbm>>
      %dma_start3A_647 = tpu.memref_squeeze %dma_start3A_646 : memref<1x3200xf32, #tpu.memory_space<hbm>> -> memref<3200xf32, #tpu.memory_space<hbm>>
      %dma_start3A_648 = arith.constant 0 : i32
      %dma_start3A_649 = tpu.memref_slice %arg8[%run_scoped3A_270, %run_scoped3A_271, %dma_start3A_648] : memref<2x3x3200xf32, #tpu.memory_space<vmem>> -> memref<1x1x3200xf32, #tpu.memory_space<vmem>>
      %dma_start3A_650 = tpu.memref_squeeze %dma_start3A_649 : memref<1x1x3200xf32, #tpu.memory_space<vmem>> -> memref<3200xf32, #tpu.memory_space<vmem>>
      tpu.enqueue_dma source(%dma_start3A_650 : memref<3200xf32, #tpu.memory_space<vmem>>) target(%dma_start3A_647 : memref<3200xf32, #tpu.memory_space<hbm>>) target_semaphore(%run_scoped3A_640 : memref<!tpu.dma_semaphore, #tpu.memory_space<semaphore_mem>>)
      %dma_wait3A_651 = arith.constant 0 : i32
      %dma_wait3A_652 = tpu.memref_slice %arg8[%run_scoped3A_270, %run_scoped3A_271, %dma_wait3A_651] : memref<2x3x3200xf32, #tpu.memory_space<vmem>> -> memref<1x1x3200xf32, #tpu.memory_space<vmem>>
      %dma_wait3A_653 = tpu.memref_squeeze %dma_wait3A_652 : memref<1x1x3200xf32, #tpu.memory_space<vmem>> -> memref<3200xf32, #tpu.memory_space<vmem>>
      %dma_wait3A_654 = tpu.memref_slice %arg6[%run_scoped3A_272, %add3A_233] : memref<3x819200xf32, #tpu.memory_space<hbm>> -> memref<1x3200xf32, #tpu.memory_space<hbm>>
      %dma_wait3A_655 = tpu.memref_squeeze %dma_wait3A_654 : memref<1x3200xf32, #tpu.memory_space<hbm>> -> memref<3200xf32, #tpu.memory_space<hbm>>
      %dma_wait3A_656 = tpu.memref_slice %arg6[%run_scoped3A_272, %add3A_233] : memref<3x819200xf32, #tpu.memory_space<hbm>> -> memref<1x3200xf32, #tpu.memory_space<hbm>>
      %dma_wait3A_657 = tpu.memref_squeeze %dma_wait3A_656 : memref<1x3200xf32, #tpu.memory_space<hbm>> -> memref<3200xf32, #tpu.memory_space<hbm>>
      %dma_wait3A_658 = arith.constant 0 : i32
      %dma_wait3A_659 = tpu.memref_slice %arg8[%run_scoped3A_270, %run_scoped3A_271, %dma_wait3A_658] : memref<2x3x3200xf32, #tpu.memory_space<vmem>> -> memref<1x1x3200xf32, #tpu.memory_space<vmem>>
      %dma_wait3A_660 = tpu.memref_squeeze %dma_wait3A_659 : memref<1x1x3200xf32, #tpu.memory_space<vmem>> -> memref<3200xf32, #tpu.memory_space<vmem>>
      tpu.wait_dma2 semaphore(%run_scoped3A_640 : memref<!tpu.dma_semaphore, #tpu.memory_space<semaphore_mem>>) src(%dma_wait3A_660 : memref<3200xf32, #tpu.memory_space<vmem>>) dst(%dma_wait3A_657 : memref<3200xf32, #tpu.memory_space<hbm>>)
      tpu.yield
    }) : () -> ()
    %run_scoped3A_273 = arith.constant 0 : i32
    %run_scoped3A_274 = arith.constant 2 : i32
    %run_scoped3A_275 = arith.constant 2 : i32
    "tpu.region"() ({
      %run_scoped3A_640 = tpu.sem_alloc : memref<!tpu.dma_semaphore, #tpu.memory_space<semaphore_mem>>
      %dma_start3A_641 = arith.constant 0 : i32
      %dma_start3A_642 = tpu.memref_slice %arg8[%run_scoped3A_273, %run_scoped3A_274, %dma_start3A_641] : memref<2x3x3200xf32, #tpu.memory_space<vmem>> -> memref<1x1x3200xf32, #tpu.memory_space<vmem>>
      %dma_start3A_643 = tpu.memref_squeeze %dma_start3A_642 : memref<1x1x3200xf32, #tpu.memory_space<vmem>> -> memref<3200xf32, #tpu.memory_space<vmem>>
      %dma_start3A_644 = tpu.memref_slice %arg6[%run_scoped3A_275, %add3A_233] : memref<3x819200xf32, #tpu.memory_space<hbm>> -> memref<1x3200xf32, #tpu.memory_space<hbm>>
      %dma_start3A_645 = tpu.memref_squeeze %dma_start3A_644 : memref<1x3200xf32, #tpu.memory_space<hbm>> -> memref<3200xf32, #tpu.memory_space<hbm>>
      %dma_start3A_646 = tpu.memref_slice %arg6[%run_scoped3A_275, %add3A_233] : memref<3x819200xf32, #tpu.memory_space<hbm>> -> memref<1x3200xf32, #tpu.memory_space<hbm>>
      %dma_start3A_647 = tpu.memref_squeeze %dma_start3A_646 : memref<1x3200xf32, #tpu.memory_space<hbm>> -> memref<3200xf32, #tpu.memory_space<hbm>>
      %dma_start3A_648 = arith.constant 0 : i32
      %dma_start3A_649 = tpu.memref_slice %arg8[%run_scoped3A_273, %run_scoped3A_274, %dma_start3A_648] : memref<2x3x3200xf32, #tpu.memory_space<vmem>> -> memref<1x1x3200xf32, #tpu.memory_space<vmem>>
      %dma_start3A_650 = tpu.memref_squeeze %dma_start3A_649 : memref<1x1x3200xf32, #tpu.memory_space<vmem>> -> memref<3200xf32, #tpu.memory_space<vmem>>
      tpu.enqueue_dma source(%dma_start3A_650 : memref<3200xf32, #tpu.memory_space<vmem>>) target(%dma_start3A_647 : memref<3200xf32, #tpu.memory_space<hbm>>) target_semaphore(%run_scoped3A_640 : memref<!tpu.dma_semaphore, #tpu.memory_space<semaphore_mem>>)
      %dma_wait3A_651 = arith.constant 0 : i32
      %dma_wait3A_652 = tpu.memref_slice %arg8[%run_scoped3A_273, %run_scoped3A_274, %dma_wait3A_651] : memref<2x3x3200xf32, #tpu.memory_space<vmem>> -> memref<1x1x3200xf32, #tpu.memory_space<vmem>>
      %dma_wait3A_653 = tpu.memref_squeeze %dma_wait3A_652 : memref<1x1x3200xf32, #tpu.memory_space<vmem>> -> memref<3200xf32, #tpu.memory_space<vmem>>
      %dma_wait3A_654 = tpu.memref_slice %arg6[%run_scoped3A_275, %add3A_233] : memref<3x819200xf32, #tpu.memory_space<hbm>> -> memref<1x3200xf32, #tpu.memory_space<hbm>>
      %dma_wait3A_655 = tpu.memref_squeeze %dma_wait3A_654 : memref<1x3200xf32, #tpu.memory_space<hbm>> -> memref<3200xf32, #tpu.memory_space<hbm>>
      %dma_wait3A_656 = tpu.memref_slice %arg6[%run_scoped3A_275, %add3A_233] : memref<3x819200xf32, #tpu.memory_space<hbm>> -> memref<1x3200xf32, #tpu.memory_space<hbm>>
      %dma_wait3A_657 = tpu.memref_squeeze %dma_wait3A_656 : memref<1x3200xf32, #tpu.memory_space<hbm>> -> memref<3200xf32, #tpu.memory_space<hbm>>
      %dma_wait3A_658 = arith.constant 0 : i32
      %dma_wait3A_659 = tpu.memref_slice %arg8[%run_scoped3A_273, %run_scoped3A_274, %dma_wait3A_658] : memref<2x3x3200xf32, #tpu.memory_space<vmem>> -> memref<1x1x3200xf32, #tpu.memory_space<vmem>>
      %dma_wait3A_660 = tpu.memref_squeeze %dma_wait3A_659 : memref<1x1x3200xf32, #tpu.memory_space<vmem>> -> memref<3200xf32, #tpu.memory_space<vmem>>
      tpu.wait_dma2 semaphore(%run_scoped3A_640 : memref<!tpu.dma_semaphore, #tpu.memory_space<semaphore_mem>>) src(%dma_wait3A_660 : memref<3200xf32, #tpu.memory_space<vmem>>) dst(%dma_wait3A_657 : memref<3200xf32, #tpu.memory_space<hbm>>)
      tpu.yield
    }) : () -> ()
    %add3A_276 = arith.constant 12800 : i32
    %add3A_277 = arith.addi %mul3A_2, %add3A_276 : i32
    %run_scoped3A_278 = arith.constant 0 : i32
    "tpu.region"() ({
      %run_scoped3A_640 = tpu.sem_alloc : memref<!tpu.dma_semaphore, #tpu.memory_space<semaphore_mem>>
      %dma_start3A_641 = arith.constant 0 : i32
      %dma_start3A_642 = tpu.memref_slice %arg7[%run_scoped3A_278, %dma_start3A_641] : memref<2x3200xi32, #tpu.memory_space<vmem>> -> memref<1x3200xi32, #tpu.memory_space<vmem>>
      %dma_start3A_643 = tpu.memref_squeeze %dma_start3A_642 : memref<1x3200xi32, #tpu.memory_space<vmem>> -> memref<3200xi32, #tpu.memory_space<vmem>>
      %dma_start3A_644 = tpu.memref_slice %arg5[%add3A_277] : memref<819200xi32, #tpu.memory_space<hbm>> -> memref<3200xi32, #tpu.memory_space<hbm>>
      %dma_start3A_645 = arith.constant 0 : i32
      %dma_start3A_646 = tpu.memref_slice %arg7[%run_scoped3A_278, %dma_start3A_645] : memref<2x3200xi32, #tpu.memory_space<vmem>> -> memref<1x3200xi32, #tpu.memory_space<vmem>>
      %dma_start3A_647 = tpu.memref_squeeze %dma_start3A_646 : memref<1x3200xi32, #tpu.memory_space<vmem>> -> memref<3200xi32, #tpu.memory_space<vmem>>
      %dma_start3A_648 = tpu.memref_slice %arg5[%add3A_277] : memref<819200xi32, #tpu.memory_space<hbm>> -> memref<3200xi32, #tpu.memory_space<hbm>>
      tpu.enqueue_dma source(%dma_start3A_648 : memref<3200xi32, #tpu.memory_space<hbm>>) target(%dma_start3A_647 : memref<3200xi32, #tpu.memory_space<vmem>>) target_semaphore(%run_scoped3A_640 : memref<!tpu.dma_semaphore, #tpu.memory_space<semaphore_mem>>)
      %dma_wait3A_649 = arith.constant 0 : i32
      %dma_wait3A_650 = tpu.memref_slice %arg7[%run_scoped3A_278, %dma_wait3A_649] : memref<2x3200xi32, #tpu.memory_space<vmem>> -> memref<1x3200xi32, #tpu.memory_space<vmem>>
      %dma_wait3A_651 = tpu.memref_squeeze %dma_wait3A_650 : memref<1x3200xi32, #tpu.memory_space<vmem>> -> memref<3200xi32, #tpu.memory_space<vmem>>
      %dma_wait3A_652 = tpu.memref_slice %arg5[%add3A_277] : memref<819200xi32, #tpu.memory_space<hbm>> -> memref<3200xi32, #tpu.memory_space<hbm>>
      %dma_wait3A_653 = arith.constant 0 : i32
      %dma_wait3A_654 = tpu.memref_slice %arg7[%run_scoped3A_278, %dma_wait3A_653] : memref<2x3200xi32, #tpu.memory_space<vmem>> -> memref<1x3200xi32, #tpu.memory_space<vmem>>
      %dma_wait3A_655 = tpu.memref_squeeze %dma_wait3A_654 : memref<1x3200xi32, #tpu.memory_space<vmem>> -> memref<3200xi32, #tpu.memory_space<vmem>>
      %dma_wait3A_656 = tpu.memref_slice %arg5[%add3A_277] : memref<819200xi32, #tpu.memory_space<hbm>> -> memref<3200xi32, #tpu.memory_space<hbm>>
      tpu.wait_dma2 semaphore(%run_scoped3A_640 : memref<!tpu.dma_semaphore, #tpu.memory_space<semaphore_mem>>) src(%dma_wait3A_656 : memref<3200xi32, #tpu.memory_space<hbm>>) dst(%dma_wait3A_655 : memref<3200xi32, #tpu.memory_space<vmem>>)
      tpu.yield
    }) : () -> ()
    %dma_start3A_279 = arith.constant 0 : i32
    %dma_start3A_280 = arith.constant 0 : i32
    %dma_start3A_281 = arith.constant 0 : i32
    %dma_start3A_282 = arith.constant 0 : i32
    %dma_start3A_283 = tpu.memref_slice %arg8[%dma_start3A_280, %dma_start3A_281, %dma_start3A_282] : memref<2x3x3200xf32, #tpu.memory_space<vmem>> -> memref<1x1x3200xf32, #tpu.memory_space<vmem>>
    %dma_start3A_284 = tpu.memref_squeeze %dma_start3A_283 : memref<1x1x3200xf32, #tpu.memory_space<vmem>> -> memref<3200xf32, #tpu.memory_space<vmem>>
    %dma_start3A_285 = arith.constant 0 : i32
    %dma_start3A_286 = tpu.memref_slice %arg7[%dma_start3A_279, %dma_start3A_285] : memref<2x3200xi32, #tpu.memory_space<vmem>> -> memref<1x3200xi32, #tpu.memory_space<vmem>>
    %dma_start3A_287 = tpu.memref_squeeze %dma_start3A_286 : memref<1x3200xi32, #tpu.memory_space<vmem>> -> memref<3200xi32, #tpu.memory_space<vmem>>
    %dma_start3A_288 = arith.constant 0 : i32
    %dma_start3A_289 = tpu.memref_slice %arg2[%dma_start3A_288] : memref<1000000xf32, #tpu.memory_space<hbm>> -> memref<1000000xf32, #tpu.memory_space<hbm>>
    tpu.enqueue_indirect_dma source(%dma_start3A_289 : memref<1000000xf32, #tpu.memory_space<hbm>>) target(%dma_start3A_284 : memref<3200xf32, #tpu.memory_space<vmem>>) offsets(%dma_start3A_287 : memref<3200xi32, #tpu.memory_space<vmem>>) semaphore(%arg9 : memref<!tpu.dma_semaphore, #tpu.memory_space<semaphore_mem>>)
    %dma_start3A_290 = arith.constant 0 : i32
    %dma_start3A_291 = arith.constant 0 : i32
    %dma_start3A_292 = arith.constant 1 : i32
    %dma_start3A_293 = arith.constant 0 : i32
    %dma_start3A_294 = tpu.memref_slice %arg8[%dma_start3A_291, %dma_start3A_292, %dma_start3A_293] : memref<2x3x3200xf32, #tpu.memory_space<vmem>> -> memref<1x1x3200xf32, #tpu.memory_space<vmem>>
    %dma_start3A_295 = tpu.memref_squeeze %dma_start3A_294 : memref<1x1x3200xf32, #tpu.memory_space<vmem>> -> memref<3200xf32, #tpu.memory_space<vmem>>
    %dma_start3A_296 = arith.constant 0 : i32
    %dma_start3A_297 = tpu.memref_slice %arg7[%dma_start3A_290, %dma_start3A_296] : memref<2x3200xi32, #tpu.memory_space<vmem>> -> memref<1x3200xi32, #tpu.memory_space<vmem>>
    %dma_start3A_298 = tpu.memref_squeeze %dma_start3A_297 : memref<1x3200xi32, #tpu.memory_space<vmem>> -> memref<3200xi32, #tpu.memory_space<vmem>>
    %dma_start3A_299 = arith.constant 0 : i32
    %dma_start3A_300 = tpu.memref_slice %arg3[%dma_start3A_299] : memref<1000000xf32, #tpu.memory_space<hbm>> -> memref<1000000xf32, #tpu.memory_space<hbm>>
    tpu.enqueue_indirect_dma source(%dma_start3A_300 : memref<1000000xf32, #tpu.memory_space<hbm>>) target(%dma_start3A_295 : memref<3200xf32, #tpu.memory_space<vmem>>) offsets(%dma_start3A_298 : memref<3200xi32, #tpu.memory_space<vmem>>) semaphore(%arg9 : memref<!tpu.dma_semaphore, #tpu.memory_space<semaphore_mem>>)
    %dma_start3A_301 = arith.constant 0 : i32
    %dma_start3A_302 = arith.constant 0 : i32
    %dma_start3A_303 = arith.constant 2 : i32
    %dma_start3A_304 = arith.constant 0 : i32
    %dma_start3A_305 = tpu.memref_slice %arg8[%dma_start3A_302, %dma_start3A_303, %dma_start3A_304] : memref<2x3x3200xf32, #tpu.memory_space<vmem>> -> memref<1x1x3200xf32, #tpu.memory_space<vmem>>
    %dma_start3A_306 = tpu.memref_squeeze %dma_start3A_305 : memref<1x1x3200xf32, #tpu.memory_space<vmem>> -> memref<3200xf32, #tpu.memory_space<vmem>>
    %dma_start3A_307 = arith.constant 0 : i32
    %dma_start3A_308 = tpu.memref_slice %arg7[%dma_start3A_301, %dma_start3A_307] : memref<2x3200xi32, #tpu.memory_space<vmem>> -> memref<1x3200xi32, #tpu.memory_space<vmem>>
    %dma_start3A_309 = tpu.memref_squeeze %dma_start3A_308 : memref<1x3200xi32, #tpu.memory_space<vmem>> -> memref<3200xi32, #tpu.memory_space<vmem>>
    %dma_start3A_310 = arith.constant 0 : i32
    %dma_start3A_311 = tpu.memref_slice %arg4[%dma_start3A_310] : memref<1000000xf32, #tpu.memory_space<hbm>> -> memref<1000000xf32, #tpu.memory_space<hbm>>
    tpu.enqueue_indirect_dma source(%dma_start3A_311 : memref<1000000xf32, #tpu.memory_space<hbm>>) target(%dma_start3A_306 : memref<3200xf32, #tpu.memory_space<vmem>>) offsets(%dma_start3A_309 : memref<3200xi32, #tpu.memory_space<vmem>>) semaphore(%arg9 : memref<!tpu.dma_semaphore, #tpu.memory_space<semaphore_mem>>)
    %add3A_312 = arith.constant 9600 : i32
    %add3A_313 = arith.addi %mul3A_2, %add3A_312 : i32
    %dma_wait3A_314 = arith.constant 1 : i32
    %dma_wait3A_315 = arith.constant 1 : i32
    %dma_wait3A_316 = arith.constant 0 : i32
    %dma_wait3A_317 = arith.constant 0 : i32
    %dma_wait3A_318 = tpu.memref_slice %arg8[%dma_wait3A_315, %dma_wait3A_316, %dma_wait3A_317] : memref<2x3x3200xf32, #tpu.memory_space<vmem>> -> memref<1x1x3200xf32, #tpu.memory_space<vmem>>
    %dma_wait3A_319 = tpu.memref_squeeze %dma_wait3A_318 : memref<1x1x3200xf32, #tpu.memory_space<vmem>> -> memref<3200xf32, #tpu.memory_space<vmem>>
    %dma_wait3A_320 = arith.constant 0 : i32
    %dma_wait3A_321 = tpu.memref_slice %arg7[%dma_wait3A_314, %dma_wait3A_320] : memref<2x3200xi32, #tpu.memory_space<vmem>> -> memref<1x3200xi32, #tpu.memory_space<vmem>>
    %dma_wait3A_322 = tpu.memref_squeeze %dma_wait3A_321 : memref<1x3200xi32, #tpu.memory_space<vmem>> -> memref<3200xi32, #tpu.memory_space<vmem>>
    %dma_wait3A_323 = arith.constant 0 : i32
    %dma_wait3A_324 = tpu.memref_slice %arg2[%dma_wait3A_323] : memref<1000000xf32, #tpu.memory_space<hbm>> -> memref<1000000xf32, #tpu.memory_space<hbm>>
    tpu.wait_indirect_dma semaphore(%arg10 : memref<!tpu.dma_semaphore, #tpu.memory_space<semaphore_mem>>) src(%dma_wait3A_324 : memref<1000000xf32, #tpu.memory_space<hbm>>) dst(%dma_wait3A_319 : memref<3200xf32, #tpu.memory_space<vmem>>)
    %dma_wait3A_325 = arith.constant 1 : i32
    %dma_wait3A_326 = arith.constant 1 : i32
    %dma_wait3A_327 = arith.constant 1 : i32
    %dma_wait3A_328 = arith.constant 0 : i32
    %dma_wait3A_329 = tpu.memref_slice %arg8[%dma_wait3A_326, %dma_wait3A_327, %dma_wait3A_328] : memref<2x3x3200xf32, #tpu.memory_space<vmem>> -> memref<1x1x3200xf32, #tpu.memory_space<vmem>>
    %dma_wait3A_330 = tpu.memref_squeeze %dma_wait3A_329 : memref<1x1x3200xf32, #tpu.memory_space<vmem>> -> memref<3200xf32, #tpu.memory_space<vmem>>
    %dma_wait3A_331 = arith.constant 0 : i32
    %dma_wait3A_332 = tpu.memref_slice %arg7[%dma_wait3A_325, %dma_wait3A_331] : memref<2x3200xi32, #tpu.memory_space<vmem>> -> memref<1x3200xi32, #tpu.memory_space<vmem>>
    %dma_wait3A_333 = tpu.memref_squeeze %dma_wait3A_332 : memref<1x3200xi32, #tpu.memory_space<vmem>> -> memref<3200xi32, #tpu.memory_space<vmem>>
    %dma_wait3A_334 = arith.constant 0 : i32
    %dma_wait3A_335 = tpu.memref_slice %arg3[%dma_wait3A_334] : memref<1000000xf32, #tpu.memory_space<hbm>> -> memref<1000000xf32, #tpu.memory_space<hbm>>
    tpu.wait_indirect_dma semaphore(%arg10 : memref<!tpu.dma_semaphore, #tpu.memory_space<semaphore_mem>>) src(%dma_wait3A_335 : memref<1000000xf32, #tpu.memory_space<hbm>>) dst(%dma_wait3A_330 : memref<3200xf32, #tpu.memory_space<vmem>>)
    %dma_wait3A_336 = arith.constant 1 : i32
    %dma_wait3A_337 = arith.constant 1 : i32
    %dma_wait3A_338 = arith.constant 2 : i32
    %dma_wait3A_339 = arith.constant 0 : i32
    %dma_wait3A_340 = tpu.memref_slice %arg8[%dma_wait3A_337, %dma_wait3A_338, %dma_wait3A_339] : memref<2x3x3200xf32, #tpu.memory_space<vmem>> -> memref<1x1x3200xf32, #tpu.memory_space<vmem>>
    %dma_wait3A_341 = tpu.memref_squeeze %dma_wait3A_340 : memref<1x1x3200xf32, #tpu.memory_space<vmem>> -> memref<3200xf32, #tpu.memory_space<vmem>>
    %dma_wait3A_342 = arith.constant 0 : i32
    %dma_wait3A_343 = tpu.memref_slice %arg7[%dma_wait3A_336, %dma_wait3A_342] : memref<2x3200xi32, #tpu.memory_space<vmem>> -> memref<1x3200xi32, #tpu.memory_space<vmem>>
    %dma_wait3A_344 = tpu.memref_squeeze %dma_wait3A_343 : memref<1x3200xi32, #tpu.memory_space<vmem>> -> memref<3200xi32, #tpu.memory_space<vmem>>
    %dma_wait3A_345 = arith.constant 0 : i32
    %dma_wait3A_346 = tpu.memref_slice %arg4[%dma_wait3A_345] : memref<1000000xf32, #tpu.memory_space<hbm>> -> memref<1000000xf32, #tpu.memory_space<hbm>>
    tpu.wait_indirect_dma semaphore(%arg10 : memref<!tpu.dma_semaphore, #tpu.memory_space<semaphore_mem>>) src(%dma_wait3A_346 : memref<1000000xf32, #tpu.memory_space<hbm>>) dst(%dma_wait3A_341 : memref<3200xf32, #tpu.memory_space<vmem>>)
    %run_scoped3A_347 = arith.constant 1 : i32
    %run_scoped3A_348 = arith.constant 0 : i32
    %run_scoped3A_349 = arith.constant 0 : i32
    "tpu.region"() ({
      %run_scoped3A_640 = tpu.sem_alloc : memref<!tpu.dma_semaphore, #tpu.memory_space<semaphore_mem>>
      %dma_start3A_641 = arith.constant 0 : i32
      %dma_start3A_642 = tpu.memref_slice %arg8[%run_scoped3A_347, %run_scoped3A_348, %dma_start3A_641] : memref<2x3x3200xf32, #tpu.memory_space<vmem>> -> memref<1x1x3200xf32, #tpu.memory_space<vmem>>
      %dma_start3A_643 = tpu.memref_squeeze %dma_start3A_642 : memref<1x1x3200xf32, #tpu.memory_space<vmem>> -> memref<3200xf32, #tpu.memory_space<vmem>>
      %dma_start3A_644 = tpu.memref_slice %arg6[%run_scoped3A_349, %add3A_313] : memref<3x819200xf32, #tpu.memory_space<hbm>> -> memref<1x3200xf32, #tpu.memory_space<hbm>>
      %dma_start3A_645 = tpu.memref_squeeze %dma_start3A_644 : memref<1x3200xf32, #tpu.memory_space<hbm>> -> memref<3200xf32, #tpu.memory_space<hbm>>
      %dma_start3A_646 = tpu.memref_slice %arg6[%run_scoped3A_349, %add3A_313] : memref<3x819200xf32, #tpu.memory_space<hbm>> -> memref<1x3200xf32, #tpu.memory_space<hbm>>
      %dma_start3A_647 = tpu.memref_squeeze %dma_start3A_646 : memref<1x3200xf32, #tpu.memory_space<hbm>> -> memref<3200xf32, #tpu.memory_space<hbm>>
      %dma_start3A_648 = arith.constant 0 : i32
      %dma_start3A_649 = tpu.memref_slice %arg8[%run_scoped3A_347, %run_scoped3A_348, %dma_start3A_648] : memref<2x3x3200xf32, #tpu.memory_space<vmem>> -> memref<1x1x3200xf32, #tpu.memory_space<vmem>>
      %dma_start3A_650 = tpu.memref_squeeze %dma_start3A_649 : memref<1x1x3200xf32, #tpu.memory_space<vmem>> -> memref<3200xf32, #tpu.memory_space<vmem>>
      tpu.enqueue_dma source(%dma_start3A_650 : memref<3200xf32, #tpu.memory_space<vmem>>) target(%dma_start3A_647 : memref<3200xf32, #tpu.memory_space<hbm>>) target_semaphore(%run_scoped3A_640 : memref<!tpu.dma_semaphore, #tpu.memory_space<semaphore_mem>>)
      %dma_wait3A_651 = arith.constant 0 : i32
      %dma_wait3A_652 = tpu.memref_slice %arg8[%run_scoped3A_347, %run_scoped3A_348, %dma_wait3A_651] : memref<2x3x3200xf32, #tpu.memory_space<vmem>> -> memref<1x1x3200xf32, #tpu.memory_space<vmem>>
      %dma_wait3A_653 = tpu.memref_squeeze %dma_wait3A_652 : memref<1x1x3200xf32, #tpu.memory_space<vmem>> -> memref<3200xf32, #tpu.memory_space<vmem>>
      %dma_wait3A_654 = tpu.memref_slice %arg6[%run_scoped3A_349, %add3A_313] : memref<3x819200xf32, #tpu.memory_space<hbm>> -> memref<1x3200xf32, #tpu.memory_space<hbm>>
      %dma_wait3A_655 = tpu.memref_squeeze %dma_wait3A_654 : memref<1x3200xf32, #tpu.memory_space<hbm>> -> memref<3200xf32, #tpu.memory_space<hbm>>
      %dma_wait3A_656 = tpu.memref_slice %arg6[%run_scoped3A_349, %add3A_313] : memref<3x819200xf32, #tpu.memory_space<hbm>> -> memref<1x3200xf32, #tpu.memory_space<hbm>>
      %dma_wait3A_657 = tpu.memref_squeeze %dma_wait3A_656 : memref<1x3200xf32, #tpu.memory_space<hbm>> -> memref<3200xf32, #tpu.memory_space<hbm>>
      %dma_wait3A_658 = arith.constant 0 : i32
      %dma_wait3A_659 = tpu.memref_slice %arg8[%run_scoped3A_347, %run_scoped3A_348, %dma_wait3A_658] : memref<2x3x3200xf32, #tpu.memory_space<vmem>> -> memref<1x1x3200xf32, #tpu.memory_space<vmem>>
      %dma_wait3A_660 = tpu.memref_squeeze %dma_wait3A_659 : memref<1x1x3200xf32, #tpu.memory_space<vmem>> -> memref<3200xf32, #tpu.memory_space<vmem>>
      tpu.wait_dma2 semaphore(%run_scoped3A_640 : memref<!tpu.dma_semaphore, #tpu.memory_space<semaphore_mem>>) src(%dma_wait3A_660 : memref<3200xf32, #tpu.memory_space<vmem>>) dst(%dma_wait3A_657 : memref<3200xf32, #tpu.memory_space<hbm>>)
      tpu.yield
    }) : () -> ()
    %run_scoped3A_350 = arith.constant 1 : i32
    %run_scoped3A_351 = arith.constant 1 : i32
    %run_scoped3A_352 = arith.constant 1 : i32
    "tpu.region"() ({
      %run_scoped3A_640 = tpu.sem_alloc : memref<!tpu.dma_semaphore, #tpu.memory_space<semaphore_mem>>
      %dma_start3A_641 = arith.constant 0 : i32
      %dma_start3A_642 = tpu.memref_slice %arg8[%run_scoped3A_350, %run_scoped3A_351, %dma_start3A_641] : memref<2x3x3200xf32, #tpu.memory_space<vmem>> -> memref<1x1x3200xf32, #tpu.memory_space<vmem>>
      %dma_start3A_643 = tpu.memref_squeeze %dma_start3A_642 : memref<1x1x3200xf32, #tpu.memory_space<vmem>> -> memref<3200xf32, #tpu.memory_space<vmem>>
      %dma_start3A_644 = tpu.memref_slice %arg6[%run_scoped3A_352, %add3A_313] : memref<3x819200xf32, #tpu.memory_space<hbm>> -> memref<1x3200xf32, #tpu.memory_space<hbm>>
      %dma_start3A_645 = tpu.memref_squeeze %dma_start3A_644 : memref<1x3200xf32, #tpu.memory_space<hbm>> -> memref<3200xf32, #tpu.memory_space<hbm>>
      %dma_start3A_646 = tpu.memref_slice %arg6[%run_scoped3A_352, %add3A_313] : memref<3x819200xf32, #tpu.memory_space<hbm>> -> memref<1x3200xf32, #tpu.memory_space<hbm>>
      %dma_start3A_647 = tpu.memref_squeeze %dma_start3A_646 : memref<1x3200xf32, #tpu.memory_space<hbm>> -> memref<3200xf32, #tpu.memory_space<hbm>>
      %dma_start3A_648 = arith.constant 0 : i32
      %dma_start3A_649 = tpu.memref_slice %arg8[%run_scoped3A_350, %run_scoped3A_351, %dma_start3A_648] : memref<2x3x3200xf32, #tpu.memory_space<vmem>> -> memref<1x1x3200xf32, #tpu.memory_space<vmem>>
      %dma_start3A_650 = tpu.memref_squeeze %dma_start3A_649 : memref<1x1x3200xf32, #tpu.memory_space<vmem>> -> memref<3200xf32, #tpu.memory_space<vmem>>
      tpu.enqueue_dma source(%dma_start3A_650 : memref<3200xf32, #tpu.memory_space<vmem>>) target(%dma_start3A_647 : memref<3200xf32, #tpu.memory_space<hbm>>) target_semaphore(%run_scoped3A_640 : memref<!tpu.dma_semaphore, #tpu.memory_space<semaphore_mem>>)
      %dma_wait3A_651 = arith.constant 0 : i32
      %dma_wait3A_652 = tpu.memref_slice %arg8[%run_scoped3A_350, %run_scoped3A_351, %dma_wait3A_651] : memref<2x3x3200xf32, #tpu.memory_space<vmem>> -> memref<1x1x3200xf32, #tpu.memory_space<vmem>>
      %dma_wait3A_653 = tpu.memref_squeeze %dma_wait3A_652 : memref<1x1x3200xf32, #tpu.memory_space<vmem>> -> memref<3200xf32, #tpu.memory_space<vmem>>
      %dma_wait3A_654 = tpu.memref_slice %arg6[%run_scoped3A_352, %add3A_313] : memref<3x819200xf32, #tpu.memory_space<hbm>> -> memref<1x3200xf32, #tpu.memory_space<hbm>>
      %dma_wait3A_655 = tpu.memref_squeeze %dma_wait3A_654 : memref<1x3200xf32, #tpu.memory_space<hbm>> -> memref<3200xf32, #tpu.memory_space<hbm>>
      %dma_wait3A_656 = tpu.memref_slice %arg6[%run_scoped3A_352, %add3A_313] : memref<3x819200xf32, #tpu.memory_space<hbm>> -> memref<1x3200xf32, #tpu.memory_space<hbm>>
      %dma_wait3A_657 = tpu.memref_squeeze %dma_wait3A_656 : memref<1x3200xf32, #tpu.memory_space<hbm>> -> memref<3200xf32, #tpu.memory_space<hbm>>
      %dma_wait3A_658 = arith.constant 0 : i32
      %dma_wait3A_659 = tpu.memref_slice %arg8[%run_scoped3A_350, %run_scoped3A_351, %dma_wait3A_658] : memref<2x3x3200xf32, #tpu.memory_space<vmem>> -> memref<1x1x3200xf32, #tpu.memory_space<vmem>>
      %dma_wait3A_660 = tpu.memref_squeeze %dma_wait3A_659 : memref<1x1x3200xf32, #tpu.memory_space<vmem>> -> memref<3200xf32, #tpu.memory_space<vmem>>
      tpu.wait_dma2 semaphore(%run_scoped3A_640 : memref<!tpu.dma_semaphore, #tpu.memory_space<semaphore_mem>>) src(%dma_wait3A_660 : memref<3200xf32, #tpu.memory_space<vmem>>) dst(%dma_wait3A_657 : memref<3200xf32, #tpu.memory_space<hbm>>)
      tpu.yield
    }) : () -> ()
    %run_scoped3A_353 = arith.constant 1 : i32
    %run_scoped3A_354 = arith.constant 2 : i32
    %run_scoped3A_355 = arith.constant 2 : i32
    "tpu.region"() ({
      %run_scoped3A_640 = tpu.sem_alloc : memref<!tpu.dma_semaphore, #tpu.memory_space<semaphore_mem>>
      %dma_start3A_641 = arith.constant 0 : i32
      %dma_start3A_642 = tpu.memref_slice %arg8[%run_scoped3A_353, %run_scoped3A_354, %dma_start3A_641] : memref<2x3x3200xf32, #tpu.memory_space<vmem>> -> memref<1x1x3200xf32, #tpu.memory_space<vmem>>
      %dma_start3A_643 = tpu.memref_squeeze %dma_start3A_642 : memref<1x1x3200xf32, #tpu.memory_space<vmem>> -> memref<3200xf32, #tpu.memory_space<vmem>>
      %dma_start3A_644 = tpu.memref_slice %arg6[%run_scoped3A_355, %add3A_313] : memref<3x819200xf32, #tpu.memory_space<hbm>> -> memref<1x3200xf32, #tpu.memory_space<hbm>>
      %dma_start3A_645 = tpu.memref_squeeze %dma_start3A_644 : memref<1x3200xf32, #tpu.memory_space<hbm>> -> memref<3200xf32, #tpu.memory_space<hbm>>
      %dma_start3A_646 = tpu.memref_slice %arg6[%run_scoped3A_355, %add3A_313] : memref<3x819200xf32, #tpu.memory_space<hbm>> -> memref<1x3200xf32, #tpu.memory_space<hbm>>
      %dma_start3A_647 = tpu.memref_squeeze %dma_start3A_646 : memref<1x3200xf32, #tpu.memory_space<hbm>> -> memref<3200xf32, #tpu.memory_space<hbm>>
      %dma_start3A_648 = arith.constant 0 : i32
      %dma_start3A_649 = tpu.memref_slice %arg8[%run_scoped3A_353, %run_scoped3A_354, %dma_start3A_648] : memref<2x3x3200xf32, #tpu.memory_space<vmem>> -> memref<1x1x3200xf32, #tpu.memory_space<vmem>>
      %dma_start3A_650 = tpu.memref_squeeze %dma_start3A_649 : memref<1x1x3200xf32, #tpu.memory_space<vmem>> -> memref<3200xf32, #tpu.memory_space<vmem>>
      tpu.enqueue_dma source(%dma_start3A_650 : memref<3200xf32, #tpu.memory_space<vmem>>) target(%dma_start3A_647 : memref<3200xf32, #tpu.memory_space<hbm>>) target_semaphore(%run_scoped3A_640 : memref<!tpu.dma_semaphore, #tpu.memory_space<semaphore_mem>>)
      %dma_wait3A_651 = arith.constant 0 : i32
      %dma_wait3A_652 = tpu.memref_slice %arg8[%run_scoped3A_353, %run_scoped3A_354, %dma_wait3A_651] : memref<2x3x3200xf32, #tpu.memory_space<vmem>> -> memref<1x1x3200xf32, #tpu.memory_space<vmem>>
      %dma_wait3A_653 = tpu.memref_squeeze %dma_wait3A_652 : memref<1x1x3200xf32, #tpu.memory_space<vmem>> -> memref<3200xf32, #tpu.memory_space<vmem>>
      %dma_wait3A_654 = tpu.memref_slice %arg6[%run_scoped3A_355, %add3A_313] : memref<3x819200xf32, #tpu.memory_space<hbm>> -> memref<1x3200xf32, #tpu.memory_space<hbm>>
      %dma_wait3A_655 = tpu.memref_squeeze %dma_wait3A_654 : memref<1x3200xf32, #tpu.memory_space<hbm>> -> memref<3200xf32, #tpu.memory_space<hbm>>
      %dma_wait3A_656 = tpu.memref_slice %arg6[%run_scoped3A_355, %add3A_313] : memref<3x819200xf32, #tpu.memory_space<hbm>> -> memref<1x3200xf32, #tpu.memory_space<hbm>>
      %dma_wait3A_657 = tpu.memref_squeeze %dma_wait3A_656 : memref<1x3200xf32, #tpu.memory_space<hbm>> -> memref<3200xf32, #tpu.memory_space<hbm>>
      %dma_wait3A_658 = arith.constant 0 : i32
      %dma_wait3A_659 = tpu.memref_slice %arg8[%run_scoped3A_353, %run_scoped3A_354, %dma_wait3A_658] : memref<2x3x3200xf32, #tpu.memory_space<vmem>> -> memref<1x1x3200xf32, #tpu.memory_space<vmem>>
      %dma_wait3A_660 = tpu.memref_squeeze %dma_wait3A_659 : memref<1x1x3200xf32, #tpu.memory_space<vmem>> -> memref<3200xf32, #tpu.memory_space<vmem>>
      tpu.wait_dma2 semaphore(%run_scoped3A_640 : memref<!tpu.dma_semaphore, #tpu.memory_space<semaphore_mem>>) src(%dma_wait3A_660 : memref<3200xf32, #tpu.memory_space<vmem>>) dst(%dma_wait3A_657 : memref<3200xf32, #tpu.memory_space<hbm>>)
      tpu.yield
    }) : () -> ()
    %add3A_356 = arith.constant 16000 : i32
    %add3A_357 = arith.addi %mul3A_2, %add3A_356 : i32
    %run_scoped3A_358 = arith.constant 1 : i32
    "tpu.region"() ({
      %run_scoped3A_640 = tpu.sem_alloc : memref<!tpu.dma_semaphore, #tpu.memory_space<semaphore_mem>>
      %dma_start3A_641 = arith.constant 0 : i32
      %dma_start3A_642 = tpu.memref_slice %arg7[%run_scoped3A_358, %dma_start3A_641] : memref<2x3200xi32, #tpu.memory_space<vmem>> -> memref<1x3200xi32, #tpu.memory_space<vmem>>
      %dma_start3A_643 = tpu.memref_squeeze %dma_start3A_642 : memref<1x3200xi32, #tpu.memory_space<vmem>> -> memref<3200xi32, #tpu.memory_space<vmem>>
      %dma_start3A_644 = tpu.memref_slice %arg5[%add3A_357] : memref<819200xi32, #tpu.memory_space<hbm>> -> memref<3200xi32, #tpu.memory_space<hbm>>
      %dma_start3A_645 = arith.constant 0 : i32
      %dma_start3A_646 = tpu.memref_slice %arg7[%run_scoped3A_358, %dma_start3A_645] : memref<2x3200xi32, #tpu.memory_space<vmem>> -> memref<1x3200xi32, #tpu.memory_space<vmem>>
      %dma_start3A_647 = tpu.memref_squeeze %dma_start3A_646 : memref<1x3200xi32, #tpu.memory_space<vmem>> -> memref<3200xi32, #tpu.memory_space<vmem>>
      %dma_start3A_648 = tpu.memref_slice %arg5[%add3A_357] : memref<819200xi32, #tpu.memory_space<hbm>> -> memref<3200xi32, #tpu.memory_space<hbm>>
      tpu.enqueue_dma source(%dma_start3A_648 : memref<3200xi32, #tpu.memory_space<hbm>>) target(%dma_start3A_647 : memref<3200xi32, #tpu.memory_space<vmem>>) target_semaphore(%run_scoped3A_640 : memref<!tpu.dma_semaphore, #tpu.memory_space<semaphore_mem>>)
      %dma_wait3A_649 = arith.constant 0 : i32
      %dma_wait3A_650 = tpu.memref_slice %arg7[%run_scoped3A_358, %dma_wait3A_649] : memref<2x3200xi32, #tpu.memory_space<vmem>> -> memref<1x3200xi32, #tpu.memory_space<vmem>>
      %dma_wait3A_651 = tpu.memref_squeeze %dma_wait3A_650 : memref<1x3200xi32, #tpu.memory_space<vmem>> -> memref<3200xi32, #tpu.memory_space<vmem>>
      %dma_wait3A_652 = tpu.memref_slice %arg5[%add3A_357] : memref<819200xi32, #tpu.memory_space<hbm>> -> memref<3200xi32, #tpu.memory_space<hbm>>
      %dma_wait3A_653 = arith.constant 0 : i32
      %dma_wait3A_654 = tpu.memref_slice %arg7[%run_scoped3A_358, %dma_wait3A_653] : memref<2x3200xi32, #tpu.memory_space<vmem>> -> memref<1x3200xi32, #tpu.memory_space<vmem>>
      %dma_wait3A_655 = tpu.memref_squeeze %dma_wait3A_654 : memref<1x3200xi32, #tpu.memory_space<vmem>> -> memref<3200xi32, #tpu.memory_space<vmem>>
      %dma_wait3A_656 = tpu.memref_slice %arg5[%add3A_357] : memref<819200xi32, #tpu.memory_space<hbm>> -> memref<3200xi32, #tpu.memory_space<hbm>>
      tpu.wait_dma2 semaphore(%run_scoped3A_640 : memref<!tpu.dma_semaphore, #tpu.memory_space<semaphore_mem>>) src(%dma_wait3A_656 : memref<3200xi32, #tpu.memory_space<hbm>>) dst(%dma_wait3A_655 : memref<3200xi32, #tpu.memory_space<vmem>>)
      tpu.yield
    }) : () -> ()
    %dma_start3A_359 = arith.constant 1 : i32
    %dma_start3A_360 = arith.constant 1 : i32
    %dma_start3A_361 = arith.constant 0 : i32
    %dma_start3A_362 = arith.constant 0 : i32
    %dma_start3A_363 = tpu.memref_slice %arg8[%dma_start3A_360, %dma_start3A_361, %dma_start3A_362] : memref<2x3x3200xf32, #tpu.memory_space<vmem>> -> memref<1x1x3200xf32, #tpu.memory_space<vmem>>
    %dma_start3A_364 = tpu.memref_squeeze %dma_start3A_363 : memref<1x1x3200xf32, #tpu.memory_space<vmem>> -> memref<3200xf32, #tpu.memory_space<vmem>>
    %dma_start3A_365 = arith.constant 0 : i32
    %dma_start3A_366 = tpu.memref_slice %arg7[%dma_start3A_359, %dma_start3A_365] : memref<2x3200xi32, #tpu.memory_space<vmem>> -> memref<1x3200xi32, #tpu.memory_space<vmem>>
    %dma_start3A_367 = tpu.memref_squeeze %dma_start3A_366 : memref<1x3200xi32, #tpu.memory_space<vmem>> -> memref<3200xi32, #tpu.memory_space<vmem>>
    %dma_start3A_368 = arith.constant 0 : i32
    %dma_start3A_369 = tpu.memref_slice %arg2[%dma_start3A_368] : memref<1000000xf32, #tpu.memory_space<hbm>> -> memref<1000000xf32, #tpu.memory_space<hbm>>
    tpu.enqueue_indirect_dma source(%dma_start3A_369 : memref<1000000xf32, #tpu.memory_space<hbm>>) target(%dma_start3A_364 : memref<3200xf32, #tpu.memory_space<vmem>>) offsets(%dma_start3A_367 : memref<3200xi32, #tpu.memory_space<vmem>>) semaphore(%arg10 : memref<!tpu.dma_semaphore, #tpu.memory_space<semaphore_mem>>)
    %dma_start3A_370 = arith.constant 1 : i32
    %dma_start3A_371 = arith.constant 1 : i32
    %dma_start3A_372 = arith.constant 1 : i32
    %dma_start3A_373 = arith.constant 0 : i32
    %dma_start3A_374 = tpu.memref_slice %arg8[%dma_start3A_371, %dma_start3A_372, %dma_start3A_373] : memref<2x3x3200xf32, #tpu.memory_space<vmem>> -> memref<1x1x3200xf32, #tpu.memory_space<vmem>>
    %dma_start3A_375 = tpu.memref_squeeze %dma_start3A_374 : memref<1x1x3200xf32, #tpu.memory_space<vmem>> -> memref<3200xf32, #tpu.memory_space<vmem>>
    %dma_start3A_376 = arith.constant 0 : i32
    %dma_start3A_377 = tpu.memref_slice %arg7[%dma_start3A_370, %dma_start3A_376] : memref<2x3200xi32, #tpu.memory_space<vmem>> -> memref<1x3200xi32, #tpu.memory_space<vmem>>
    %dma_start3A_378 = tpu.memref_squeeze %dma_start3A_377 : memref<1x3200xi32, #tpu.memory_space<vmem>> -> memref<3200xi32, #tpu.memory_space<vmem>>
    %dma_start3A_379 = arith.constant 0 : i32
    %dma_start3A_380 = tpu.memref_slice %arg3[%dma_start3A_379] : memref<1000000xf32, #tpu.memory_space<hbm>> -> memref<1000000xf32, #tpu.memory_space<hbm>>
    tpu.enqueue_indirect_dma source(%dma_start3A_380 : memref<1000000xf32, #tpu.memory_space<hbm>>) target(%dma_start3A_375 : memref<3200xf32, #tpu.memory_space<vmem>>) offsets(%dma_start3A_378 : memref<3200xi32, #tpu.memory_space<vmem>>) semaphore(%arg10 : memref<!tpu.dma_semaphore, #tpu.memory_space<semaphore_mem>>)
    %dma_start3A_381 = arith.constant 1 : i32
    %dma_start3A_382 = arith.constant 1 : i32
    %dma_start3A_383 = arith.constant 2 : i32
    %dma_start3A_384 = arith.constant 0 : i32
    %dma_start3A_385 = tpu.memref_slice %arg8[%dma_start3A_382, %dma_start3A_383, %dma_start3A_384] : memref<2x3x3200xf32, #tpu.memory_space<vmem>> -> memref<1x1x3200xf32, #tpu.memory_space<vmem>>
    %dma_start3A_386 = tpu.memref_squeeze %dma_start3A_385 : memref<1x1x3200xf32, #tpu.memory_space<vmem>> -> memref<3200xf32, #tpu.memory_space<vmem>>
    %dma_start3A_387 = arith.constant 0 : i32
    %dma_start3A_388 = tpu.memref_slice %arg7[%dma_start3A_381, %dma_start3A_387] : memref<2x3200xi32, #tpu.memory_space<vmem>> -> memref<1x3200xi32, #tpu.memory_space<vmem>>
    %dma_start3A_389 = tpu.memref_squeeze %dma_start3A_388 : memref<1x3200xi32, #tpu.memory_space<vmem>> -> memref<3200xi32, #tpu.memory_space<vmem>>
    %dma_start3A_390 = arith.constant 0 : i32
    %dma_start3A_391 = tpu.memref_slice %arg4[%dma_start3A_390] : memref<1000000xf32, #tpu.memory_space<hbm>> -> memref<1000000xf32, #tpu.memory_space<hbm>>
    tpu.enqueue_indirect_dma source(%dma_start3A_391 : memref<1000000xf32, #tpu.memory_space<hbm>>) target(%dma_start3A_386 : memref<3200xf32, #tpu.memory_space<vmem>>) offsets(%dma_start3A_389 : memref<3200xi32, #tpu.memory_space<vmem>>) semaphore(%arg10 : memref<!tpu.dma_semaphore, #tpu.memory_space<semaphore_mem>>)
    %add3A_392 = arith.constant 12800 : i32
    %add3A_393 = arith.addi %mul3A_2, %add3A_392 : i32
    %dma_wait3A_394 = arith.constant 0 : i32
    %dma_wait3A_395 = arith.constant 0 : i32
    %dma_wait3A_396 = arith.constant 0 : i32
    %dma_wait3A_397 = arith.constant 0 : i32
    %dma_wait3A_398 = tpu.memref_slice %arg8[%dma_wait3A_395, %dma_wait3A_396, %dma_wait3A_397] : memref<2x3x3200xf32, #tpu.memory_space<vmem>> -> memref<1x1x3200xf32, #tpu.memory_space<vmem>>
    %dma_wait3A_399 = tpu.memref_squeeze %dma_wait3A_398 : memref<1x1x3200xf32, #tpu.memory_space<vmem>> -> memref<3200xf32, #tpu.memory_space<vmem>>
    %dma_wait3A_400 = arith.constant 0 : i32
    %dma_wait3A_401 = tpu.memref_slice %arg7[%dma_wait3A_394, %dma_wait3A_400] : memref<2x3200xi32, #tpu.memory_space<vmem>> -> memref<1x3200xi32, #tpu.memory_space<vmem>>
    %dma_wait3A_402 = tpu.memref_squeeze %dma_wait3A_401 : memref<1x3200xi32, #tpu.memory_space<vmem>> -> memref<3200xi32, #tpu.memory_space<vmem>>
    %dma_wait3A_403 = arith.constant 0 : i32
    %dma_wait3A_404 = tpu.memref_slice %arg2[%dma_wait3A_403] : memref<1000000xf32, #tpu.memory_space<hbm>> -> memref<1000000xf32, #tpu.memory_space<hbm>>
    tpu.wait_indirect_dma semaphore(%arg9 : memref<!tpu.dma_semaphore, #tpu.memory_space<semaphore_mem>>) src(%dma_wait3A_404 : memref<1000000xf32, #tpu.memory_space<hbm>>) dst(%dma_wait3A_399 : memref<3200xf32, #tpu.memory_space<vmem>>)
    %dma_wait3A_405 = arith.constant 0 : i32
    %dma_wait3A_406 = arith.constant 0 : i32
    %dma_wait3A_407 = arith.constant 1 : i32
    %dma_wait3A_408 = arith.constant 0 : i32
    %dma_wait3A_409 = tpu.memref_slice %arg8[%dma_wait3A_406, %dma_wait3A_407, %dma_wait3A_408] : memref<2x3x3200xf32, #tpu.memory_space<vmem>> -> memref<1x1x3200xf32, #tpu.memory_space<vmem>>
    %dma_wait3A_410 = tpu.memref_squeeze %dma_wait3A_409 : memref<1x1x3200xf32, #tpu.memory_space<vmem>> -> memref<3200xf32, #tpu.memory_space<vmem>>
    %dma_wait3A_411 = arith.constant 0 : i32
    %dma_wait3A_412 = tpu.memref_slice %arg7[%dma_wait3A_405, %dma_wait3A_411] : memref<2x3200xi32, #tpu.memory_space<vmem>> -> memref<1x3200xi32, #tpu.memory_space<vmem>>
    %dma_wait3A_413 = tpu.memref_squeeze %dma_wait3A_412 : memref<1x3200xi32, #tpu.memory_space<vmem>> -> memref<3200xi32, #tpu.memory_space<vmem>>
    %dma_wait3A_414 = arith.constant 0 : i32
    %dma_wait3A_415 = tpu.memref_slice %arg3[%dma_wait3A_414] : memref<1000000xf32, #tpu.memory_space<hbm>> -> memref<1000000xf32, #tpu.memory_space<hbm>>
    tpu.wait_indirect_dma semaphore(%arg9 : memref<!tpu.dma_semaphore, #tpu.memory_space<semaphore_mem>>) src(%dma_wait3A_415 : memref<1000000xf32, #tpu.memory_space<hbm>>) dst(%dma_wait3A_410 : memref<3200xf32, #tpu.memory_space<vmem>>)
    %dma_wait3A_416 = arith.constant 0 : i32
    %dma_wait3A_417 = arith.constant 0 : i32
    %dma_wait3A_418 = arith.constant 2 : i32
    %dma_wait3A_419 = arith.constant 0 : i32
    %dma_wait3A_420 = tpu.memref_slice %arg8[%dma_wait3A_417, %dma_wait3A_418, %dma_wait3A_419] : memref<2x3x3200xf32, #tpu.memory_space<vmem>> -> memref<1x1x3200xf32, #tpu.memory_space<vmem>>
    %dma_wait3A_421 = tpu.memref_squeeze %dma_wait3A_420 : memref<1x1x3200xf32, #tpu.memory_space<vmem>> -> memref<3200xf32, #tpu.memory_space<vmem>>
    %dma_wait3A_422 = arith.constant 0 : i32
    %dma_wait3A_423 = tpu.memref_slice %arg7[%dma_wait3A_416, %dma_wait3A_422] : memref<2x3200xi32, #tpu.memory_space<vmem>> -> memref<1x3200xi32, #tpu.memory_space<vmem>>
    %dma_wait3A_424 = tpu.memref_squeeze %dma_wait3A_423 : memref<1x3200xi32, #tpu.memory_space<vmem>> -> memref<3200xi32, #tpu.memory_space<vmem>>
    %dma_wait3A_425 = arith.constant 0 : i32
    %dma_wait3A_426 = tpu.memref_slice %arg4[%dma_wait3A_425] : memref<1000000xf32, #tpu.memory_space<hbm>> -> memref<1000000xf32, #tpu.memory_space<hbm>>
    tpu.wait_indirect_dma semaphore(%arg9 : memref<!tpu.dma_semaphore, #tpu.memory_space<semaphore_mem>>) src(%dma_wait3A_426 : memref<1000000xf32, #tpu.memory_space<hbm>>) dst(%dma_wait3A_421 : memref<3200xf32, #tpu.memory_space<vmem>>)
    %run_scoped3A_427 = arith.constant 0 : i32
    %run_scoped3A_428 = arith.constant 0 : i32
    %run_scoped3A_429 = arith.constant 0 : i32
    "tpu.region"() ({
      %run_scoped3A_640 = tpu.sem_alloc : memref<!tpu.dma_semaphore, #tpu.memory_space<semaphore_mem>>
      %dma_start3A_641 = arith.constant 0 : i32
      %dma_start3A_642 = tpu.memref_slice %arg8[%run_scoped3A_427, %run_scoped3A_428, %dma_start3A_641] : memref<2x3x3200xf32, #tpu.memory_space<vmem>> -> memref<1x1x3200xf32, #tpu.memory_space<vmem>>
      %dma_start3A_643 = tpu.memref_squeeze %dma_start3A_642 : memref<1x1x3200xf32, #tpu.memory_space<vmem>> -> memref<3200xf32, #tpu.memory_space<vmem>>
      %dma_start3A_644 = tpu.memref_slice %arg6[%run_scoped3A_429, %add3A_393] : memref<3x819200xf32, #tpu.memory_space<hbm>> -> memref<1x3200xf32, #tpu.memory_space<hbm>>
      %dma_start3A_645 = tpu.memref_squeeze %dma_start3A_644 : memref<1x3200xf32, #tpu.memory_space<hbm>> -> memref<3200xf32, #tpu.memory_space<hbm>>
      %dma_start3A_646 = tpu.memref_slice %arg6[%run_scoped3A_429, %add3A_393] : memref<3x819200xf32, #tpu.memory_space<hbm>> -> memref<1x3200xf32, #tpu.memory_space<hbm>>
      %dma_start3A_647 = tpu.memref_squeeze %dma_start3A_646 : memref<1x3200xf32, #tpu.memory_space<hbm>> -> memref<3200xf32, #tpu.memory_space<hbm>>
      %dma_start3A_648 = arith.constant 0 : i32
      %dma_start3A_649 = tpu.memref_slice %arg8[%run_scoped3A_427, %run_scoped3A_428, %dma_start3A_648] : memref<2x3x3200xf32, #tpu.memory_space<vmem>> -> memref<1x1x3200xf32, #tpu.memory_space<vmem>>
      %dma_start3A_650 = tpu.memref_squeeze %dma_start3A_649 : memref<1x1x3200xf32, #tpu.memory_space<vmem>> -> memref<3200xf32, #tpu.memory_space<vmem>>
      tpu.enqueue_dma source(%dma_start3A_650 : memref<3200xf32, #tpu.memory_space<vmem>>) target(%dma_start3A_647 : memref<3200xf32, #tpu.memory_space<hbm>>) target_semaphore(%run_scoped3A_640 : memref<!tpu.dma_semaphore, #tpu.memory_space<semaphore_mem>>)
      %dma_wait3A_651 = arith.constant 0 : i32
      %dma_wait3A_652 = tpu.memref_slice %arg8[%run_scoped3A_427, %run_scoped3A_428, %dma_wait3A_651] : memref<2x3x3200xf32, #tpu.memory_space<vmem>> -> memref<1x1x3200xf32, #tpu.memory_space<vmem>>
      %dma_wait3A_653 = tpu.memref_squeeze %dma_wait3A_652 : memref<1x1x3200xf32, #tpu.memory_space<vmem>> -> memref<3200xf32, #tpu.memory_space<vmem>>
      %dma_wait3A_654 = tpu.memref_slice %arg6[%run_scoped3A_429, %add3A_393] : memref<3x819200xf32, #tpu.memory_space<hbm>> -> memref<1x3200xf32, #tpu.memory_space<hbm>>
      %dma_wait3A_655 = tpu.memref_squeeze %dma_wait3A_654 : memref<1x3200xf32, #tpu.memory_space<hbm>> -> memref<3200xf32, #tpu.memory_space<hbm>>
      %dma_wait3A_656 = tpu.memref_slice %arg6[%run_scoped3A_429, %add3A_393] : memref<3x819200xf32, #tpu.memory_space<hbm>> -> memref<1x3200xf32, #tpu.memory_space<hbm>>
      %dma_wait3A_657 = tpu.memref_squeeze %dma_wait3A_656 : memref<1x3200xf32, #tpu.memory_space<hbm>> -> memref<3200xf32, #tpu.memory_space<hbm>>
      %dma_wait3A_658 = arith.constant 0 : i32
      %dma_wait3A_659 = tpu.memref_slice %arg8[%run_scoped3A_427, %run_scoped3A_428, %dma_wait3A_658] : memref<2x3x3200xf32, #tpu.memory_space<vmem>> -> memref<1x1x3200xf32, #tpu.memory_space<vmem>>
      %dma_wait3A_660 = tpu.memref_squeeze %dma_wait3A_659 : memref<1x1x3200xf32, #tpu.memory_space<vmem>> -> memref<3200xf32, #tpu.memory_space<vmem>>
      tpu.wait_dma2 semaphore(%run_scoped3A_640 : memref<!tpu.dma_semaphore, #tpu.memory_space<semaphore_mem>>) src(%dma_wait3A_660 : memref<3200xf32, #tpu.memory_space<vmem>>) dst(%dma_wait3A_657 : memref<3200xf32, #tpu.memory_space<hbm>>)
      tpu.yield
    }) : () -> ()
    %run_scoped3A_430 = arith.constant 0 : i32
    %run_scoped3A_431 = arith.constant 1 : i32
    %run_scoped3A_432 = arith.constant 1 : i32
    "tpu.region"() ({
      %run_scoped3A_640 = tpu.sem_alloc : memref<!tpu.dma_semaphore, #tpu.memory_space<semaphore_mem>>
      %dma_start3A_641 = arith.constant 0 : i32
      %dma_start3A_642 = tpu.memref_slice %arg8[%run_scoped3A_430, %run_scoped3A_431, %dma_start3A_641] : memref<2x3x3200xf32, #tpu.memory_space<vmem>> -> memref<1x1x3200xf32, #tpu.memory_space<vmem>>
      %dma_start3A_643 = tpu.memref_squeeze %dma_start3A_642 : memref<1x1x3200xf32, #tpu.memory_space<vmem>> -> memref<3200xf32, #tpu.memory_space<vmem>>
      %dma_start3A_644 = tpu.memref_slice %arg6[%run_scoped3A_432, %add3A_393] : memref<3x819200xf32, #tpu.memory_space<hbm>> -> memref<1x3200xf32, #tpu.memory_space<hbm>>
      %dma_start3A_645 = tpu.memref_squeeze %dma_start3A_644 : memref<1x3200xf32, #tpu.memory_space<hbm>> -> memref<3200xf32, #tpu.memory_space<hbm>>
      %dma_start3A_646 = tpu.memref_slice %arg6[%run_scoped3A_432, %add3A_393] : memref<3x819200xf32, #tpu.memory_space<hbm>> -> memref<1x3200xf32, #tpu.memory_space<hbm>>
      %dma_start3A_647 = tpu.memref_squeeze %dma_start3A_646 : memref<1x3200xf32, #tpu.memory_space<hbm>> -> memref<3200xf32, #tpu.memory_space<hbm>>
      %dma_start3A_648 = arith.constant 0 : i32
      %dma_start3A_649 = tpu.memref_slice %arg8[%run_scoped3A_430, %run_scoped3A_431, %dma_start3A_648] : memref<2x3x3200xf32, #tpu.memory_space<vmem>> -> memref<1x1x3200xf32, #tpu.memory_space<vmem>>
      %dma_start3A_650 = tpu.memref_squeeze %dma_start3A_649 : memref<1x1x3200xf32, #tpu.memory_space<vmem>> -> memref<3200xf32, #tpu.memory_space<vmem>>
      tpu.enqueue_dma source(%dma_start3A_650 : memref<3200xf32, #tpu.memory_space<vmem>>) target(%dma_start3A_647 : memref<3200xf32, #tpu.memory_space<hbm>>) target_semaphore(%run_scoped3A_640 : memref<!tpu.dma_semaphore, #tpu.memory_space<semaphore_mem>>)
      %dma_wait3A_651 = arith.constant 0 : i32
      %dma_wait3A_652 = tpu.memref_slice %arg8[%run_scoped3A_430, %run_scoped3A_431, %dma_wait3A_651] : memref<2x3x3200xf32, #tpu.memory_space<vmem>> -> memref<1x1x3200xf32, #tpu.memory_space<vmem>>
      %dma_wait3A_653 = tpu.memref_squeeze %dma_wait3A_652 : memref<1x1x3200xf32, #tpu.memory_space<vmem>> -> memref<3200xf32, #tpu.memory_space<vmem>>
      %dma_wait3A_654 = tpu.memref_slice %arg6[%run_scoped3A_432, %add3A_393] : memref<3x819200xf32, #tpu.memory_space<hbm>> -> memref<1x3200xf32, #tpu.memory_space<hbm>>
      %dma_wait3A_655 = tpu.memref_squeeze %dma_wait3A_654 : memref<1x3200xf32, #tpu.memory_space<hbm>> -> memref<3200xf32, #tpu.memory_space<hbm>>
      %dma_wait3A_656 = tpu.memref_slice %arg6[%run_scoped3A_432, %add3A_393] : memref<3x819200xf32, #tpu.memory_space<hbm>> -> memref<1x3200xf32, #tpu.memory_space<hbm>>
      %dma_wait3A_657 = tpu.memref_squeeze %dma_wait3A_656 : memref<1x3200xf32, #tpu.memory_space<hbm>> -> memref<3200xf32, #tpu.memory_space<hbm>>
      %dma_wait3A_658 = arith.constant 0 : i32
      %dma_wait3A_659 = tpu.memref_slice %arg8[%run_scoped3A_430, %run_scoped3A_431, %dma_wait3A_658] : memref<2x3x3200xf32, #tpu.memory_space<vmem>> -> memref<1x1x3200xf32, #tpu.memory_space<vmem>>
      %dma_wait3A_660 = tpu.memref_squeeze %dma_wait3A_659 : memref<1x1x3200xf32, #tpu.memory_space<vmem>> -> memref<3200xf32, #tpu.memory_space<vmem>>
      tpu.wait_dma2 semaphore(%run_scoped3A_640 : memref<!tpu.dma_semaphore, #tpu.memory_space<semaphore_mem>>) src(%dma_wait3A_660 : memref<3200xf32, #tpu.memory_space<vmem>>) dst(%dma_wait3A_657 : memref<3200xf32, #tpu.memory_space<hbm>>)
      tpu.yield
    }) : () -> ()
    %run_scoped3A_433 = arith.constant 0 : i32
    %run_scoped3A_434 = arith.constant 2 : i32
    %run_scoped3A_435 = arith.constant 2 : i32
    "tpu.region"() ({
      %run_scoped3A_640 = tpu.sem_alloc : memref<!tpu.dma_semaphore, #tpu.memory_space<semaphore_mem>>
      %dma_start3A_641 = arith.constant 0 : i32
      %dma_start3A_642 = tpu.memref_slice %arg8[%run_scoped3A_433, %run_scoped3A_434, %dma_start3A_641] : memref<2x3x3200xf32, #tpu.memory_space<vmem>> -> memref<1x1x3200xf32, #tpu.memory_space<vmem>>
      %dma_start3A_643 = tpu.memref_squeeze %dma_start3A_642 : memref<1x1x3200xf32, #tpu.memory_space<vmem>> -> memref<3200xf32, #tpu.memory_space<vmem>>
      %dma_start3A_644 = tpu.memref_slice %arg6[%run_scoped3A_435, %add3A_393] : memref<3x819200xf32, #tpu.memory_space<hbm>> -> memref<1x3200xf32, #tpu.memory_space<hbm>>
      %dma_start3A_645 = tpu.memref_squeeze %dma_start3A_644 : memref<1x3200xf32, #tpu.memory_space<hbm>> -> memref<3200xf32, #tpu.memory_space<hbm>>
      %dma_start3A_646 = tpu.memref_slice %arg6[%run_scoped3A_435, %add3A_393] : memref<3x819200xf32, #tpu.memory_space<hbm>> -> memref<1x3200xf32, #tpu.memory_space<hbm>>
      %dma_start3A_647 = tpu.memref_squeeze %dma_start3A_646 : memref<1x3200xf32, #tpu.memory_space<hbm>> -> memref<3200xf32, #tpu.memory_space<hbm>>
      %dma_start3A_648 = arith.constant 0 : i32
      %dma_start3A_649 = tpu.memref_slice %arg8[%run_scoped3A_433, %run_scoped3A_434, %dma_start3A_648] : memref<2x3x3200xf32, #tpu.memory_space<vmem>> -> memref<1x1x3200xf32, #tpu.memory_space<vmem>>
      %dma_start3A_650 = tpu.memref_squeeze %dma_start3A_649 : memref<1x1x3200xf32, #tpu.memory_space<vmem>> -> memref<3200xf32, #tpu.memory_space<vmem>>
      tpu.enqueue_dma source(%dma_start3A_650 : memref<3200xf32, #tpu.memory_space<vmem>>) target(%dma_start3A_647 : memref<3200xf32, #tpu.memory_space<hbm>>) target_semaphore(%run_scoped3A_640 : memref<!tpu.dma_semaphore, #tpu.memory_space<semaphore_mem>>)
      %dma_wait3A_651 = arith.constant 0 : i32
      %dma_wait3A_652 = tpu.memref_slice %arg8[%run_scoped3A_433, %run_scoped3A_434, %dma_wait3A_651] : memref<2x3x3200xf32, #tpu.memory_space<vmem>> -> memref<1x1x3200xf32, #tpu.memory_space<vmem>>
      %dma_wait3A_653 = tpu.memref_squeeze %dma_wait3A_652 : memref<1x1x3200xf32, #tpu.memory_space<vmem>> -> memref<3200xf32, #tpu.memory_space<vmem>>
      %dma_wait3A_654 = tpu.memref_slice %arg6[%run_scoped3A_435, %add3A_393] : memref<3x819200xf32, #tpu.memory_space<hbm>> -> memref<1x3200xf32, #tpu.memory_space<hbm>>
      %dma_wait3A_655 = tpu.memref_squeeze %dma_wait3A_654 : memref<1x3200xf32, #tpu.memory_space<hbm>> -> memref<3200xf32, #tpu.memory_space<hbm>>
      %dma_wait3A_656 = tpu.memref_slice %arg6[%run_scoped3A_435, %add3A_393] : memref<3x819200xf32, #tpu.memory_space<hbm>> -> memref<1x3200xf32, #tpu.memory_space<hbm>>
      %dma_wait3A_657 = tpu.memref_squeeze %dma_wait3A_656 : memref<1x3200xf32, #tpu.memory_space<hbm>> -> memref<3200xf32, #tpu.memory_space<hbm>>
      %dma_wait3A_658 = arith.constant 0 : i32
      %dma_wait3A_659 = tpu.memref_slice %arg8[%run_scoped3A_433, %run_scoped3A_434, %dma_wait3A_658] : memref<2x3x3200xf32, #tpu.memory_space<vmem>> -> memref<1x1x3200xf32, #tpu.memory_space<vmem>>
      %dma_wait3A_660 = tpu.memref_squeeze %dma_wait3A_659 : memref<1x1x3200xf32, #tpu.memory_space<vmem>> -> memref<3200xf32, #tpu.memory_space<vmem>>
      tpu.wait_dma2 semaphore(%run_scoped3A_640 : memref<!tpu.dma_semaphore, #tpu.memory_space<semaphore_mem>>) src(%dma_wait3A_660 : memref<3200xf32, #tpu.memory_space<vmem>>) dst(%dma_wait3A_657 : memref<3200xf32, #tpu.memory_space<hbm>>)
      tpu.yield
    }) : () -> ()
    %add3A_436 = arith.constant 19200 : i32
    %add3A_437 = arith.addi %mul3A_2, %add3A_436 : i32
    %run_scoped3A_438 = arith.constant 0 : i32
    "tpu.region"() ({
      %run_scoped3A_640 = tpu.sem_alloc : memref<!tpu.dma_semaphore, #tpu.memory_space<semaphore_mem>>
      %dma_start3A_641 = arith.constant 0 : i32
      %dma_start3A_642 = tpu.memref_slice %arg7[%run_scoped3A_438, %dma_start3A_641] : memref<2x3200xi32, #tpu.memory_space<vmem>> -> memref<1x3200xi32, #tpu.memory_space<vmem>>
      %dma_start3A_643 = tpu.memref_squeeze %dma_start3A_642 : memref<1x3200xi32, #tpu.memory_space<vmem>> -> memref<3200xi32, #tpu.memory_space<vmem>>
      %dma_start3A_644 = tpu.memref_slice %arg5[%add3A_437] : memref<819200xi32, #tpu.memory_space<hbm>> -> memref<3200xi32, #tpu.memory_space<hbm>>
      %dma_start3A_645 = arith.constant 0 : i32
      %dma_start3A_646 = tpu.memref_slice %arg7[%run_scoped3A_438, %dma_start3A_645] : memref<2x3200xi32, #tpu.memory_space<vmem>> -> memref<1x3200xi32, #tpu.memory_space<vmem>>
      %dma_start3A_647 = tpu.memref_squeeze %dma_start3A_646 : memref<1x3200xi32, #tpu.memory_space<vmem>> -> memref<3200xi32, #tpu.memory_space<vmem>>
      %dma_start3A_648 = tpu.memref_slice %arg5[%add3A_437] : memref<819200xi32, #tpu.memory_space<hbm>> -> memref<3200xi32, #tpu.memory_space<hbm>>
      tpu.enqueue_dma source(%dma_start3A_648 : memref<3200xi32, #tpu.memory_space<hbm>>) target(%dma_start3A_647 : memref<3200xi32, #tpu.memory_space<vmem>>) target_semaphore(%run_scoped3A_640 : memref<!tpu.dma_semaphore, #tpu.memory_space<semaphore_mem>>)
      %dma_wait3A_649 = arith.constant 0 : i32
      %dma_wait3A_650 = tpu.memref_slice %arg7[%run_scoped3A_438, %dma_wait3A_649] : memref<2x3200xi32, #tpu.memory_space<vmem>> -> memref<1x3200xi32, #tpu.memory_space<vmem>>
      %dma_wait3A_651 = tpu.memref_squeeze %dma_wait3A_650 : memref<1x3200xi32, #tpu.memory_space<vmem>> -> memref<3200xi32, #tpu.memory_space<vmem>>
      %dma_wait3A_652 = tpu.memref_slice %arg5[%add3A_437] : memref<819200xi32, #tpu.memory_space<hbm>> -> memref<3200xi32, #tpu.memory_space<hbm>>
      %dma_wait3A_653 = arith.constant 0 : i32
      %dma_wait3A_654 = tpu.memref_slice %arg7[%run_scoped3A_438, %dma_wait3A_653] : memref<2x3200xi32, #tpu.memory_space<vmem>> -> memref<1x3200xi32, #tpu.memory_space<vmem>>
      %dma_wait3A_655 = tpu.memref_squeeze %dma_wait3A_654 : memref<1x3200xi32, #tpu.memory_space<vmem>> -> memref<3200xi32, #tpu.memory_space<vmem>>
      %dma_wait3A_656 = tpu.memref_slice %arg5[%add3A_437] : memref<819200xi32, #tpu.memory_space<hbm>> -> memref<3200xi32, #tpu.memory_space<hbm>>
      tpu.wait_dma2 semaphore(%run_scoped3A_640 : memref<!tpu.dma_semaphore, #tpu.memory_space<semaphore_mem>>) src(%dma_wait3A_656 : memref<3200xi32, #tpu.memory_space<hbm>>) dst(%dma_wait3A_655 : memref<3200xi32, #tpu.memory_space<vmem>>)
      tpu.yield
    }) : () -> ()
    %dma_start3A_439 = arith.constant 0 : i32
    %dma_start3A_440 = arith.constant 0 : i32
    %dma_start3A_441 = arith.constant 0 : i32
    %dma_start3A_442 = arith.constant 0 : i32
    %dma_start3A_443 = tpu.memref_slice %arg8[%dma_start3A_440, %dma_start3A_441, %dma_start3A_442] : memref<2x3x3200xf32, #tpu.memory_space<vmem>> -> memref<1x1x3200xf32, #tpu.memory_space<vmem>>
    %dma_start3A_444 = tpu.memref_squeeze %dma_start3A_443 : memref<1x1x3200xf32, #tpu.memory_space<vmem>> -> memref<3200xf32, #tpu.memory_space<vmem>>
    %dma_start3A_445 = arith.constant 0 : i32
    %dma_start3A_446 = tpu.memref_slice %arg7[%dma_start3A_439, %dma_start3A_445] : memref<2x3200xi32, #tpu.memory_space<vmem>> -> memref<1x3200xi32, #tpu.memory_space<vmem>>
    %dma_start3A_447 = tpu.memref_squeeze %dma_start3A_446 : memref<1x3200xi32, #tpu.memory_space<vmem>> -> memref<3200xi32, #tpu.memory_space<vmem>>
    %dma_start3A_448 = arith.constant 0 : i32
    %dma_start3A_449 = tpu.memref_slice %arg2[%dma_start3A_448] : memref<1000000xf32, #tpu.memory_space<hbm>> -> memref<1000000xf32, #tpu.memory_space<hbm>>
    tpu.enqueue_indirect_dma source(%dma_start3A_449 : memref<1000000xf32, #tpu.memory_space<hbm>>) target(%dma_start3A_444 : memref<3200xf32, #tpu.memory_space<vmem>>) offsets(%dma_start3A_447 : memref<3200xi32, #tpu.memory_space<vmem>>) semaphore(%arg9 : memref<!tpu.dma_semaphore, #tpu.memory_space<semaphore_mem>>)
    %dma_start3A_450 = arith.constant 0 : i32
    %dma_start3A_451 = arith.constant 0 : i32
    %dma_start3A_452 = arith.constant 1 : i32
    %dma_start3A_453 = arith.constant 0 : i32
    %dma_start3A_454 = tpu.memref_slice %arg8[%dma_start3A_451, %dma_start3A_452, %dma_start3A_453] : memref<2x3x3200xf32, #tpu.memory_space<vmem>> -> memref<1x1x3200xf32, #tpu.memory_space<vmem>>
    %dma_start3A_455 = tpu.memref_squeeze %dma_start3A_454 : memref<1x1x3200xf32, #tpu.memory_space<vmem>> -> memref<3200xf32, #tpu.memory_space<vmem>>
    %dma_start3A_456 = arith.constant 0 : i32
    %dma_start3A_457 = tpu.memref_slice %arg7[%dma_start3A_450, %dma_start3A_456] : memref<2x3200xi32, #tpu.memory_space<vmem>> -> memref<1x3200xi32, #tpu.memory_space<vmem>>
    %dma_start3A_458 = tpu.memref_squeeze %dma_start3A_457 : memref<1x3200xi32, #tpu.memory_space<vmem>> -> memref<3200xi32, #tpu.memory_space<vmem>>
    %dma_start3A_459 = arith.constant 0 : i32
    %dma_start3A_460 = tpu.memref_slice %arg3[%dma_start3A_459] : memref<1000000xf32, #tpu.memory_space<hbm>> -> memref<1000000xf32, #tpu.memory_space<hbm>>
    tpu.enqueue_indirect_dma source(%dma_start3A_460 : memref<1000000xf32, #tpu.memory_space<hbm>>) target(%dma_start3A_455 : memref<3200xf32, #tpu.memory_space<vmem>>) offsets(%dma_start3A_458 : memref<3200xi32, #tpu.memory_space<vmem>>) semaphore(%arg9 : memref<!tpu.dma_semaphore, #tpu.memory_space<semaphore_mem>>)
    %dma_start3A_461 = arith.constant 0 : i32
    %dma_start3A_462 = arith.constant 0 : i32
    %dma_start3A_463 = arith.constant 2 : i32
    %dma_start3A_464 = arith.constant 0 : i32
    %dma_start3A_465 = tpu.memref_slice %arg8[%dma_start3A_462, %dma_start3A_463, %dma_start3A_464] : memref<2x3x3200xf32, #tpu.memory_space<vmem>> -> memref<1x1x3200xf32, #tpu.memory_space<vmem>>
    %dma_start3A_466 = tpu.memref_squeeze %dma_start3A_465 : memref<1x1x3200xf32, #tpu.memory_space<vmem>> -> memref<3200xf32, #tpu.memory_space<vmem>>
    %dma_start3A_467 = arith.constant 0 : i32
    %dma_start3A_468 = tpu.memref_slice %arg7[%dma_start3A_461, %dma_start3A_467] : memref<2x3200xi32, #tpu.memory_space<vmem>> -> memref<1x3200xi32, #tpu.memory_space<vmem>>
    %dma_start3A_469 = tpu.memref_squeeze %dma_start3A_468 : memref<1x3200xi32, #tpu.memory_space<vmem>> -> memref<3200xi32, #tpu.memory_space<vmem>>
    %dma_start3A_470 = arith.constant 0 : i32
    %dma_start3A_471 = tpu.memref_slice %arg4[%dma_start3A_470] : memref<1000000xf32, #tpu.memory_space<hbm>> -> memref<1000000xf32, #tpu.memory_space<hbm>>
    tpu.enqueue_indirect_dma source(%dma_start3A_471 : memref<1000000xf32, #tpu.memory_space<hbm>>) target(%dma_start3A_466 : memref<3200xf32, #tpu.memory_space<vmem>>) offsets(%dma_start3A_469 : memref<3200xi32, #tpu.memory_space<vmem>>) semaphore(%arg9 : memref<!tpu.dma_semaphore, #tpu.memory_space<semaphore_mem>>)
    %add3A_472 = arith.constant 16000 : i32
    %add3A_473 = arith.addi %mul3A_2, %add3A_472 : i32
    %dma_wait3A_474 = arith.constant 1 : i32
    %dma_wait3A_475 = arith.constant 1 : i32
    %dma_wait3A_476 = arith.constant 0 : i32
    %dma_wait3A_477 = arith.constant 0 : i32
    %dma_wait3A_478 = tpu.memref_slice %arg8[%dma_wait3A_475, %dma_wait3A_476, %dma_wait3A_477] : memref<2x3x3200xf32, #tpu.memory_space<vmem>> -> memref<1x1x3200xf32, #tpu.memory_space<vmem>>
    %dma_wait3A_479 = tpu.memref_squeeze %dma_wait3A_478 : memref<1x1x3200xf32, #tpu.memory_space<vmem>> -> memref<3200xf32, #tpu.memory_space<vmem>>
    %dma_wait3A_480 = arith.constant 0 : i32
    %dma_wait3A_481 = tpu.memref_slice %arg7[%dma_wait3A_474, %dma_wait3A_480] : memref<2x3200xi32, #tpu.memory_space<vmem>> -> memref<1x3200xi32, #tpu.memory_space<vmem>>
    %dma_wait3A_482 = tpu.memref_squeeze %dma_wait3A_481 : memref<1x3200xi32, #tpu.memory_space<vmem>> -> memref<3200xi32, #tpu.memory_space<vmem>>
    %dma_wait3A_483 = arith.constant 0 : i32
    %dma_wait3A_484 = tpu.memref_slice %arg2[%dma_wait3A_483] : memref<1000000xf32, #tpu.memory_space<hbm>> -> memref<1000000xf32, #tpu.memory_space<hbm>>
    tpu.wait_indirect_dma semaphore(%arg10 : memref<!tpu.dma_semaphore, #tpu.memory_space<semaphore_mem>>) src(%dma_wait3A_484 : memref<1000000xf32, #tpu.memory_space<hbm>>) dst(%dma_wait3A_479 : memref<3200xf32, #tpu.memory_space<vmem>>)
    %dma_wait3A_485 = arith.constant 1 : i32
    %dma_wait3A_486 = arith.constant 1 : i32
    %dma_wait3A_487 = arith.constant 1 : i32
    %dma_wait3A_488 = arith.constant 0 : i32
    %dma_wait3A_489 = tpu.memref_slice %arg8[%dma_wait3A_486, %dma_wait3A_487, %dma_wait3A_488] : memref<2x3x3200xf32, #tpu.memory_space<vmem>> -> memref<1x1x3200xf32, #tpu.memory_space<vmem>>
    %dma_wait3A_490 = tpu.memref_squeeze %dma_wait3A_489 : memref<1x1x3200xf32, #tpu.memory_space<vmem>> -> memref<3200xf32, #tpu.memory_space<vmem>>
    %dma_wait3A_491 = arith.constant 0 : i32
    %dma_wait3A_492 = tpu.memref_slice %arg7[%dma_wait3A_485, %dma_wait3A_491] : memref<2x3200xi32, #tpu.memory_space<vmem>> -> memref<1x3200xi32, #tpu.memory_space<vmem>>
    %dma_wait3A_493 = tpu.memref_squeeze %dma_wait3A_492 : memref<1x3200xi32, #tpu.memory_space<vmem>> -> memref<3200xi32, #tpu.memory_space<vmem>>
    %dma_wait3A_494 = arith.constant 0 : i32
    %dma_wait3A_495 = tpu.memref_slice %arg3[%dma_wait3A_494] : memref<1000000xf32, #tpu.memory_space<hbm>> -> memref<1000000xf32, #tpu.memory_space<hbm>>
    tpu.wait_indirect_dma semaphore(%arg10 : memref<!tpu.dma_semaphore, #tpu.memory_space<semaphore_mem>>) src(%dma_wait3A_495 : memref<1000000xf32, #tpu.memory_space<hbm>>) dst(%dma_wait3A_490 : memref<3200xf32, #tpu.memory_space<vmem>>)
    %dma_wait3A_496 = arith.constant 1 : i32
    %dma_wait3A_497 = arith.constant 1 : i32
    %dma_wait3A_498 = arith.constant 2 : i32
    %dma_wait3A_499 = arith.constant 0 : i32
    %dma_wait3A_500 = tpu.memref_slice %arg8[%dma_wait3A_497, %dma_wait3A_498, %dma_wait3A_499] : memref<2x3x3200xf32, #tpu.memory_space<vmem>> -> memref<1x1x3200xf32, #tpu.memory_space<vmem>>
    %dma_wait3A_501 = tpu.memref_squeeze %dma_wait3A_500 : memref<1x1x3200xf32, #tpu.memory_space<vmem>> -> memref<3200xf32, #tpu.memory_space<vmem>>
    %dma_wait3A_502 = arith.constant 0 : i32
    %dma_wait3A_503 = tpu.memref_slice %arg7[%dma_wait3A_496, %dma_wait3A_502] : memref<2x3200xi32, #tpu.memory_space<vmem>> -> memref<1x3200xi32, #tpu.memory_space<vmem>>
    %dma_wait3A_504 = tpu.memref_squeeze %dma_wait3A_503 : memref<1x3200xi32, #tpu.memory_space<vmem>> -> memref<3200xi32, #tpu.memory_space<vmem>>
    %dma_wait3A_505 = arith.constant 0 : i32
    %dma_wait3A_506 = tpu.memref_slice %arg4[%dma_wait3A_505] : memref<1000000xf32, #tpu.memory_space<hbm>> -> memref<1000000xf32, #tpu.memory_space<hbm>>
    tpu.wait_indirect_dma semaphore(%arg10 : memref<!tpu.dma_semaphore, #tpu.memory_space<semaphore_mem>>) src(%dma_wait3A_506 : memref<1000000xf32, #tpu.memory_space<hbm>>) dst(%dma_wait3A_501 : memref<3200xf32, #tpu.memory_space<vmem>>)
    %run_scoped3A_507 = arith.constant 1 : i32
    %run_scoped3A_508 = arith.constant 0 : i32
    %run_scoped3A_509 = arith.constant 0 : i32
    "tpu.region"() ({
      %run_scoped3A_640 = tpu.sem_alloc : memref<!tpu.dma_semaphore, #tpu.memory_space<semaphore_mem>>
      %dma_start3A_641 = arith.constant 0 : i32
      %dma_start3A_642 = tpu.memref_slice %arg8[%run_scoped3A_507, %run_scoped3A_508, %dma_start3A_641] : memref<2x3x3200xf32, #tpu.memory_space<vmem>> -> memref<1x1x3200xf32, #tpu.memory_space<vmem>>
      %dma_start3A_643 = tpu.memref_squeeze %dma_start3A_642 : memref<1x1x3200xf32, #tpu.memory_space<vmem>> -> memref<3200xf32, #tpu.memory_space<vmem>>
      %dma_start3A_644 = tpu.memref_slice %arg6[%run_scoped3A_509, %add3A_473] : memref<3x819200xf32, #tpu.memory_space<hbm>> -> memref<1x3200xf32, #tpu.memory_space<hbm>>
      %dma_start3A_645 = tpu.memref_squeeze %dma_start3A_644 : memref<1x3200xf32, #tpu.memory_space<hbm>> -> memref<3200xf32, #tpu.memory_space<hbm>>
      %dma_start3A_646 = tpu.memref_slice %arg6[%run_scoped3A_509, %add3A_473] : memref<3x819200xf32, #tpu.memory_space<hbm>> -> memref<1x3200xf32, #tpu.memory_space<hbm>>
      %dma_start3A_647 = tpu.memref_squeeze %dma_start3A_646 : memref<1x3200xf32, #tpu.memory_space<hbm>> -> memref<3200xf32, #tpu.memory_space<hbm>>
      %dma_start3A_648 = arith.constant 0 : i32
      %dma_start3A_649 = tpu.memref_slice %arg8[%run_scoped3A_507, %run_scoped3A_508, %dma_start3A_648] : memref<2x3x3200xf32, #tpu.memory_space<vmem>> -> memref<1x1x3200xf32, #tpu.memory_space<vmem>>
      %dma_start3A_650 = tpu.memref_squeeze %dma_start3A_649 : memref<1x1x3200xf32, #tpu.memory_space<vmem>> -> memref<3200xf32, #tpu.memory_space<vmem>>
      tpu.enqueue_dma source(%dma_start3A_650 : memref<3200xf32, #tpu.memory_space<vmem>>) target(%dma_start3A_647 : memref<3200xf32, #tpu.memory_space<hbm>>) target_semaphore(%run_scoped3A_640 : memref<!tpu.dma_semaphore, #tpu.memory_space<semaphore_mem>>)
      %dma_wait3A_651 = arith.constant 0 : i32
      %dma_wait3A_652 = tpu.memref_slice %arg8[%run_scoped3A_507, %run_scoped3A_508, %dma_wait3A_651] : memref<2x3x3200xf32, #tpu.memory_space<vmem>> -> memref<1x1x3200xf32, #tpu.memory_space<vmem>>
      %dma_wait3A_653 = tpu.memref_squeeze %dma_wait3A_652 : memref<1x1x3200xf32, #tpu.memory_space<vmem>> -> memref<3200xf32, #tpu.memory_space<vmem>>
      %dma_wait3A_654 = tpu.memref_slice %arg6[%run_scoped3A_509, %add3A_473] : memref<3x819200xf32, #tpu.memory_space<hbm>> -> memref<1x3200xf32, #tpu.memory_space<hbm>>
      %dma_wait3A_655 = tpu.memref_squeeze %dma_wait3A_654 : memref<1x3200xf32, #tpu.memory_space<hbm>> -> memref<3200xf32, #tpu.memory_space<hbm>>
      %dma_wait3A_656 = tpu.memref_slice %arg6[%run_scoped3A_509, %add3A_473] : memref<3x819200xf32, #tpu.memory_space<hbm>> -> memref<1x3200xf32, #tpu.memory_space<hbm>>
      %dma_wait3A_657 = tpu.memref_squeeze %dma_wait3A_656 : memref<1x3200xf32, #tpu.memory_space<hbm>> -> memref<3200xf32, #tpu.memory_space<hbm>>
      %dma_wait3A_658 = arith.constant 0 : i32
      %dma_wait3A_659 = tpu.memref_slice %arg8[%run_scoped3A_507, %run_scoped3A_508, %dma_wait3A_658] : memref<2x3x3200xf32, #tpu.memory_space<vmem>> -> memref<1x1x3200xf32, #tpu.memory_space<vmem>>
      %dma_wait3A_660 = tpu.memref_squeeze %dma_wait3A_659 : memref<1x1x3200xf32, #tpu.memory_space<vmem>> -> memref<3200xf32, #tpu.memory_space<vmem>>
      tpu.wait_dma2 semaphore(%run_scoped3A_640 : memref<!tpu.dma_semaphore, #tpu.memory_space<semaphore_mem>>) src(%dma_wait3A_660 : memref<3200xf32, #tpu.memory_space<vmem>>) dst(%dma_wait3A_657 : memref<3200xf32, #tpu.memory_space<hbm>>)
      tpu.yield
    }) : () -> ()
    %run_scoped3A_510 = arith.constant 1 : i32
    %run_scoped3A_511 = arith.constant 1 : i32
    %run_scoped3A_512 = arith.constant 1 : i32
    "tpu.region"() ({
      %run_scoped3A_640 = tpu.sem_alloc : memref<!tpu.dma_semaphore, #tpu.memory_space<semaphore_mem>>
      %dma_start3A_641 = arith.constant 0 : i32
      %dma_start3A_642 = tpu.memref_slice %arg8[%run_scoped3A_510, %run_scoped3A_511, %dma_start3A_641] : memref<2x3x3200xf32, #tpu.memory_space<vmem>> -> memref<1x1x3200xf32, #tpu.memory_space<vmem>>
      %dma_start3A_643 = tpu.memref_squeeze %dma_start3A_642 : memref<1x1x3200xf32, #tpu.memory_space<vmem>> -> memref<3200xf32, #tpu.memory_space<vmem>>
      %dma_start3A_644 = tpu.memref_slice %arg6[%run_scoped3A_512, %add3A_473] : memref<3x819200xf32, #tpu.memory_space<hbm>> -> memref<1x3200xf32, #tpu.memory_space<hbm>>
      %dma_start3A_645 = tpu.memref_squeeze %dma_start3A_644 : memref<1x3200xf32, #tpu.memory_space<hbm>> -> memref<3200xf32, #tpu.memory_space<hbm>>
      %dma_start3A_646 = tpu.memref_slice %arg6[%run_scoped3A_512, %add3A_473] : memref<3x819200xf32, #tpu.memory_space<hbm>> -> memref<1x3200xf32, #tpu.memory_space<hbm>>
      %dma_start3A_647 = tpu.memref_squeeze %dma_start3A_646 : memref<1x3200xf32, #tpu.memory_space<hbm>> -> memref<3200xf32, #tpu.memory_space<hbm>>
      %dma_start3A_648 = arith.constant 0 : i32
      %dma_start3A_649 = tpu.memref_slice %arg8[%run_scoped3A_510, %run_scoped3A_511, %dma_start3A_648] : memref<2x3x3200xf32, #tpu.memory_space<vmem>> -> memref<1x1x3200xf32, #tpu.memory_space<vmem>>
      %dma_start3A_650 = tpu.memref_squeeze %dma_start3A_649 : memref<1x1x3200xf32, #tpu.memory_space<vmem>> -> memref<3200xf32, #tpu.memory_space<vmem>>
      tpu.enqueue_dma source(%dma_start3A_650 : memref<3200xf32, #tpu.memory_space<vmem>>) target(%dma_start3A_647 : memref<3200xf32, #tpu.memory_space<hbm>>) target_semaphore(%run_scoped3A_640 : memref<!tpu.dma_semaphore, #tpu.memory_space<semaphore_mem>>)
      %dma_wait3A_651 = arith.constant 0 : i32
      %dma_wait3A_652 = tpu.memref_slice %arg8[%run_scoped3A_510, %run_scoped3A_511, %dma_wait3A_651] : memref<2x3x3200xf32, #tpu.memory_space<vmem>> -> memref<1x1x3200xf32, #tpu.memory_space<vmem>>
      %dma_wait3A_653 = tpu.memref_squeeze %dma_wait3A_652 : memref<1x1x3200xf32, #tpu.memory_space<vmem>> -> memref<3200xf32, #tpu.memory_space<vmem>>
      %dma_wait3A_654 = tpu.memref_slice %arg6[%run_scoped3A_512, %add3A_473] : memref<3x819200xf32, #tpu.memory_space<hbm>> -> memref<1x3200xf32, #tpu.memory_space<hbm>>
      %dma_wait3A_655 = tpu.memref_squeeze %dma_wait3A_654 : memref<1x3200xf32, #tpu.memory_space<hbm>> -> memref<3200xf32, #tpu.memory_space<hbm>>
      %dma_wait3A_656 = tpu.memref_slice %arg6[%run_scoped3A_512, %add3A_473] : memref<3x819200xf32, #tpu.memory_space<hbm>> -> memref<1x3200xf32, #tpu.memory_space<hbm>>
      %dma_wait3A_657 = tpu.memref_squeeze %dma_wait3A_656 : memref<1x3200xf32, #tpu.memory_space<hbm>> -> memref<3200xf32, #tpu.memory_space<hbm>>
      %dma_wait3A_658 = arith.constant 0 : i32
      %dma_wait3A_659 = tpu.memref_slice %arg8[%run_scoped3A_510, %run_scoped3A_511, %dma_wait3A_658] : memref<2x3x3200xf32, #tpu.memory_space<vmem>> -> memref<1x1x3200xf32, #tpu.memory_space<vmem>>
      %dma_wait3A_660 = tpu.memref_squeeze %dma_wait3A_659 : memref<1x1x3200xf32, #tpu.memory_space<vmem>> -> memref<3200xf32, #tpu.memory_space<vmem>>
      tpu.wait_dma2 semaphore(%run_scoped3A_640 : memref<!tpu.dma_semaphore, #tpu.memory_space<semaphore_mem>>) src(%dma_wait3A_660 : memref<3200xf32, #tpu.memory_space<vmem>>) dst(%dma_wait3A_657 : memref<3200xf32, #tpu.memory_space<hbm>>)
      tpu.yield
    }) : () -> ()
    %run_scoped3A_513 = arith.constant 1 : i32
    %run_scoped3A_514 = arith.constant 2 : i32
    %run_scoped3A_515 = arith.constant 2 : i32
    "tpu.region"() ({
      %run_scoped3A_640 = tpu.sem_alloc : memref<!tpu.dma_semaphore, #tpu.memory_space<semaphore_mem>>
      %dma_start3A_641 = arith.constant 0 : i32
      %dma_start3A_642 = tpu.memref_slice %arg8[%run_scoped3A_513, %run_scoped3A_514, %dma_start3A_641] : memref<2x3x3200xf32, #tpu.memory_space<vmem>> -> memref<1x1x3200xf32, #tpu.memory_space<vmem>>
      %dma_start3A_643 = tpu.memref_squeeze %dma_start3A_642 : memref<1x1x3200xf32, #tpu.memory_space<vmem>> -> memref<3200xf32, #tpu.memory_space<vmem>>
      %dma_start3A_644 = tpu.memref_slice %arg6[%run_scoped3A_515, %add3A_473] : memref<3x819200xf32, #tpu.memory_space<hbm>> -> memref<1x3200xf32, #tpu.memory_space<hbm>>
      %dma_start3A_645 = tpu.memref_squeeze %dma_start3A_644 : memref<1x3200xf32, #tpu.memory_space<hbm>> -> memref<3200xf32, #tpu.memory_space<hbm>>
      %dma_start3A_646 = tpu.memref_slice %arg6[%run_scoped3A_515, %add3A_473] : memref<3x819200xf32, #tpu.memory_space<hbm>> -> memref<1x3200xf32, #tpu.memory_space<hbm>>
      %dma_start3A_647 = tpu.memref_squeeze %dma_start3A_646 : memref<1x3200xf32, #tpu.memory_space<hbm>> -> memref<3200xf32, #tpu.memory_space<hbm>>
      %dma_start3A_648 = arith.constant 0 : i32
      %dma_start3A_649 = tpu.memref_slice %arg8[%run_scoped3A_513, %run_scoped3A_514, %dma_start3A_648] : memref<2x3x3200xf32, #tpu.memory_space<vmem>> -> memref<1x1x3200xf32, #tpu.memory_space<vmem>>
      %dma_start3A_650 = tpu.memref_squeeze %dma_start3A_649 : memref<1x1x3200xf32, #tpu.memory_space<vmem>> -> memref<3200xf32, #tpu.memory_space<vmem>>
      tpu.enqueue_dma source(%dma_start3A_650 : memref<3200xf32, #tpu.memory_space<vmem>>) target(%dma_start3A_647 : memref<3200xf32, #tpu.memory_space<hbm>>) target_semaphore(%run_scoped3A_640 : memref<!tpu.dma_semaphore, #tpu.memory_space<semaphore_mem>>)
      %dma_wait3A_651 = arith.constant 0 : i32
      %dma_wait3A_652 = tpu.memref_slice %arg8[%run_scoped3A_513, %run_scoped3A_514, %dma_wait3A_651] : memref<2x3x3200xf32, #tpu.memory_space<vmem>> -> memref<1x1x3200xf32, #tpu.memory_space<vmem>>
      %dma_wait3A_653 = tpu.memref_squeeze %dma_wait3A_652 : memref<1x1x3200xf32, #tpu.memory_space<vmem>> -> memref<3200xf32, #tpu.memory_space<vmem>>
      %dma_wait3A_654 = tpu.memref_slice %arg6[%run_scoped3A_515, %add3A_473] : memref<3x819200xf32, #tpu.memory_space<hbm>> -> memref<1x3200xf32, #tpu.memory_space<hbm>>
      %dma_wait3A_655 = tpu.memref_squeeze %dma_wait3A_654 : memref<1x3200xf32, #tpu.memory_space<hbm>> -> memref<3200xf32, #tpu.memory_space<hbm>>
      %dma_wait3A_656 = tpu.memref_slice %arg6[%run_scoped3A_515, %add3A_473] : memref<3x819200xf32, #tpu.memory_space<hbm>> -> memref<1x3200xf32, #tpu.memory_space<hbm>>
      %dma_wait3A_657 = tpu.memref_squeeze %dma_wait3A_656 : memref<1x3200xf32, #tpu.memory_space<hbm>> -> memref<3200xf32, #tpu.memory_space<hbm>>
      %dma_wait3A_658 = arith.constant 0 : i32
      %dma_wait3A_659 = tpu.memref_slice %arg8[%run_scoped3A_513, %run_scoped3A_514, %dma_wait3A_658] : memref<2x3x3200xf32, #tpu.memory_space<vmem>> -> memref<1x1x3200xf32, #tpu.memory_space<vmem>>
      %dma_wait3A_660 = tpu.memref_squeeze %dma_wait3A_659 : memref<1x1x3200xf32, #tpu.memory_space<vmem>> -> memref<3200xf32, #tpu.memory_space<vmem>>
      tpu.wait_dma2 semaphore(%run_scoped3A_640 : memref<!tpu.dma_semaphore, #tpu.memory_space<semaphore_mem>>) src(%dma_wait3A_660 : memref<3200xf32, #tpu.memory_space<vmem>>) dst(%dma_wait3A_657 : memref<3200xf32, #tpu.memory_space<hbm>>)
      tpu.yield
    }) : () -> ()
    %add3A_516 = arith.constant 22400 : i32
    %add3A_517 = arith.addi %mul3A_2, %add3A_516 : i32
    %run_scoped3A_518 = arith.constant 1 : i32
    "tpu.region"() ({
      %run_scoped3A_640 = tpu.sem_alloc : memref<!tpu.dma_semaphore, #tpu.memory_space<semaphore_mem>>
      %dma_start3A_641 = arith.constant 0 : i32
      %dma_start3A_642 = tpu.memref_slice %arg7[%run_scoped3A_518, %dma_start3A_641] : memref<2x3200xi32, #tpu.memory_space<vmem>> -> memref<1x3200xi32, #tpu.memory_space<vmem>>
      %dma_start3A_643 = tpu.memref_squeeze %dma_start3A_642 : memref<1x3200xi32, #tpu.memory_space<vmem>> -> memref<3200xi32, #tpu.memory_space<vmem>>
      %dma_start3A_644 = tpu.memref_slice %arg5[%add3A_517] : memref<819200xi32, #tpu.memory_space<hbm>> -> memref<3200xi32, #tpu.memory_space<hbm>>
      %dma_start3A_645 = arith.constant 0 : i32
      %dma_start3A_646 = tpu.memref_slice %arg7[%run_scoped3A_518, %dma_start3A_645] : memref<2x3200xi32, #tpu.memory_space<vmem>> -> memref<1x3200xi32, #tpu.memory_space<vmem>>
      %dma_start3A_647 = tpu.memref_squeeze %dma_start3A_646 : memref<1x3200xi32, #tpu.memory_space<vmem>> -> memref<3200xi32, #tpu.memory_space<vmem>>
      %dma_start3A_648 = tpu.memref_slice %arg5[%add3A_517] : memref<819200xi32, #tpu.memory_space<hbm>> -> memref<3200xi32, #tpu.memory_space<hbm>>
      tpu.enqueue_dma source(%dma_start3A_648 : memref<3200xi32, #tpu.memory_space<hbm>>) target(%dma_start3A_647 : memref<3200xi32, #tpu.memory_space<vmem>>) target_semaphore(%run_scoped3A_640 : memref<!tpu.dma_semaphore, #tpu.memory_space<semaphore_mem>>)
      %dma_wait3A_649 = arith.constant 0 : i32
      %dma_wait3A_650 = tpu.memref_slice %arg7[%run_scoped3A_518, %dma_wait3A_649] : memref<2x3200xi32, #tpu.memory_space<vmem>> -> memref<1x3200xi32, #tpu.memory_space<vmem>>
      %dma_wait3A_651 = tpu.memref_squeeze %dma_wait3A_650 : memref<1x3200xi32, #tpu.memory_space<vmem>> -> memref<3200xi32, #tpu.memory_space<vmem>>
      %dma_wait3A_652 = tpu.memref_slice %arg5[%add3A_517] : memref<819200xi32, #tpu.memory_space<hbm>> -> memref<3200xi32, #tpu.memory_space<hbm>>
      %dma_wait3A_653 = arith.constant 0 : i32
      %dma_wait3A_654 = tpu.memref_slice %arg7[%run_scoped3A_518, %dma_wait3A_653] : memref<2x3200xi32, #tpu.memory_space<vmem>> -> memref<1x3200xi32, #tpu.memory_space<vmem>>
      %dma_wait3A_655 = tpu.memref_squeeze %dma_wait3A_654 : memref<1x3200xi32, #tpu.memory_space<vmem>> -> memref<3200xi32, #tpu.memory_space<vmem>>
      %dma_wait3A_656 = tpu.memref_slice %arg5[%add3A_517] : memref<819200xi32, #tpu.memory_space<hbm>> -> memref<3200xi32, #tpu.memory_space<hbm>>
      tpu.wait_dma2 semaphore(%run_scoped3A_640 : memref<!tpu.dma_semaphore, #tpu.memory_space<semaphore_mem>>) src(%dma_wait3A_656 : memref<3200xi32, #tpu.memory_space<hbm>>) dst(%dma_wait3A_655 : memref<3200xi32, #tpu.memory_space<vmem>>)
      tpu.yield
    }) : () -> ()
    %dma_start3A_519 = arith.constant 1 : i32
    %dma_start3A_520 = arith.constant 1 : i32
    %dma_start3A_521 = arith.constant 0 : i32
    %dma_start3A_522 = arith.constant 0 : i32
    %dma_start3A_523 = tpu.memref_slice %arg8[%dma_start3A_520, %dma_start3A_521, %dma_start3A_522] : memref<2x3x3200xf32, #tpu.memory_space<vmem>> -> memref<1x1x3200xf32, #tpu.memory_space<vmem>>
    %dma_start3A_524 = tpu.memref_squeeze %dma_start3A_523 : memref<1x1x3200xf32, #tpu.memory_space<vmem>> -> memref<3200xf32, #tpu.memory_space<vmem>>
    %dma_start3A_525 = arith.constant 0 : i32
    %dma_start3A_526 = tpu.memref_slice %arg7[%dma_start3A_519, %dma_start3A_525] : memref<2x3200xi32, #tpu.memory_space<vmem>> -> memref<1x3200xi32, #tpu.memory_space<vmem>>
    %dma_start3A_527 = tpu.memref_squeeze %dma_start3A_526 : memref<1x3200xi32, #tpu.memory_space<vmem>> -> memref<3200xi32, #tpu.memory_space<vmem>>
    %dma_start3A_528 = arith.constant 0 : i32
    %dma_start3A_529 = tpu.memref_slice %arg2[%dma_start3A_528] : memref<1000000xf32, #tpu.memory_space<hbm>> -> memref<1000000xf32, #tpu.memory_space<hbm>>
    tpu.enqueue_indirect_dma source(%dma_start3A_529 : memref<1000000xf32, #tpu.memory_space<hbm>>) target(%dma_start3A_524 : memref<3200xf32, #tpu.memory_space<vmem>>) offsets(%dma_start3A_527 : memref<3200xi32, #tpu.memory_space<vmem>>) semaphore(%arg10 : memref<!tpu.dma_semaphore, #tpu.memory_space<semaphore_mem>>)
    %dma_start3A_530 = arith.constant 1 : i32
    %dma_start3A_531 = arith.constant 1 : i32
    %dma_start3A_532 = arith.constant 1 : i32
    %dma_start3A_533 = arith.constant 0 : i32
    %dma_start3A_534 = tpu.memref_slice %arg8[%dma_start3A_531, %dma_start3A_532, %dma_start3A_533] : memref<2x3x3200xf32, #tpu.memory_space<vmem>> -> memref<1x1x3200xf32, #tpu.memory_space<vmem>>
    %dma_start3A_535 = tpu.memref_squeeze %dma_start3A_534 : memref<1x1x3200xf32, #tpu.memory_space<vmem>> -> memref<3200xf32, #tpu.memory_space<vmem>>
    %dma_start3A_536 = arith.constant 0 : i32
    %dma_start3A_537 = tpu.memref_slice %arg7[%dma_start3A_530, %dma_start3A_536] : memref<2x3200xi32, #tpu.memory_space<vmem>> -> memref<1x3200xi32, #tpu.memory_space<vmem>>
    %dma_start3A_538 = tpu.memref_squeeze %dma_start3A_537 : memref<1x3200xi32, #tpu.memory_space<vmem>> -> memref<3200xi32, #tpu.memory_space<vmem>>
    %dma_start3A_539 = arith.constant 0 : i32
    %dma_start3A_540 = tpu.memref_slice %arg3[%dma_start3A_539] : memref<1000000xf32, #tpu.memory_space<hbm>> -> memref<1000000xf32, #tpu.memory_space<hbm>>
    tpu.enqueue_indirect_dma source(%dma_start3A_540 : memref<1000000xf32, #tpu.memory_space<hbm>>) target(%dma_start3A_535 : memref<3200xf32, #tpu.memory_space<vmem>>) offsets(%dma_start3A_538 : memref<3200xi32, #tpu.memory_space<vmem>>) semaphore(%arg10 : memref<!tpu.dma_semaphore, #tpu.memory_space<semaphore_mem>>)
    %dma_start3A_541 = arith.constant 1 : i32
    %dma_start3A_542 = arith.constant 1 : i32
    %dma_start3A_543 = arith.constant 2 : i32
    %dma_start3A_544 = arith.constant 0 : i32
    %dma_start3A_545 = tpu.memref_slice %arg8[%dma_start3A_542, %dma_start3A_543, %dma_start3A_544] : memref<2x3x3200xf32, #tpu.memory_space<vmem>> -> memref<1x1x3200xf32, #tpu.memory_space<vmem>>
    %dma_start3A_546 = tpu.memref_squeeze %dma_start3A_545 : memref<1x1x3200xf32, #tpu.memory_space<vmem>> -> memref<3200xf32, #tpu.memory_space<vmem>>
    %dma_start3A_547 = arith.constant 0 : i32
    %dma_start3A_548 = tpu.memref_slice %arg7[%dma_start3A_541, %dma_start3A_547] : memref<2x3200xi32, #tpu.memory_space<vmem>> -> memref<1x3200xi32, #tpu.memory_space<vmem>>
    %dma_start3A_549 = tpu.memref_squeeze %dma_start3A_548 : memref<1x3200xi32, #tpu.memory_space<vmem>> -> memref<3200xi32, #tpu.memory_space<vmem>>
    %dma_start3A_550 = arith.constant 0 : i32
    %dma_start3A_551 = tpu.memref_slice %arg4[%dma_start3A_550] : memref<1000000xf32, #tpu.memory_space<hbm>> -> memref<1000000xf32, #tpu.memory_space<hbm>>
    tpu.enqueue_indirect_dma source(%dma_start3A_551 : memref<1000000xf32, #tpu.memory_space<hbm>>) target(%dma_start3A_546 : memref<3200xf32, #tpu.memory_space<vmem>>) offsets(%dma_start3A_549 : memref<3200xi32, #tpu.memory_space<vmem>>) semaphore(%arg10 : memref<!tpu.dma_semaphore, #tpu.memory_space<semaphore_mem>>)
    %add3A_552 = arith.constant 19200 : i32
    %add3A_553 = arith.addi %mul3A_2, %add3A_552 : i32
    %dma_wait3A_554 = arith.constant 0 : i32
    %dma_wait3A_555 = arith.constant 0 : i32
    %dma_wait3A_556 = arith.constant 0 : i32
    %dma_wait3A_557 = arith.constant 0 : i32
    %dma_wait3A_558 = tpu.memref_slice %arg8[%dma_wait3A_555, %dma_wait3A_556, %dma_wait3A_557] : memref<2x3x3200xf32, #tpu.memory_space<vmem>> -> memref<1x1x3200xf32, #tpu.memory_space<vmem>>
    %dma_wait3A_559 = tpu.memref_squeeze %dma_wait3A_558 : memref<1x1x3200xf32, #tpu.memory_space<vmem>> -> memref<3200xf32, #tpu.memory_space<vmem>>
    %dma_wait3A_560 = arith.constant 0 : i32
    %dma_wait3A_561 = tpu.memref_slice %arg7[%dma_wait3A_554, %dma_wait3A_560] : memref<2x3200xi32, #tpu.memory_space<vmem>> -> memref<1x3200xi32, #tpu.memory_space<vmem>>
    %dma_wait3A_562 = tpu.memref_squeeze %dma_wait3A_561 : memref<1x3200xi32, #tpu.memory_space<vmem>> -> memref<3200xi32, #tpu.memory_space<vmem>>
    %dma_wait3A_563 = arith.constant 0 : i32
    %dma_wait3A_564 = tpu.memref_slice %arg2[%dma_wait3A_563] : memref<1000000xf32, #tpu.memory_space<hbm>> -> memref<1000000xf32, #tpu.memory_space<hbm>>
    tpu.wait_indirect_dma semaphore(%arg9 : memref<!tpu.dma_semaphore, #tpu.memory_space<semaphore_mem>>) src(%dma_wait3A_564 : memref<1000000xf32, #tpu.memory_space<hbm>>) dst(%dma_wait3A_559 : memref<3200xf32, #tpu.memory_space<vmem>>)
    %dma_wait3A_565 = arith.constant 0 : i32
    %dma_wait3A_566 = arith.constant 0 : i32
    %dma_wait3A_567 = arith.constant 1 : i32
    %dma_wait3A_568 = arith.constant 0 : i32
    %dma_wait3A_569 = tpu.memref_slice %arg8[%dma_wait3A_566, %dma_wait3A_567, %dma_wait3A_568] : memref<2x3x3200xf32, #tpu.memory_space<vmem>> -> memref<1x1x3200xf32, #tpu.memory_space<vmem>>
    %dma_wait3A_570 = tpu.memref_squeeze %dma_wait3A_569 : memref<1x1x3200xf32, #tpu.memory_space<vmem>> -> memref<3200xf32, #tpu.memory_space<vmem>>
    %dma_wait3A_571 = arith.constant 0 : i32
    %dma_wait3A_572 = tpu.memref_slice %arg7[%dma_wait3A_565, %dma_wait3A_571] : memref<2x3200xi32, #tpu.memory_space<vmem>> -> memref<1x3200xi32, #tpu.memory_space<vmem>>
    %dma_wait3A_573 = tpu.memref_squeeze %dma_wait3A_572 : memref<1x3200xi32, #tpu.memory_space<vmem>> -> memref<3200xi32, #tpu.memory_space<vmem>>
    %dma_wait3A_574 = arith.constant 0 : i32
    %dma_wait3A_575 = tpu.memref_slice %arg3[%dma_wait3A_574] : memref<1000000xf32, #tpu.memory_space<hbm>> -> memref<1000000xf32, #tpu.memory_space<hbm>>
    tpu.wait_indirect_dma semaphore(%arg9 : memref<!tpu.dma_semaphore, #tpu.memory_space<semaphore_mem>>) src(%dma_wait3A_575 : memref<1000000xf32, #tpu.memory_space<hbm>>) dst(%dma_wait3A_570 : memref<3200xf32, #tpu.memory_space<vmem>>)
    %dma_wait3A_576 = arith.constant 0 : i32
    %dma_wait3A_577 = arith.constant 0 : i32
    %dma_wait3A_578 = arith.constant 2 : i32
    %dma_wait3A_579 = arith.constant 0 : i32
    %dma_wait3A_580 = tpu.memref_slice %arg8[%dma_wait3A_577, %dma_wait3A_578, %dma_wait3A_579] : memref<2x3x3200xf32, #tpu.memory_space<vmem>> -> memref<1x1x3200xf32, #tpu.memory_space<vmem>>
    %dma_wait3A_581 = tpu.memref_squeeze %dma_wait3A_580 : memref<1x1x3200xf32, #tpu.memory_space<vmem>> -> memref<3200xf32, #tpu.memory_space<vmem>>
    %dma_wait3A_582 = arith.constant 0 : i32
    %dma_wait3A_583 = tpu.memref_slice %arg7[%dma_wait3A_576, %dma_wait3A_582] : memref<2x3200xi32, #tpu.memory_space<vmem>> -> memref<1x3200xi32, #tpu.memory_space<vmem>>
    %dma_wait3A_584 = tpu.memref_squeeze %dma_wait3A_583 : memref<1x3200xi32, #tpu.memory_space<vmem>> -> memref<3200xi32, #tpu.memory_space<vmem>>
    %dma_wait3A_585 = arith.constant 0 : i32
    %dma_wait3A_586 = tpu.memref_slice %arg4[%dma_wait3A_585] : memref<1000000xf32, #tpu.memory_space<hbm>> -> memref<1000000xf32, #tpu.memory_space<hbm>>
    tpu.wait_indirect_dma semaphore(%arg9 : memref<!tpu.dma_semaphore, #tpu.memory_space<semaphore_mem>>) src(%dma_wait3A_586 : memref<1000000xf32, #tpu.memory_space<hbm>>) dst(%dma_wait3A_581 : memref<3200xf32, #tpu.memory_space<vmem>>)
    %run_scoped3A_587 = arith.constant 0 : i32
    %run_scoped3A_588 = arith.constant 0 : i32
    %run_scoped3A_589 = arith.constant 0 : i32
    "tpu.region"() ({
      %run_scoped3A_640 = tpu.sem_alloc : memref<!tpu.dma_semaphore, #tpu.memory_space<semaphore_mem>>
      %dma_start3A_641 = arith.constant 0 : i32
      %dma_start3A_642 = tpu.memref_slice %arg8[%run_scoped3A_587, %run_scoped3A_588, %dma_start3A_641] : memref<2x3x3200xf32, #tpu.memory_space<vmem>> -> memref<1x1x3200xf32, #tpu.memory_space<vmem>>
      %dma_start3A_643 = tpu.memref_squeeze %dma_start3A_642 : memref<1x1x3200xf32, #tpu.memory_space<vmem>> -> memref<3200xf32, #tpu.memory_space<vmem>>
      %dma_start3A_644 = tpu.memref_slice %arg6[%run_scoped3A_589, %add3A_553] : memref<3x819200xf32, #tpu.memory_space<hbm>> -> memref<1x3200xf32, #tpu.memory_space<hbm>>
      %dma_start3A_645 = tpu.memref_squeeze %dma_start3A_644 : memref<1x3200xf32, #tpu.memory_space<hbm>> -> memref<3200xf32, #tpu.memory_space<hbm>>
      %dma_start3A_646 = tpu.memref_slice %arg6[%run_scoped3A_589, %add3A_553] : memref<3x819200xf32, #tpu.memory_space<hbm>> -> memref<1x3200xf32, #tpu.memory_space<hbm>>
      %dma_start3A_647 = tpu.memref_squeeze %dma_start3A_646 : memref<1x3200xf32, #tpu.memory_space<hbm>> -> memref<3200xf32, #tpu.memory_space<hbm>>
      %dma_start3A_648 = arith.constant 0 : i32
      %dma_start3A_649 = tpu.memref_slice %arg8[%run_scoped3A_587, %run_scoped3A_588, %dma_start3A_648] : memref<2x3x3200xf32, #tpu.memory_space<vmem>> -> memref<1x1x3200xf32, #tpu.memory_space<vmem>>
      %dma_start3A_650 = tpu.memref_squeeze %dma_start3A_649 : memref<1x1x3200xf32, #tpu.memory_space<vmem>> -> memref<3200xf32, #tpu.memory_space<vmem>>
      tpu.enqueue_dma source(%dma_start3A_650 : memref<3200xf32, #tpu.memory_space<vmem>>) target(%dma_start3A_647 : memref<3200xf32, #tpu.memory_space<hbm>>) target_semaphore(%run_scoped3A_640 : memref<!tpu.dma_semaphore, #tpu.memory_space<semaphore_mem>>)
      %dma_wait3A_651 = arith.constant 0 : i32
      %dma_wait3A_652 = tpu.memref_slice %arg8[%run_scoped3A_587, %run_scoped3A_588, %dma_wait3A_651] : memref<2x3x3200xf32, #tpu.memory_space<vmem>> -> memref<1x1x3200xf32, #tpu.memory_space<vmem>>
      %dma_wait3A_653 = tpu.memref_squeeze %dma_wait3A_652 : memref<1x1x3200xf32, #tpu.memory_space<vmem>> -> memref<3200xf32, #tpu.memory_space<vmem>>
      %dma_wait3A_654 = tpu.memref_slice %arg6[%run_scoped3A_589, %add3A_553] : memref<3x819200xf32, #tpu.memory_space<hbm>> -> memref<1x3200xf32, #tpu.memory_space<hbm>>
      %dma_wait3A_655 = tpu.memref_squeeze %dma_wait3A_654 : memref<1x3200xf32, #tpu.memory_space<hbm>> -> memref<3200xf32, #tpu.memory_space<hbm>>
      %dma_wait3A_656 = tpu.memref_slice %arg6[%run_scoped3A_589, %add3A_553] : memref<3x819200xf32, #tpu.memory_space<hbm>> -> memref<1x3200xf32, #tpu.memory_space<hbm>>
      %dma_wait3A_657 = tpu.memref_squeeze %dma_wait3A_656 : memref<1x3200xf32, #tpu.memory_space<hbm>> -> memref<3200xf32, #tpu.memory_space<hbm>>
      %dma_wait3A_658 = arith.constant 0 : i32
      %dma_wait3A_659 = tpu.memref_slice %arg8[%run_scoped3A_587, %run_scoped3A_588, %dma_wait3A_658] : memref<2x3x3200xf32, #tpu.memory_space<vmem>> -> memref<1x1x3200xf32, #tpu.memory_space<vmem>>
      %dma_wait3A_660 = tpu.memref_squeeze %dma_wait3A_659 : memref<1x1x3200xf32, #tpu.memory_space<vmem>> -> memref<3200xf32, #tpu.memory_space<vmem>>
      tpu.wait_dma2 semaphore(%run_scoped3A_640 : memref<!tpu.dma_semaphore, #tpu.memory_space<semaphore_mem>>) src(%dma_wait3A_660 : memref<3200xf32, #tpu.memory_space<vmem>>) dst(%dma_wait3A_657 : memref<3200xf32, #tpu.memory_space<hbm>>)
      tpu.yield
    }) : () -> ()
    %run_scoped3A_590 = arith.constant 0 : i32
    %run_scoped3A_591 = arith.constant 1 : i32
    %run_scoped3A_592 = arith.constant 1 : i32
    "tpu.region"() ({
      %run_scoped3A_640 = tpu.sem_alloc : memref<!tpu.dma_semaphore, #tpu.memory_space<semaphore_mem>>
      %dma_start3A_641 = arith.constant 0 : i32
      %dma_start3A_642 = tpu.memref_slice %arg8[%run_scoped3A_590, %run_scoped3A_591, %dma_start3A_641] : memref<2x3x3200xf32, #tpu.memory_space<vmem>> -> memref<1x1x3200xf32, #tpu.memory_space<vmem>>
      %dma_start3A_643 = tpu.memref_squeeze %dma_start3A_642 : memref<1x1x3200xf32, #tpu.memory_space<vmem>> -> memref<3200xf32, #tpu.memory_space<vmem>>
      %dma_start3A_644 = tpu.memref_slice %arg6[%run_scoped3A_592, %add3A_553] : memref<3x819200xf32, #tpu.memory_space<hbm>> -> memref<1x3200xf32, #tpu.memory_space<hbm>>
      %dma_start3A_645 = tpu.memref_squeeze %dma_start3A_644 : memref<1x3200xf32, #tpu.memory_space<hbm>> -> memref<3200xf32, #tpu.memory_space<hbm>>
      %dma_start3A_646 = tpu.memref_slice %arg6[%run_scoped3A_592, %add3A_553] : memref<3x819200xf32, #tpu.memory_space<hbm>> -> memref<1x3200xf32, #tpu.memory_space<hbm>>
      %dma_start3A_647 = tpu.memref_squeeze %dma_start3A_646 : memref<1x3200xf32, #tpu.memory_space<hbm>> -> memref<3200xf32, #tpu.memory_space<hbm>>
      %dma_start3A_648 = arith.constant 0 : i32
      %dma_start3A_649 = tpu.memref_slice %arg8[%run_scoped3A_590, %run_scoped3A_591, %dma_start3A_648] : memref<2x3x3200xf32, #tpu.memory_space<vmem>> -> memref<1x1x3200xf32, #tpu.memory_space<vmem>>
      %dma_start3A_650 = tpu.memref_squeeze %dma_start3A_649 : memref<1x1x3200xf32, #tpu.memory_space<vmem>> -> memref<3200xf32, #tpu.memory_space<vmem>>
      tpu.enqueue_dma source(%dma_start3A_650 : memref<3200xf32, #tpu.memory_space<vmem>>) target(%dma_start3A_647 : memref<3200xf32, #tpu.memory_space<hbm>>) target_semaphore(%run_scoped3A_640 : memref<!tpu.dma_semaphore, #tpu.memory_space<semaphore_mem>>)
      %dma_wait3A_651 = arith.constant 0 : i32
      %dma_wait3A_652 = tpu.memref_slice %arg8[%run_scoped3A_590, %run_scoped3A_591, %dma_wait3A_651] : memref<2x3x3200xf32, #tpu.memory_space<vmem>> -> memref<1x1x3200xf32, #tpu.memory_space<vmem>>
      %dma_wait3A_653 = tpu.memref_squeeze %dma_wait3A_652 : memref<1x1x3200xf32, #tpu.memory_space<vmem>> -> memref<3200xf32, #tpu.memory_space<vmem>>
      %dma_wait3A_654 = tpu.memref_slice %arg6[%run_scoped3A_592, %add3A_553] : memref<3x819200xf32, #tpu.memory_space<hbm>> -> memref<1x3200xf32, #tpu.memory_space<hbm>>
      %dma_wait3A_655 = tpu.memref_squeeze %dma_wait3A_654 : memref<1x3200xf32, #tpu.memory_space<hbm>> -> memref<3200xf32, #tpu.memory_space<hbm>>
      %dma_wait3A_656 = tpu.memref_slice %arg6[%run_scoped3A_592, %add3A_553] : memref<3x819200xf32, #tpu.memory_space<hbm>> -> memref<1x3200xf32, #tpu.memory_space<hbm>>
      %dma_wait3A_657 = tpu.memref_squeeze %dma_wait3A_656 : memref<1x3200xf32, #tpu.memory_space<hbm>> -> memref<3200xf32, #tpu.memory_space<hbm>>
      %dma_wait3A_658 = arith.constant 0 : i32
      %dma_wait3A_659 = tpu.memref_slice %arg8[%run_scoped3A_590, %run_scoped3A_591, %dma_wait3A_658] : memref<2x3x3200xf32, #tpu.memory_space<vmem>> -> memref<1x1x3200xf32, #tpu.memory_space<vmem>>
      %dma_wait3A_660 = tpu.memref_squeeze %dma_wait3A_659 : memref<1x1x3200xf32, #tpu.memory_space<vmem>> -> memref<3200xf32, #tpu.memory_space<vmem>>
      tpu.wait_dma2 semaphore(%run_scoped3A_640 : memref<!tpu.dma_semaphore, #tpu.memory_space<semaphore_mem>>) src(%dma_wait3A_660 : memref<3200xf32, #tpu.memory_space<vmem>>) dst(%dma_wait3A_657 : memref<3200xf32, #tpu.memory_space<hbm>>)
      tpu.yield
    }) : () -> ()
    %run_scoped3A_593 = arith.constant 0 : i32
    %run_scoped3A_594 = arith.constant 2 : i32
    %run_scoped3A_595 = arith.constant 2 : i32
    "tpu.region"() ({
      %run_scoped3A_640 = tpu.sem_alloc : memref<!tpu.dma_semaphore, #tpu.memory_space<semaphore_mem>>
      %dma_start3A_641 = arith.constant 0 : i32
      %dma_start3A_642 = tpu.memref_slice %arg8[%run_scoped3A_593, %run_scoped3A_594, %dma_start3A_641] : memref<2x3x3200xf32, #tpu.memory_space<vmem>> -> memref<1x1x3200xf32, #tpu.memory_space<vmem>>
      %dma_start3A_643 = tpu.memref_squeeze %dma_start3A_642 : memref<1x1x3200xf32, #tpu.memory_space<vmem>> -> memref<3200xf32, #tpu.memory_space<vmem>>
      %dma_start3A_644 = tpu.memref_slice %arg6[%run_scoped3A_595, %add3A_553] : memref<3x819200xf32, #tpu.memory_space<hbm>> -> memref<1x3200xf32, #tpu.memory_space<hbm>>
      %dma_start3A_645 = tpu.memref_squeeze %dma_start3A_644 : memref<1x3200xf32, #tpu.memory_space<hbm>> -> memref<3200xf32, #tpu.memory_space<hbm>>
      %dma_start3A_646 = tpu.memref_slice %arg6[%run_scoped3A_595, %add3A_553] : memref<3x819200xf32, #tpu.memory_space<hbm>> -> memref<1x3200xf32, #tpu.memory_space<hbm>>
      %dma_start3A_647 = tpu.memref_squeeze %dma_start3A_646 : memref<1x3200xf32, #tpu.memory_space<hbm>> -> memref<3200xf32, #tpu.memory_space<hbm>>
      %dma_start3A_648 = arith.constant 0 : i32
      %dma_start3A_649 = tpu.memref_slice %arg8[%run_scoped3A_593, %run_scoped3A_594, %dma_start3A_648] : memref<2x3x3200xf32, #tpu.memory_space<vmem>> -> memref<1x1x3200xf32, #tpu.memory_space<vmem>>
      %dma_start3A_650 = tpu.memref_squeeze %dma_start3A_649 : memref<1x1x3200xf32, #tpu.memory_space<vmem>> -> memref<3200xf32, #tpu.memory_space<vmem>>
      tpu.enqueue_dma source(%dma_start3A_650 : memref<3200xf32, #tpu.memory_space<vmem>>) target(%dma_start3A_647 : memref<3200xf32, #tpu.memory_space<hbm>>) target_semaphore(%run_scoped3A_640 : memref<!tpu.dma_semaphore, #tpu.memory_space<semaphore_mem>>)
      %dma_wait3A_651 = arith.constant 0 : i32
      %dma_wait3A_652 = tpu.memref_slice %arg8[%run_scoped3A_593, %run_scoped3A_594, %dma_wait3A_651] : memref<2x3x3200xf32, #tpu.memory_space<vmem>> -> memref<1x1x3200xf32, #tpu.memory_space<vmem>>
      %dma_wait3A_653 = tpu.memref_squeeze %dma_wait3A_652 : memref<1x1x3200xf32, #tpu.memory_space<vmem>> -> memref<3200xf32, #tpu.memory_space<vmem>>
      %dma_wait3A_654 = tpu.memref_slice %arg6[%run_scoped3A_595, %add3A_553] : memref<3x819200xf32, #tpu.memory_space<hbm>> -> memref<1x3200xf32, #tpu.memory_space<hbm>>
      %dma_wait3A_655 = tpu.memref_squeeze %dma_wait3A_654 : memref<1x3200xf32, #tpu.memory_space<hbm>> -> memref<3200xf32, #tpu.memory_space<hbm>>
      %dma_wait3A_656 = tpu.memref_slice %arg6[%run_scoped3A_595, %add3A_553] : memref<3x819200xf32, #tpu.memory_space<hbm>> -> memref<1x3200xf32, #tpu.memory_space<hbm>>
      %dma_wait3A_657 = tpu.memref_squeeze %dma_wait3A_656 : memref<1x3200xf32, #tpu.memory_space<hbm>> -> memref<3200xf32, #tpu.memory_space<hbm>>
      %dma_wait3A_658 = arith.constant 0 : i32
      %dma_wait3A_659 = tpu.memref_slice %arg8[%run_scoped3A_593, %run_scoped3A_594, %dma_wait3A_658] : memref<2x3x3200xf32, #tpu.memory_space<vmem>> -> memref<1x1x3200xf32, #tpu.memory_space<vmem>>
      %dma_wait3A_660 = tpu.memref_squeeze %dma_wait3A_659 : memref<1x1x3200xf32, #tpu.memory_space<vmem>> -> memref<3200xf32, #tpu.memory_space<vmem>>
      tpu.wait_dma2 semaphore(%run_scoped3A_640 : memref<!tpu.dma_semaphore, #tpu.memory_space<semaphore_mem>>) src(%dma_wait3A_660 : memref<3200xf32, #tpu.memory_space<vmem>>) dst(%dma_wait3A_657 : memref<3200xf32, #tpu.memory_space<hbm>>)
      tpu.yield
    }) : () -> ()
    %add3A_596 = arith.constant 22400 : i32
    %add3A_597 = arith.addi %mul3A_2, %add3A_596 : i32
    %dma_wait3A_598 = arith.constant 1 : i32
    %dma_wait3A_599 = arith.constant 1 : i32
    %dma_wait3A_600 = arith.constant 0 : i32
    %dma_wait3A_601 = arith.constant 0 : i32
    %dma_wait3A_602 = tpu.memref_slice %arg8[%dma_wait3A_599, %dma_wait3A_600, %dma_wait3A_601] : memref<2x3x3200xf32, #tpu.memory_space<vmem>> -> memref<1x1x3200xf32, #tpu.memory_space<vmem>>
    %dma_wait3A_603 = tpu.memref_squeeze %dma_wait3A_602 : memref<1x1x3200xf32, #tpu.memory_space<vmem>> -> memref<3200xf32, #tpu.memory_space<vmem>>
    %dma_wait3A_604 = arith.constant 0 : i32
    %dma_wait3A_605 = tpu.memref_slice %arg7[%dma_wait3A_598, %dma_wait3A_604] : memref<2x3200xi32, #tpu.memory_space<vmem>> -> memref<1x3200xi32, #tpu.memory_space<vmem>>
    %dma_wait3A_606 = tpu.memref_squeeze %dma_wait3A_605 : memref<1x3200xi32, #tpu.memory_space<vmem>> -> memref<3200xi32, #tpu.memory_space<vmem>>
    %dma_wait3A_607 = arith.constant 0 : i32
    %dma_wait3A_608 = tpu.memref_slice %arg2[%dma_wait3A_607] : memref<1000000xf32, #tpu.memory_space<hbm>> -> memref<1000000xf32, #tpu.memory_space<hbm>>
    tpu.wait_indirect_dma semaphore(%arg10 : memref<!tpu.dma_semaphore, #tpu.memory_space<semaphore_mem>>) src(%dma_wait3A_608 : memref<1000000xf32, #tpu.memory_space<hbm>>) dst(%dma_wait3A_603 : memref<3200xf32, #tpu.memory_space<vmem>>)
    %dma_wait3A_609 = arith.constant 1 : i32
    %dma_wait3A_610 = arith.constant 1 : i32
    %dma_wait3A_611 = arith.constant 1 : i32
    %dma_wait3A_612 = arith.constant 0 : i32
    %dma_wait3A_613 = tpu.memref_slice %arg8[%dma_wait3A_610, %dma_wait3A_611, %dma_wait3A_612] : memref<2x3x3200xf32, #tpu.memory_space<vmem>> -> memref<1x1x3200xf32, #tpu.memory_space<vmem>>
    %dma_wait3A_614 = tpu.memref_squeeze %dma_wait3A_613 : memref<1x1x3200xf32, #tpu.memory_space<vmem>> -> memref<3200xf32, #tpu.memory_space<vmem>>
    %dma_wait3A_615 = arith.constant 0 : i32
    %dma_wait3A_616 = tpu.memref_slice %arg7[%dma_wait3A_609, %dma_wait3A_615] : memref<2x3200xi32, #tpu.memory_space<vmem>> -> memref<1x3200xi32, #tpu.memory_space<vmem>>
    %dma_wait3A_617 = tpu.memref_squeeze %dma_wait3A_616 : memref<1x3200xi32, #tpu.memory_space<vmem>> -> memref<3200xi32, #tpu.memory_space<vmem>>
    %dma_wait3A_618 = arith.constant 0 : i32
    %dma_wait3A_619 = tpu.memref_slice %arg3[%dma_wait3A_618] : memref<1000000xf32, #tpu.memory_space<hbm>> -> memref<1000000xf32, #tpu.memory_space<hbm>>
    tpu.wait_indirect_dma semaphore(%arg10 : memref<!tpu.dma_semaphore, #tpu.memory_space<semaphore_mem>>) src(%dma_wait3A_619 : memref<1000000xf32, #tpu.memory_space<hbm>>) dst(%dma_wait3A_614 : memref<3200xf32, #tpu.memory_space<vmem>>)
    %dma_wait3A_620 = arith.constant 1 : i32
    %dma_wait3A_621 = arith.constant 1 : i32
    %dma_wait3A_622 = arith.constant 2 : i32
    %dma_wait3A_623 = arith.constant 0 : i32
    %dma_wait3A_624 = tpu.memref_slice %arg8[%dma_wait3A_621, %dma_wait3A_622, %dma_wait3A_623] : memref<2x3x3200xf32, #tpu.memory_space<vmem>> -> memref<1x1x3200xf32, #tpu.memory_space<vmem>>
    %dma_wait3A_625 = tpu.memref_squeeze %dma_wait3A_624 : memref<1x1x3200xf32, #tpu.memory_space<vmem>> -> memref<3200xf32, #tpu.memory_space<vmem>>
    %dma_wait3A_626 = arith.constant 0 : i32
    %dma_wait3A_627 = tpu.memref_slice %arg7[%dma_wait3A_620, %dma_wait3A_626] : memref<2x3200xi32, #tpu.memory_space<vmem>> -> memref<1x3200xi32, #tpu.memory_space<vmem>>
    %dma_wait3A_628 = tpu.memref_squeeze %dma_wait3A_627 : memref<1x3200xi32, #tpu.memory_space<vmem>> -> memref<3200xi32, #tpu.memory_space<vmem>>
    %dma_wait3A_629 = arith.constant 0 : i32
    %dma_wait3A_630 = tpu.memref_slice %arg4[%dma_wait3A_629] : memref<1000000xf32, #tpu.memory_space<hbm>> -> memref<1000000xf32, #tpu.memory_space<hbm>>
    tpu.wait_indirect_dma semaphore(%arg10 : memref<!tpu.dma_semaphore, #tpu.memory_space<semaphore_mem>>) src(%dma_wait3A_630 : memref<1000000xf32, #tpu.memory_space<hbm>>) dst(%dma_wait3A_625 : memref<3200xf32, #tpu.memory_space<vmem>>)
    %run_scoped3A_631 = arith.constant 1 : i32
    %run_scoped3A_632 = arith.constant 0 : i32
    %run_scoped3A_633 = arith.constant 0 : i32
    "tpu.region"() ({
      %run_scoped3A_640 = tpu.sem_alloc : memref<!tpu.dma_semaphore, #tpu.memory_space<semaphore_mem>>
      %dma_start3A_641 = arith.constant 0 : i32
      %dma_start3A_642 = tpu.memref_slice %arg8[%run_scoped3A_631, %run_scoped3A_632, %dma_start3A_641] : memref<2x3x3200xf32, #tpu.memory_space<vmem>> -> memref<1x1x3200xf32, #tpu.memory_space<vmem>>
      %dma_start3A_643 = tpu.memref_squeeze %dma_start3A_642 : memref<1x1x3200xf32, #tpu.memory_space<vmem>> -> memref<3200xf32, #tpu.memory_space<vmem>>
      %dma_start3A_644 = tpu.memref_slice %arg6[%run_scoped3A_633, %add3A_597] : memref<3x819200xf32, #tpu.memory_space<hbm>> -> memref<1x3200xf32, #tpu.memory_space<hbm>>
      %dma_start3A_645 = tpu.memref_squeeze %dma_start3A_644 : memref<1x3200xf32, #tpu.memory_space<hbm>> -> memref<3200xf32, #tpu.memory_space<hbm>>
      %dma_start3A_646 = tpu.memref_slice %arg6[%run_scoped3A_633, %add3A_597] : memref<3x819200xf32, #tpu.memory_space<hbm>> -> memref<1x3200xf32, #tpu.memory_space<hbm>>
      %dma_start3A_647 = tpu.memref_squeeze %dma_start3A_646 : memref<1x3200xf32, #tpu.memory_space<hbm>> -> memref<3200xf32, #tpu.memory_space<hbm>>
      %dma_start3A_648 = arith.constant 0 : i32
      %dma_start3A_649 = tpu.memref_slice %arg8[%run_scoped3A_631, %run_scoped3A_632, %dma_start3A_648] : memref<2x3x3200xf32, #tpu.memory_space<vmem>> -> memref<1x1x3200xf32, #tpu.memory_space<vmem>>
      %dma_start3A_650 = tpu.memref_squeeze %dma_start3A_649 : memref<1x1x3200xf32, #tpu.memory_space<vmem>> -> memref<3200xf32, #tpu.memory_space<vmem>>
      tpu.enqueue_dma source(%dma_start3A_650 : memref<3200xf32, #tpu.memory_space<vmem>>) target(%dma_start3A_647 : memref<3200xf32, #tpu.memory_space<hbm>>) target_semaphore(%run_scoped3A_640 : memref<!tpu.dma_semaphore, #tpu.memory_space<semaphore_mem>>)
      %dma_wait3A_651 = arith.constant 0 : i32
      %dma_wait3A_652 = tpu.memref_slice %arg8[%run_scoped3A_631, %run_scoped3A_632, %dma_wait3A_651] : memref<2x3x3200xf32, #tpu.memory_space<vmem>> -> memref<1x1x3200xf32, #tpu.memory_space<vmem>>
      %dma_wait3A_653 = tpu.memref_squeeze %dma_wait3A_652 : memref<1x1x3200xf32, #tpu.memory_space<vmem>> -> memref<3200xf32, #tpu.memory_space<vmem>>
      %dma_wait3A_654 = tpu.memref_slice %arg6[%run_scoped3A_633, %add3A_597] : memref<3x819200xf32, #tpu.memory_space<hbm>> -> memref<1x3200xf32, #tpu.memory_space<hbm>>
      %dma_wait3A_655 = tpu.memref_squeeze %dma_wait3A_654 : memref<1x3200xf32, #tpu.memory_space<hbm>> -> memref<3200xf32, #tpu.memory_space<hbm>>
      %dma_wait3A_656 = tpu.memref_slice %arg6[%run_scoped3A_633, %add3A_597] : memref<3x819200xf32, #tpu.memory_space<hbm>> -> memref<1x3200xf32, #tpu.memory_space<hbm>>
      %dma_wait3A_657 = tpu.memref_squeeze %dma_wait3A_656 : memref<1x3200xf32, #tpu.memory_space<hbm>> -> memref<3200xf32, #tpu.memory_space<hbm>>
      %dma_wait3A_658 = arith.constant 0 : i32
      %dma_wait3A_659 = tpu.memref_slice %arg8[%run_scoped3A_631, %run_scoped3A_632, %dma_wait3A_658] : memref<2x3x3200xf32, #tpu.memory_space<vmem>> -> memref<1x1x3200xf32, #tpu.memory_space<vmem>>
      %dma_wait3A_660 = tpu.memref_squeeze %dma_wait3A_659 : memref<1x1x3200xf32, #tpu.memory_space<vmem>> -> memref<3200xf32, #tpu.memory_space<vmem>>
      tpu.wait_dma2 semaphore(%run_scoped3A_640 : memref<!tpu.dma_semaphore, #tpu.memory_space<semaphore_mem>>) src(%dma_wait3A_660 : memref<3200xf32, #tpu.memory_space<vmem>>) dst(%dma_wait3A_657 : memref<3200xf32, #tpu.memory_space<hbm>>)
      tpu.yield
    }) : () -> ()
    %run_scoped3A_634 = arith.constant 1 : i32
    %run_scoped3A_635 = arith.constant 1 : i32
    %run_scoped3A_636 = arith.constant 1 : i32
    "tpu.region"() ({
      %run_scoped3A_640 = tpu.sem_alloc : memref<!tpu.dma_semaphore, #tpu.memory_space<semaphore_mem>>
      %dma_start3A_641 = arith.constant 0 : i32
      %dma_start3A_642 = tpu.memref_slice %arg8[%run_scoped3A_634, %run_scoped3A_635, %dma_start3A_641] : memref<2x3x3200xf32, #tpu.memory_space<vmem>> -> memref<1x1x3200xf32, #tpu.memory_space<vmem>>
      %dma_start3A_643 = tpu.memref_squeeze %dma_start3A_642 : memref<1x1x3200xf32, #tpu.memory_space<vmem>> -> memref<3200xf32, #tpu.memory_space<vmem>>
      %dma_start3A_644 = tpu.memref_slice %arg6[%run_scoped3A_636, %add3A_597] : memref<3x819200xf32, #tpu.memory_space<hbm>> -> memref<1x3200xf32, #tpu.memory_space<hbm>>
      %dma_start3A_645 = tpu.memref_squeeze %dma_start3A_644 : memref<1x3200xf32, #tpu.memory_space<hbm>> -> memref<3200xf32, #tpu.memory_space<hbm>>
      %dma_start3A_646 = tpu.memref_slice %arg6[%run_scoped3A_636, %add3A_597] : memref<3x819200xf32, #tpu.memory_space<hbm>> -> memref<1x3200xf32, #tpu.memory_space<hbm>>
      %dma_start3A_647 = tpu.memref_squeeze %dma_start3A_646 : memref<1x3200xf32, #tpu.memory_space<hbm>> -> memref<3200xf32, #tpu.memory_space<hbm>>
      %dma_start3A_648 = arith.constant 0 : i32
      %dma_start3A_649 = tpu.memref_slice %arg8[%run_scoped3A_634, %run_scoped3A_635, %dma_start3A_648] : memref<2x3x3200xf32, #tpu.memory_space<vmem>> -> memref<1x1x3200xf32, #tpu.memory_space<vmem>>
      %dma_start3A_650 = tpu.memref_squeeze %dma_start3A_649 : memref<1x1x3200xf32, #tpu.memory_space<vmem>> -> memref<3200xf32, #tpu.memory_space<vmem>>
      tpu.enqueue_dma source(%dma_start3A_650 : memref<3200xf32, #tpu.memory_space<vmem>>) target(%dma_start3A_647 : memref<3200xf32, #tpu.memory_space<hbm>>) target_semaphore(%run_scoped3A_640 : memref<!tpu.dma_semaphore, #tpu.memory_space<semaphore_mem>>)
      %dma_wait3A_651 = arith.constant 0 : i32
      %dma_wait3A_652 = tpu.memref_slice %arg8[%run_scoped3A_634, %run_scoped3A_635, %dma_wait3A_651] : memref<2x3x3200xf32, #tpu.memory_space<vmem>> -> memref<1x1x3200xf32, #tpu.memory_space<vmem>>
      %dma_wait3A_653 = tpu.memref_squeeze %dma_wait3A_652 : memref<1x1x3200xf32, #tpu.memory_space<vmem>> -> memref<3200xf32, #tpu.memory_space<vmem>>
      %dma_wait3A_654 = tpu.memref_slice %arg6[%run_scoped3A_636, %add3A_597] : memref<3x819200xf32, #tpu.memory_space<hbm>> -> memref<1x3200xf32, #tpu.memory_space<hbm>>
      %dma_wait3A_655 = tpu.memref_squeeze %dma_wait3A_654 : memref<1x3200xf32, #tpu.memory_space<hbm>> -> memref<3200xf32, #tpu.memory_space<hbm>>
      %dma_wait3A_656 = tpu.memref_slice %arg6[%run_scoped3A_636, %add3A_597] : memref<3x819200xf32, #tpu.memory_space<hbm>> -> memref<1x3200xf32, #tpu.memory_space<hbm>>
      %dma_wait3A_657 = tpu.memref_squeeze %dma_wait3A_656 : memref<1x3200xf32, #tpu.memory_space<hbm>> -> memref<3200xf32, #tpu.memory_space<hbm>>
      %dma_wait3A_658 = arith.constant 0 : i32
      %dma_wait3A_659 = tpu.memref_slice %arg8[%run_scoped3A_634, %run_scoped3A_635, %dma_wait3A_658] : memref<2x3x3200xf32, #tpu.memory_space<vmem>> -> memref<1x1x3200xf32, #tpu.memory_space<vmem>>
      %dma_wait3A_660 = tpu.memref_squeeze %dma_wait3A_659 : memref<1x1x3200xf32, #tpu.memory_space<vmem>> -> memref<3200xf32, #tpu.memory_space<vmem>>
      tpu.wait_dma2 semaphore(%run_scoped3A_640 : memref<!tpu.dma_semaphore, #tpu.memory_space<semaphore_mem>>) src(%dma_wait3A_660 : memref<3200xf32, #tpu.memory_space<vmem>>) dst(%dma_wait3A_657 : memref<3200xf32, #tpu.memory_space<hbm>>)
      tpu.yield
    }) : () -> ()
    %run_scoped3A_637 = arith.constant 1 : i32
    %run_scoped3A_638 = arith.constant 2 : i32
    %run_scoped3A_639 = arith.constant 2 : i32
    "tpu.region"() ({
      %run_scoped3A_640 = tpu.sem_alloc : memref<!tpu.dma_semaphore, #tpu.memory_space<semaphore_mem>>
      %dma_start3A_641 = arith.constant 0 : i32
      %dma_start3A_642 = tpu.memref_slice %arg8[%run_scoped3A_637, %run_scoped3A_638, %dma_start3A_641] : memref<2x3x3200xf32, #tpu.memory_space<vmem>> -> memref<1x1x3200xf32, #tpu.memory_space<vmem>>
      %dma_start3A_643 = tpu.memref_squeeze %dma_start3A_642 : memref<1x1x3200xf32, #tpu.memory_space<vmem>> -> memref<3200xf32, #tpu.memory_space<vmem>>
      %dma_start3A_644 = tpu.memref_slice %arg6[%run_scoped3A_639, %add3A_597] : memref<3x819200xf32, #tpu.memory_space<hbm>> -> memref<1x3200xf32, #tpu.memory_space<hbm>>
      %dma_start3A_645 = tpu.memref_squeeze %dma_start3A_644 : memref<1x3200xf32, #tpu.memory_space<hbm>> -> memref<3200xf32, #tpu.memory_space<hbm>>
      %dma_start3A_646 = tpu.memref_slice %arg6[%run_scoped3A_639, %add3A_597] : memref<3x819200xf32, #tpu.memory_space<hbm>> -> memref<1x3200xf32, #tpu.memory_space<hbm>>
      %dma_start3A_647 = tpu.memref_squeeze %dma_start3A_646 : memref<1x3200xf32, #tpu.memory_space<hbm>> -> memref<3200xf32, #tpu.memory_space<hbm>>
      %dma_start3A_648 = arith.constant 0 : i32
      %dma_start3A_649 = tpu.memref_slice %arg8[%run_scoped3A_637, %run_scoped3A_638, %dma_start3A_648] : memref<2x3x3200xf32, #tpu.memory_space<vmem>> -> memref<1x1x3200xf32, #tpu.memory_space<vmem>>
      %dma_start3A_650 = tpu.memref_squeeze %dma_start3A_649 : memref<1x1x3200xf32, #tpu.memory_space<vmem>> -> memref<3200xf32, #tpu.memory_space<vmem>>
      tpu.enqueue_dma source(%dma_start3A_650 : memref<3200xf32, #tpu.memory_space<vmem>>) target(%dma_start3A_647 : memref<3200xf32, #tpu.memory_space<hbm>>) target_semaphore(%run_scoped3A_640 : memref<!tpu.dma_semaphore, #tpu.memory_space<semaphore_mem>>)
      %dma_wait3A_651 = arith.constant 0 : i32
      %dma_wait3A_652 = tpu.memref_slice %arg8[%run_scoped3A_637, %run_scoped3A_638, %dma_wait3A_651] : memref<2x3x3200xf32, #tpu.memory_space<vmem>> -> memref<1x1x3200xf32, #tpu.memory_space<vmem>>
      %dma_wait3A_653 = tpu.memref_squeeze %dma_wait3A_652 : memref<1x1x3200xf32, #tpu.memory_space<vmem>> -> memref<3200xf32, #tpu.memory_space<vmem>>
      %dma_wait3A_654 = tpu.memref_slice %arg6[%run_scoped3A_639, %add3A_597] : memref<3x819200xf32, #tpu.memory_space<hbm>> -> memref<1x3200xf32, #tpu.memory_space<hbm>>
      %dma_wait3A_655 = tpu.memref_squeeze %dma_wait3A_654 : memref<1x3200xf32, #tpu.memory_space<hbm>> -> memref<3200xf32, #tpu.memory_space<hbm>>
      %dma_wait3A_656 = tpu.memref_slice %arg6[%run_scoped3A_639, %add3A_597] : memref<3x819200xf32, #tpu.memory_space<hbm>> -> memref<1x3200xf32, #tpu.memory_space<hbm>>
      %dma_wait3A_657 = tpu.memref_squeeze %dma_wait3A_656 : memref<1x3200xf32, #tpu.memory_space<hbm>> -> memref<3200xf32, #tpu.memory_space<hbm>>
      %dma_wait3A_658 = arith.constant 0 : i32
      %dma_wait3A_659 = tpu.memref_slice %arg8[%run_scoped3A_637, %run_scoped3A_638, %dma_wait3A_658] : memref<2x3x3200xf32, #tpu.memory_space<vmem>> -> memref<1x1x3200xf32, #tpu.memory_space<vmem>>
      %dma_wait3A_660 = tpu.memref_squeeze %dma_wait3A_659 : memref<1x1x3200xf32, #tpu.memory_space<vmem>> -> memref<3200xf32, #tpu.memory_space<vmem>>
      tpu.wait_dma2 semaphore(%run_scoped3A_640 : memref<!tpu.dma_semaphore, #tpu.memory_space<semaphore_mem>>) src(%dma_wait3A_660 : memref<3200xf32, #tpu.memory_space<vmem>>) dst(%dma_wait3A_657 : memref<3200xf32, #tpu.memory_space<hbm>>)
      tpu.yield
    }) : () -> ()
    return
  }
}

module attributes {stable_mosaic.version = 14 : i64} {
  func.func @_mm_body(%arg0: i32, %arg1: memref<64x32768xf32, #tpu.memory_space<vmem>>, %arg2: memref<64x3xf32, #tpu.memory_space<vmem>>, %arg3: memref<3x1xf32, #tpu.memory_space<vmem>>, %arg4: memref<1x32768xf32, #tpu.memory_space<vmem>>, %arg5: memref<1x32768xf32, #tpu.memory_space<vmem>>, %arg6: memref<1x32768xf32, #tpu.memory_space<vmem>>) attributes {dimension_semantics = [#tpu.dimension_semantics<arbitrary>], iteration_bounds = array<i64: 31>, scalar_prefetch = 0 : i64, scratch_operands = 0 : i64, tpu.core_type = #tpu.core_type<tc>, window_params = [{transform_indices = @transform_0, window_bounds = array<i64: 64, 32768>}, {pipeline_mode = #tpu.pipeline_mode<synchronous>, transform_indices = @transform_1, window_bounds = array<i64: 64, 3>}, {pipeline_mode = #tpu.pipeline_mode<synchronous>, transform_indices = @transform_2, window_bounds = array<i64: 3, 1>}, {transform_indices = @transform_3, window_bounds = array<i64: 1, 32768>}, {transform_indices = @transform_4, window_bounds = array<i64: 1, 32768>}, {transform_indices = @transform_5, window_bounds = array<i64: 1, 32768>}]} {
    %get3A = arith.constant 0 : index
    %get3A_0 = arith.constant 0 : index
    %get3A_1 = vector.load %arg1[%get3A, %get3A_0] : memref<64x32768xf32, #tpu.memory_space<vmem>>, vector<64x32768xf32>
    %get3A_2 = arith.constant 0 : index
    %get3A_3 = arith.constant 0 : index
    %get3A_4 = vector.load %arg2[%get3A_2, %get3A_3] : memref<64x3xf32, #tpu.memory_space<vmem>>, vector<64x1xf32>
    %dot_general3A = arith.constant dense<0.000000e+00> : vector<1x32768xf32>
    %dot_general3A_5 = tpu.matmul %get3A_4, %get3A_1, %dot_general3A {dimension_numbers = #tpu.dot_dimension_numbers<[0], [0], [1], [1], [0, 1, 1, 1], [], []>, transpose_lhs_hint = false} : vector<64x1xf32>, vector<64x32768xf32>, vector<1x32768xf32> -> vector<1x32768xf32>
    %get3A_6 = arith.constant 0 : index
    %get3A_7 = arith.constant 0 : index
    %get3A_8 = vector.load %arg3[%get3A_6, %get3A_7] : memref<3x1xf32, #tpu.memory_space<vmem>>, vector<1x1xf32>
    %get3A_9 = vector.extract %get3A_8[0, 0] : f32 from vector<1x1xf32>
    %add3A = vector.broadcast %get3A_9 : f32 to vector<1x32768xf32>
    %add3A_10 = arith.addf %dot_general3A_5, %add3A : vector<1x32768xf32>
    %swap3A = arith.constant 0 : index
    %swap3A_11 = arith.constant 0 : index
    %swap3A_12 = vector.load %arg4[%swap3A, %swap3A_11] : memref<1x32768xf32, #tpu.memory_space<vmem>>, vector<1x32768xf32>
    tpu.vector_store %arg4[%swap3A, %swap3A_11], %add3A_10 {strides = array<i32>} : memref<1x32768xf32, #tpu.memory_space<vmem>>, vector<1x32768xf32>,
    %get3A_13 = arith.constant 0 : index
    %get3A_14 = arith.constant 1 : index
    %get3A_15 = vector.load %arg2[%get3A_13, %get3A_14] : memref<64x3xf32, #tpu.memory_space<vmem>>, vector<64x1xf32>
    %dot_general3A_16 = arith.constant dense<0.000000e+00> : vector<1x32768xf32>
    %dot_general3A_17 = tpu.matmul %get3A_15, %get3A_1, %dot_general3A_16 {dimension_numbers = #tpu.dot_dimension_numbers<[0], [0], [1], [1], [0, 1, 1, 1], [], []>, transpose_lhs_hint = false} : vector<64x1xf32>, vector<64x32768xf32>, vector<1x32768xf32> -> vector<1x32768xf32>
    %get3A_18 = arith.constant 1 : index
    %get3A_19 = arith.constant 0 : index
    %get3A_20 = vector.load %arg3[%get3A_18, %get3A_19] : memref<3x1xf32, #tpu.memory_space<vmem>>, vector<1x1xf32>
    %get3A_21 = vector.extract %get3A_20[0, 0] : f32 from vector<1x1xf32>
    %add3A_22 = vector.broadcast %get3A_21 : f32 to vector<1x32768xf32>
    %add3A_23 = arith.addf %dot_general3A_17, %add3A_22 : vector<1x32768xf32>
    %swap3A_24 = arith.constant 0 : index
    %swap3A_25 = arith.constant 0 : index
    %swap3A_26 = vector.load %arg5[%swap3A_24, %swap3A_25] : memref<1x32768xf32, #tpu.memory_space<vmem>>, vector<1x32768xf32>
    tpu.vector_store %arg5[%swap3A_24, %swap3A_25], %add3A_23 {strides = array<i32>} : memref<1x32768xf32, #tpu.memory_space<vmem>>, vector<1x32768xf32>,
    %get3A_27 = arith.constant 0 : index
    %get3A_28 = arith.constant 2 : index
    %get3A_29 = vector.load %arg2[%get3A_27, %get3A_28] : memref<64x3xf32, #tpu.memory_space<vmem>>, vector<64x1xf32>
    %dot_general3A_30 = arith.constant dense<0.000000e+00> : vector<1x32768xf32>
    %dot_general3A_31 = tpu.matmul %get3A_29, %get3A_1, %dot_general3A_30 {dimension_numbers = #tpu.dot_dimension_numbers<[0], [0], [1], [1], [0, 1, 1, 1], [], []>, transpose_lhs_hint = false} : vector<64x1xf32>, vector<64x32768xf32>, vector<1x32768xf32> -> vector<1x32768xf32>
    %get3A_32 = arith.constant 2 : index
    %get3A_33 = arith.constant 0 : index
    %get3A_34 = vector.load %arg3[%get3A_32, %get3A_33] : memref<3x1xf32, #tpu.memory_space<vmem>>, vector<1x1xf32>
    %get3A_35 = vector.extract %get3A_34[0, 0] : f32 from vector<1x1xf32>
    %add3A_36 = vector.broadcast %get3A_35 : f32 to vector<1x32768xf32>
    %add3A_37 = arith.addf %dot_general3A_31, %add3A_36 : vector<1x32768xf32>
    %swap3A_38 = arith.constant 0 : index
    %swap3A_39 = arith.constant 0 : index
    %swap3A_40 = vector.load %arg6[%swap3A_38, %swap3A_39] : memref<1x32768xf32, #tpu.memory_space<vmem>>, vector<1x32768xf32>
    tpu.vector_store %arg6[%swap3A_38, %swap3A_39], %add3A_37 {strides = array<i32>} : memref<1x32768xf32, #tpu.memory_space<vmem>>, vector<1x32768xf32>,
    return
  }
  func.func @transform_0(%arg0: i32) -> (i32, i32) {
    %c0_i32 = arith.constant 0 : i32
    %c0_i32_0 = arith.constant 0 : i32
    return %c0_i32, %arg0 : i32, i32
  }
  func.func @transform_1(%arg0: i32) -> (i32, i32) {
    %c0_i32 = arith.constant 0 : i32
    %c0_i32_0 = arith.constant 0 : i32
    %c0_i32_1 = arith.constant 0 : i32
    return %c0_i32, %c0_i32_0 : i32, i32
  }
  func.func @transform_2(%arg0: i32) -> (i32, i32) {
    %c0_i32 = arith.constant 0 : i32
    %c0_i32_0 = arith.constant 0 : i32
    %c0_i32_1 = arith.constant 0 : i32
    return %c0_i32, %c0_i32_0 : i32, i32
  }
  func.func @transform_3(%arg0: i32) -> (i32, i32) {
    %c0_i32 = arith.constant 0 : i32
    %c0_i32_0 = arith.constant 0 : i32
    return %c0_i32, %arg0 : i32, i32
  }
  func.func @transform_4(%arg0: i32) -> (i32, i32) {
    %c0_i32 = arith.constant 0 : i32
    %c0_i32_0 = arith.constant 0 : i32
    return %c0_i32, %arg0 : i32, i32
  }
  func.func @transform_5(%arg0: i32) -> (i32, i32) {
    %c0_i32 = arith.constant 0 : i32
    %c0_i32_0 = arith.constant 0 : i32
    return %c0_i32, %arg0 : i32, i32
  }
}

</mosaic_0001>

<sc_bundles>
// kernel: kernel.4.cloned.1.call-start
scs
__scs_entry_jumppad:
0x0: {  	(pc) =	sbr.rel $0x88, $3  }
0x1: {  	(tag) =	ssettag $0x0;
	lr =	simm.s32 $0x1  }
0x2: {  	[smem:$0x3F9D] =	sst lr;
	_ =	strace $0xD0000000  }
0x3: {  	_ = 	snop  }
0x4: {  	_ = 	snop  }
0x5: {  	_ = 	snop  }
0x6: {  	_ = 	snop  }
0x7: {  	_ = 	snop  }
__scs_overlays_trampoline_lowered:
0x8: {  	[smem:$0x3FAC] =	sst s0  }
0x9: {  	[smem:$0x3FAD] =	sst s1  }
0xa: {  	[smem:$0x3FAE] =	sst s2  }
0xb: {  	[smem:$0x3FAF] =	sst s3  }
0xc: {  	[smem:$0x3FB0] =	sst s4  }
0xd: {  	[smem:$0x3FB1] =	sst s5  }
0xe: {  	[smem:$0x3FB2] =	sst s6  }
0xf: {  	[smem:$0x3FB3] =	sst s7  }
0x10: {  	[smem:$0x3FB4] =	sst s8  }
0x11: {  	[smem:$0x3FB5] =	sst s9;
	s0 =	simm.s32 @!p0 $0x0  }
0x12: {  	s1 =	sld [smem:$0x3F9B];
	s0 =	simm.s32 @p0 $0x1  }
0x13: {  	[smem:$0x3FB6] =	sst s0;
	s0 =	simm.s32 @!p1 $0x0  }
0x14: {  	s2 =	sld [smem:$0x3F9A];
	s0 =	simm.s32 @p1 $0x1  }
0x15: {  	[smem:$0x3FB7] =	sst s0;
	s0 =	simm.s32 @!p2 $0x0  }
0x16: {  	s3 =	sld [smem:$0x3FDB];
	s0 =	simm.s32 @p2 $0x1  }
0x17: {  	s4 =	simm.s32 $0x1BF5;
	[smem:$0x3FB9] =	sst s0  }
0x18: {  	s0 =	sld [smem:$0x3F9C];
	_ =	swait.ge [sflag:s4], $0x0  }
0x19: {  	s7 =	sld [smem:$0x3F9D]  }
0x1a: {  	s8 =	sadd.s32 $0xFFFFE003, lr  }
0x1b: {  	s9 =	sadd.s32 $0xFFFFFEF7, lr;
	s5 =	simm.s32 $0xFFFFFFFF;
	p2 =	slt.u32 s8, $0xFFFFF086  }
0x1c: {  	p1 =	slt.u32 s9, $0xF7A;
	s5 =	simm.s32 @!p2 $0x0  }
0x1d: {  	s5 =	simm.s32 @p1 $0x1;
	p0 =	seq.s32 s7, s2  }
0x1e: {  	s7 =	smul.u32 @!p0 $0xF7A, s2;
	p2 =	seq.s32 @!p0 s5, $0x0  }
0x1f: {  	s9 =	smul.u32 $0xF7A, s1;
	s8 =	simm.s32 @!p0 $0x1BF5;
	p2 =	por !p2, p0  }
0x20: {  	[sflag:s8] =	ssyncset.s32 @!p0 $0xFFFFF086;
	s6 =	sadd.s32 @!p0 s3, s7;
	s7 =	simm.s32 @!p0 $0x108  }
0x21: {  	s3 =	sadd.s32 s3, s9;
	s6 =	sadd.s32 @!p0 $0x88, s6;
	s7 =	simm.s32 @p2 $0x1082  }
0x22: {  	[simem:s7], [sflag:s8] =	dma.local @!p0 [hbm:s6], $0xF7A  }
0x23: {  	s9 =	sor.u32 $0xD0000000, s2;
	s6 =	simm.s32 $0x108;
	_ =	swait.ge @!p0 [sflag:s8], $0x0  }
0x24: {  	s3 =	sadd.s32 $0x88, s3;
	s6 =	simm.s32 @!p1 $0x1082;
	[sflag:s4] =	ssyncset.s32 $0xFFFFF086  }
0x25: {  	[simem:s6], [sflag:s4] =	dma.local [hbm:s3], $0xF7A  }
0x26: {  	[smem:$0x3F9D] =	sst s1;
	(tag) =	ssettag s2;
	_ =	strace s9  }
0x27: {  	s1 =	sld [smem:$0x3FAD]  }
0x28: {  	s2 =	sld [smem:$0x3FAE]  }
0x29: {  	s4 =	sld [smem:$0x3FB0]  }
0x2a: {  	p0 =	seq.s32 s5, $0x0;
	s5 =	sld [smem:$0x3FB1]  }
0x2b: {  	s6 =	sld [smem:$0x3FB2]  }
0x2c: {  	s7 =	sld [smem:$0x3FB3]  }
0x2d: {  	s3 =	simm.s32 $0x108;
	s8 =	sld [smem:$0x3FB4]  }
0x2e: {  	s3 =	simm.s32 @!p0 $0x1082;
	s9 =	sld [smem:$0x3FB5]  }
0x2f: {  	lr =	sadd.s32 s0, s3;
	s0 =	sld [smem:$0x3FAC]  }
0x30: {  	s3 =	sld [smem:$0x3FAF]  }
0x31: {  	[smem:$0x3FB8] =	sst s10  }
0x32: {  	s10 =	sld [smem:$0x3FB6];
	_ =	sdelay $0x3  }
0x33: {  	p0 =	seq.s32 s10, $0x1;
	s10 =	sld [smem:$0x3FB8];
	_ =	sdelay $0x3  }
0x34: {  	[smem:$0x3FB8] =	sst s10  }
0x35: {  	s10 =	sld [smem:$0x3FB7];
	_ =	sdelay $0x3  }
0x36: {  	p1 =	seq.s32 s10, $0x1;
	s10 =	sld [smem:$0x3FB8];
	_ =	sdelay $0x3  }
0x37: {  	[smem:$0x3FB8] =	sst s10  }
0x38: {  	s10 =	sld [smem:$0x3FB9]  }
0x39: {  	_ = 	snop;
	(pc) =	sbr.ind lr, $3  }
0x3a: {  	_ = 	snop  }
0x3b: {  	_ = 	snop  }
0x3c: {  	p2 =	seq.s32 s10, $0x1;
	s10 =	sld [smem:$0x3FB8]  }
0x3d: {  	_ =	shalt  }
0x3e: {  	_ =	shalt  }
0x3f: {  	_ =	shalt  }
0x40: {  	_ =	shalt  }
0x41: {  	_ =	shalt  }
0x42: {  	_ =	shalt  }
0x43: {  	_ =	shalt  }
0x44: {  	_ =	shalt  }
0x45: {  	_ =	shalt  }
0x46: {  	_ =	shalt  }
0x47: {  	_ =	shalt  }
0x48: {  	_ =	shalt  }
0x49: {  	_ =	shalt  }
0x4a: {  	_ =	shalt  }
0x4b: {  	_ =	shalt  }
0x4c: {  	_ =	shalt  }
0x4d: {  	_ =	shalt  }
0x4e: {  	_ =	shalt  }
0x4f: {  	_ =	shalt  }
0x50: {  	_ =	shalt  }
0x51: {  	_ =	shalt  }
0x52: {  	_ =	shalt  }
0x53: {  	_ =	shalt  }
0x54: {  	_ =	shalt  }
0x55: {  	_ =	shalt  }
0x56: {  	_ =	shalt  }
0x57: {  	_ =	shalt  }
0x58: {  	_ =	shalt  }
0x59: {  	_ =	shalt  }
0x5a: {  	_ =	shalt  }
0x5b: {  	_ =	shalt  }
0x5c: {  	_ =	shalt  }
0x5d: {  	_ =	shalt  }
0x5e: {  	_ =	shalt  }
0x5f: {  	_ =	shalt  }
0x60: {  	_ =	shalt  }
0x61: {  	_ =	shalt  }
0x62: {  	_ =	shalt  }
0x63: {  	_ =	shalt  }
0x64: {  	_ =	shalt  }
0x65: {  	_ =	shalt  }
0x66: {  	_ =	shalt  }
0x67: {  	_ =	shalt  }
0x68: {  	_ =	shalt  }
0x69: {  	_ =	shalt  }
0x6a: {  	_ =	shalt  }
0x6b: {  	_ =	shalt  }
0x6c: {  	_ =	shalt  }
0x6d: {  	_ =	shalt  }
0x6e: {  	_ =	shalt  }
0x6f: {  	_ =	shalt  }
0x70: {  	_ =	shalt  }
0x71: {  	_ =	shalt  }
0x72: {  	_ =	shalt  }
0x73: {  	_ =	shalt  }
0x74: {  	_ =	shalt  }
0x75: {  	_ =	shalt  }
0x76: {  	_ =	shalt  }
0x77: {  	_ =	shalt  }
0x78: {  	_ =	shalt  }
0x79: {  	_ =	shalt  }
0x7a: {  	_ =	shalt  }
0x7b: {  	_ =	shalt  }
0x7c: {  	_ =	shalt  }
0x7d: {  	_ =	shalt  }
0x7e: {  	_ =	shalt  }
0x7f: {  	_ =	shalt  }
0x80: {  	_ =	shalt  }
0x81: {  	_ =	shalt  }
0x82: {  	_ =	shalt  }
0x83: {  	_ =	shalt  }
0x84: {  	_ =	shalt  }
0x85: {  	_ =	shalt  }
0x86: {  	_ =	shalt  }
0x87: {  	_ =	shalt  }
.Lfunc_end0:
.L_simem_size_0:
called_computation_lowered:
.L_overlay_start_0:
0x88: {  	s2 =	sld [smem:$0x3FD9]  }
0x89: {  	s3 =	sld [smem:$0x3FFE];
	_ =	sdelay $0x1  }
0x8a: {  	s1 =	srdreg.scid  }
0x8b: {  	s0 =	sand.u32 $0x1, s1  }
0x8c: {  	s17 =	sshll.u32 s0, $0xA;
	s2 =	sadd.s32 s3, s2  }
0x8d: {  	s2 =	sadd.s32 s2, s17  }
0x8e: {  	[smem:$0x3FC4] =	sst s2  }
0x8f: {  	_ = 	snop  }
0x90: {  	s2 =	sld [smem:$0x3FD0];
	(tm) =	ssettm $0x1  }
0x91: {  	s18 =	sld [smem:$0x3FFB];
	_ =	sdelay $0x3  }
0x92: {  	_ =	strace s18  }
0x93: {  	s3 =	sld [smem:$0x3FFC];
	_ =	sdelay $0x3  }
0x94: {  	_ =	strace s3  }
0x95: {  	s3 =	sld [smem:$0x3FFD];
	_ =	sdelay $0x3  }
0x96: {  	_ =	strace s3  }
0x97: {  	_ =	strace $0x8FFFFFFF  }
0x98: {  	s19 =	sld [smem:$0x3FDB];
	_ =	sdelay $0x1  }
0x99: {  	s4 =	simm.s32 $_scs_section_size  }
0x9a: {  	s5 =	simm.s32 $_size__tile_overlayer_lowered;
	s6 =	simm.s32 $_tile_overlayer_lowered  }
0x9b: {  	s22 =	simm.s32 $0x1BFF;
	s21 =	sshll.u32 s6, $0x1;
	s3 =	sadd.s32 s4, s19  }
0x9c: {  	s7 =	simm.s32 $0x0;
	s20 =	sshll.u32 s5, $0x1;
	s5 =	sadd.s32 s21, s3  }
0x9d: {  	[timem:s7], [sflag:s22] =	dma.local [hbm:s5], s20  }
0x9e: {  	_ =	swait.ge [sflag:s22], s20  }
0x9f: {  	s4 =	ssub.s32 $0x0, s20;
	[sflag:s22] =	ssyncset.done $0x0  }
0xa0: {  	[sflag:s22] =	ssyncadd.s32 s4;
	_ =	sdelay $0x1  }
0xa1: {  	s23 =	simm.s32 $0x1B8B  }
0xa2: {  	_ =	swait.ge [sflag:s23], $0x1  }
0xa3: {  	[sflag:s23] =	ssyncset.done $0x0  }
0xa4: {  	s25 =	simm.s32 $0x1B8E;
	s24 =	sld [smem:$0x3FFE];
	[sflag:s23] =	ssyncadd.s32 $0xFFFFFFFF  }
0xa5: {  	s26 =	simm.s32 $execute0_lowered;
	[smem:$0x3FD2] =	sst s25  }
0xa6: {  	s5 =	sshll.u32 s26, $0x1;
	_ =	strace $0x80000046;
	[dreg:$0x1] =	wrdreg $0xFFFFFFFF  }
0xa7: {  	s28 =	simm.s32 $_size_execute0_lowered;
	s3 =	sadd.s32 s3, s5;
	[dreg:$0x0] =	wrdreg $0x0  }
0xa8: {  	s5 =	sshll.u32 s28, $0x1;
	[dreg:$0x2] =	wrdreg s3  }
0xa9: {  	[dreg:$0x3] =	wrdreg s5  }
0xaa: {  	[dreg:$0x4] =	wrdreg $0xC0  }
0xab: {  	_ =	task [dreg:s7], $0x5FFFF  }
0xac: {  	[dreg:$0x1] =	wrdreg $0xFFFFFFFF  }
0xad: {  	[dreg:$0x0] =	wrdreg $0x60  }
0xae: {  	[dreg:$0x2] =	wrdreg s2  }
0xaf: {  	[dreg:$0x3] =	wrdreg s24  }
0xb0: {  	[dreg:$0x4] =	wrdreg $0x9  }
0xb1: {  	_ =	task.clear_ibuf [dreg:s7], $0x5FFFF;
	_ =	strace $0x90000046  }
0xb2: {  	s29 =	simm.s32 $0x9;
	_ =	strace $0x80000048  }
0xb3: {  	_ =	swait.ge [sflag:s29], $0x1  }
0xb4: {  	[sflag:s29] =	ssyncadd.s32 $0xFFFFFFFF  }
0xb5: {  	_ =	strace $0x90000048  }
0xb6: {  	_ =	sfence  }
0xb7: {  	s30 =	sld [smem:$0x0];
	_ =	sdelay $0x2  }
0xb8: {  	s31 =	sshll.u32 s1, $0xD;
	s1 =	sshrl.u32 s1, $0x2  }
0xb9: {  	s3 =	sand.u32 $0x4000, s31;
	s1 =	sadd.s32 s1, s30  }
0xba: {  	s0 =	sor.u32 s3, s0;
	s1 =	sshll.u32 s1, $0x11  }
0xbb: {  	s0 =	sor.u32 s1, s0  }
0xbc: {  	s0 =	sadd.s32 $0x8F2B, s0  }
0xbd: {  	[sflag:s0] =	ssyncadd.remote.s32 $0x1  }
0xbe: {  	_ =	sfence.sel $0xFFFF  }
0xbf: {  	[dreg:$0x0] =	wrdreg $0xFFFFFFFF;
	(pc) =	sbr.abs _section_cstart, $3  }
0xc0: {  	[dreg:$0x1] =	wrdreg $0xFFFFFFFF  }
0xc1: {  	_ =	task.clear_ibuf [dreg:s7], $0x2FFFF;
	_ =	strace $0x9FFFFFFF  }
0xc2: {  	(tm) =	ssettm $0x7FFFFFFF  }
0xc3: {  	_ =	shalt  }
tec
execute0_lowered:
.L_overlay_start_1:
0x0: {  	(tag) =	ssettag $0x1  }
0x1: {  	s0 =	srdreg.scid;
	s1 =	stileid.u32  }
0x2: {  	s0 =	sand.u32 $0x1, s0;
	s2 =	sshll.u32 s1, $0x1  }
0x3: {  	s4 =	sor.u32 s0, s2  }
0x4: {  	s3 =	rddreg [dreg:$0x0];
	s4 =	smul.u32 $0x6400, s4  }
0x5: {  	s1 =	rddreg [dreg:$0x1];
	s2 =	simm.s32 $0x0  }
0x6: {  	s5 =	sadd.s32 $0x56400, s1;
	[smem:$0x7FF] =	sst s2;
	s4 =	sshrl.u32 s4, $0x3  }
0x7: {  	_ =	strace $0x80000047;
	s6 =	sadd.s32 s1, s4;
	s7 =	sadd.s32 $0x190, s4  }
0x8: {  	s31 =	sadd.s32 s5, s4;
	[dreg:$0x3] =	wrdreg s6;
	s23 =	sadd.s32 s1, s7  }
0x9: {  	s24 =	sadd.s32 $0x19000, s31;
	[dreg:$0x4] =	wrdreg s23  }
0xa: {  	s8 =	sadd.s32 $0x320, s4;
	s25 =	sadd.s32 $0x32000, s31;
	[dreg:$0x5] =	wrdreg s24  }
0xb: {  	s26 =	sadd.s32 s1, s8;
	[dreg:$0x6] =	wrdreg s25  }
0xc: {  	s9 =	sadd.s32 s5, s7;
	[dreg:$0x7] =	wrdreg s26  }
0xd: {  	p0 =	por $0x0, $0x0;
	s10 =	sadd.s32 $0x19190, s31;
	[dreg:$0x8] =	wrdreg s9  }
0xe: {  	s12 =	sadd.s32 $0x4B0, s4;
	s11 =	sadd.s32 $0x32190, s31;
	[dreg:$0x9] =	wrdreg s10  }
0xf: {  	s0 =	ssub.s32 $0x2, s0;
	s13 =	sadd.s32 s1, s12;
	[dreg:$0xa] =	wrdreg s11  }
0x10: {  	s21 =	sadd.s32 $0x7D0, s4;
	s14 =	sadd.s32 s5, s8;
	[dreg:$0xb] =	wrdreg s13  }
0x11: {  	s15 =	sadd.s32 $0x19320, s31;
	s16 =	sadd.s32 $0x32320, s31;
	[dreg:$0xc] =	wrdreg s14  }
0x12: {  	s8 =	sadd.s32 $0x19000, s1;
	s18 =	sadd.s32 s5, s12;
	[dreg:$0xd] =	wrdreg s15  }
0x13: {  	s19 =	sadd.s32 $0x194B0, s31;
	s20 =	sadd.s32 $0x324B0, s31;
	[dreg:$0xe] =	wrdreg s16  }
0x14: {  	s22 =	sadd.s32 s1, s21;
	s29 =	sadd.s32 $0x19640, s31;
	[dreg:$0x10] =	wrdreg s18  }
0x15: {  	s28 =	sadd.s32 $0x32640, s31;
	s12 =	sadd.s32 $0x32960, s31;
	[dreg:$0x11] =	wrdreg s19  }
0x16: {  	s6 =	sadd.s32 $0x19AF0, s31;
	s10 =	sadd.s32 $0x640, s4;
	[dreg:$0x12] =	wrdreg s20  }
0x17: {  	s9 =	sadd.s32 $0x37A00, s1;
	s11 =	sshrl.u32 s0, $0x1;
	[dreg:$0x13] =	wrdreg s22  }
0x18: {  	s23 =	sadd.s32 $0x960, s4;
	s25 =	sadd.s32 s5, s21;
	s4 =	sadd.s32 $0xAF0, s4  }
0x19: {  	s24 =	sadd.s32 $0x197D0, s31;
	s21 =	sadd.s32 $0x327D0, s31;
	s14 =	sadd.s32 $0x19960, s31  }
0x1a: {  	s22 =	simm.s32 $0xC80;
	s19 =	simm.s32 $0x1900;
	s0 =	ssub.s32 s0, s11  }
0x1b: {  	s18 =	simm.s32 $0x3200;
	s13 =	simm.s32 $0x3E80;
	s0 =	smax.u32 s0, $0x1  }
0x1c: {  	s15 =	simm.s32 $0x2;
	s17 =	sadd.s32 s1, s10;
	p1 =	sne.s32 s0, $0x1  }
.Ltmp0:
0x1d: {  	s30 =	sadd.s32 s5, s10;
	s26 =	sadd.s32 s1, s23;
	(pc) =	sbr.rel @!p1 .LBB2_3-.Ltmp0, $4  }
0x1e: {  	s20 =	sadd.s32 s1, s4;
	s16 =	sadd.s32 s5, s23;
	s7 =	sadd.s32 s5, s4  }
0x1f: {  	s5 =	sadd.s32 $0x32AF0, s31;
	s4 =	simm.s32 $0x3;
	s11 =	simm.s32 $0x4B00  }
0x20: {  	s10 =	simm.s32 $0x5780;
	s23 =	simm.s32 $0x1;
	[dreg:$0xf] =	wrdreg s17  }
0x21: {  	s17 =	simm.s32 $0x2580;
	s1 =	sadd.s32 $0xFFFFFFFF, s0;
	s0 =	rddreg [dreg:$0x3]  }
0x22: {  	[tilespmem:s2], [sflag:$0x3] =	stream.linear.gather [hbm4b:s0+s2], $0xC80, $0x38;
	[tilespmem:$0x6400] =	vst v63  }
0x23: {  	_ =	swait.ge [sflag:s4], $0xC80  }
0x24: {  	[sflag:s4] =	ssyncset.done $0x0  }
0x25: {  	[sflag:s4] =	ssyncadd.s32 $0xFFFFF380  }
0x26: {  	[tilespmem:s19], [sflag:$0x1] =	stream.indirect.gather [hbm4b:s3+s22], $0x1, s2, s22, $0xb8;
	[tilespmem:$0x6400] =	vst v63  }
0x27: {  	_ = 	snop  }
0x28: {  	[tilespmem:s17], [sflag:$0x1] =	stream.indirect.gather [hbm4b:s8+s22], $0x1, s2, s22, $0xb8;
	[tilespmem:$0x6400] =	vst v63  }
0x29: {  	_ = 	snop  }
0x2a: {  	[tilespmem:s18], [sflag:$0x1] =	stream.indirect.gather [hbm4b:s9+s22], $0x1, s2, s22, $0xb8;
	[tilespmem:$0x6400] =	vst v63  }
0x2b: {  	s0 =	rddreg [dreg:$0x4]  }
0x2c: {  	[tilespmem:s22], [sflag:$0x3] =	stream.linear.gather [hbm4b:s0+s2], $0xC80, $0x38;
	[tilespmem:$0x6400] =	vst v63  }
0x2d: {  	_ =	swait.ge [sflag:s4], $0xC80  }
0x2e: {  	[sflag:s4] =	ssyncset.done $0x0  }
0x2f: {  	[sflag:s4] =	ssyncadd.s32 $0xFFFFF380  }
0x30: {  	[tilespmem:s13], [sflag:$0x2] =	stream.indirect.gather [hbm4b:s3+s22], $0x1, s22, s22, $0xb8;
	[tilespmem:$0x6400] =	vst v63  }
0x31: {  	_ = 	snop  }
0x32: {  	[tilespmem:s11], [sflag:$0x2] =	stream.indirect.gather [hbm4b:s8+s22], $0x1, s22, s22, $0xb8;
	[tilespmem:$0x6400] =	vst v63  }
0x33: {  	_ = 	snop  }
0x34: {  	[tilespmem:s10], [sflag:$0x2] =	stream.indirect.gather [hbm4b:s9+s22], $0x1, s22, s22, $0xb8;
	[tilespmem:$0x6400] =	vst v63  }
0x35: {  	_ =	swait.ge [sflag:s23], $0xC80  }
0x36: {  	[sflag:s23] =	ssyncset.done $0x0  }
0x37: {  	[sflag:s23] =	ssyncadd.s32 $0xFFFFF380  }
0x38: {  	_ =	swait.ge [sflag:s23], $0xC80  }
0x39: {  	[sflag:s23] =	ssyncset.done $0x0  }
0x3a: {  	[sflag:s23] =	ssyncadd.s32 $0xFFFFF380  }
0x3b: {  	_ =	swait.ge [sflag:s23], $0xC80  }
0x3c: {  	[sflag:s23] =	ssyncset.done $0x0  }
0x3d: {  	[sflag:s23] =	ssyncadd.s32 $0xFFFFF380  }
0x3e: {  	[hbm4b:s31+s2] =	stream.linear.scatter [tilespmem:s19], [sflag:$0x3], $0xC80, $0x38;
	[tilespmem:$0x6400] =	vst v63  }
0x3f: {  	_ =	swait.ge [sflag:s4], $0xC80  }
0x40: {  	[sflag:s4] =	ssyncset.done $0x0  }
0x41: {  	s0 =	rddreg [dreg:$0x5];
	[sflag:s4] =	ssyncadd.s32 $0xFFFFF380  }
0x42: {  	[hbm4b:s0+s2] =	stream.linear.scatter [tilespmem:s17], [sflag:$0x3], $0xC80, $0x38;
	[tilespmem:$0x6400] =	vst v63  }
0x43: {  	_ =	swait.ge [sflag:s4], $0xC80  }
0x44: {  	[sflag:s4] =	ssyncset.done $0x0  }
0x45: {  	s0 =	rddreg [dreg:$0x6];
	[sflag:s4] =	ssyncadd.s32 $0xFFFFF380  }
0x46: {  	[hbm4b:s0+s2] =	stream.linear.scatter [tilespmem:s18], [sflag:$0x3], $0xC80, $0x38;
	[tilespmem:$0x6400] =	vst v63  }
0x47: {  	_ =	swait.ge [sflag:s4], $0xC80  }
0x48: {  	[sflag:s4] =	ssyncset.done $0x0  }
0x49: {  	s0 =	rddreg [dreg:$0x7];
	[sflag:s4] =	ssyncadd.s32 $0xFFFFF380  }
0x4a: {  	[tilespmem:s2], [sflag:$0x3] =	stream.linear.gather [hbm4b:s0+s2], $0xC80, $0x38;
	[tilespmem:$0x6400] =	vst v63  }
0x4b: {  	_ =	swait.ge [sflag:s4], $0xC80  }
0x4c: {  	[sflag:s4] =	ssyncset.done $0x0  }
0x4d: {  	[sflag:s4] =	ssyncadd.s32 $0xFFFFF380  }
0x4e: {  	[tilespmem:s19], [sflag:$0x1] =	stream.indirect.gather [hbm4b:s3+s22], $0x1, s2, s22, $0xb8;
	[tilespmem:$0x6400] =	vst v63  }
0x4f: {  	_ = 	snop  }
0x50: {  	[tilespmem:s17], [sflag:$0x1] =	stream.indirect.gather [hbm4b:s8+s22], $0x1, s2, s22, $0xb8;
	[tilespmem:$0x6400] =	vst v63  }
0x51: {  	_ = 	snop  }
0x52: {  	[tilespmem:s18], [sflag:$0x1] =	stream.indirect.gather [hbm4b:s9+s22], $0x1, s2, s22, $0xb8;
	[tilespmem:$0x6400] =	vst v63  }
0x53: {  	_ =	swait.ge [sflag:s15], $0xC80  }
0x54: {  	[sflag:s15] =	ssyncset.done $0x0  }
0x55: {  	[sflag:s15] =	ssyncadd.s32 $0xFFFFF380  }
0x56: {  	_ =	swait.ge [sflag:s15], $0xC80  }
0x57: {  	[sflag:s15] =	ssyncset.done $0x0  }
0x58: {  	[sflag:s15] =	ssyncadd.s32 $0xFFFFF380  }
0x59: {  	_ =	swait.ge [sflag:s15], $0xC80  }
0x5a: {  	[sflag:s15] =	ssyncset.done $0x0  }
0x5b: {  	s0 =	rddreg [dreg:$0x8];
	[sflag:s15] =	ssyncadd.s32 $0xFFFFF380  }
0x5c: {  	[hbm4b:s0+s2] =	stream.linear.scatter [tilespmem:s13], [sflag:$0x3], $0xC80, $0x38;
	[tilespmem:$0x6400] =	vst v63  }
0x5d: {  	_ =	swait.ge [sflag:s4], $0xC80  }
0x5e: {  	[sflag:s4] =	ssyncset.done $0x0  }
0x5f: {  	s0 =	rddreg [dreg:$0x9];
	[sflag:s4] =	ssyncadd.s32 $0xFFFFF380  }
0x60: {  	[hbm4b:s0+s2] =	stream.linear.scatter [tilespmem:s11], [sflag:$0x3], $0xC80, $0x38;
	[tilespmem:$0x6400] =	vst v63  }
0x61: {  	_ =	swait.ge [sflag:s4], $0xC80  }
0x62: {  	[sflag:s4] =	ssyncset.done $0x0  }
0x63: {  	s0 =	rddreg [dreg:$0xa];
	[sflag:s4] =	ssyncadd.s32 $0xFFFFF380  }
0x64: {  	[hbm4b:s0+s2] =	stream.linear.scatter [tilespmem:s10], [sflag:$0x3], $0xC80, $0x38;
	[tilespmem:$0x6400] =	vst v63  }
0x65: {  	_ =	swait.ge [sflag:s4], $0xC80  }
0x66: {  	[sflag:s4] =	ssyncset.done $0x0  }
0x67: {  	s0 =	rddreg [dreg:$0xb];
	[sflag:s4] =	ssyncadd.s32 $0xFFFFF380  }
0x68: {  	[tilespmem:s22], [sflag:$0x3] =	stream.linear.gather [hbm4b:s0+s2], $0xC80, $0x38;
	[tilespmem:$0x6400] =	vst v63  }
0x69: {  	_ =	swait.ge [sflag:s4], $0xC80  }
0x6a: {  	[sflag:s4] =	ssyncset.done $0x0  }
0x6b: {  	[sflag:s4] =	ssyncadd.s32 $0xFFFFF380  }
0x6c: {  	[tilespmem:s13], [sflag:$0x2] =	stream.indirect.gather [hbm4b:s3+s22], $0x1, s22, s22, $0xb8;
	[tilespmem:$0x6400] =	vst v63  }
0x6d: {  	_ = 	snop  }
0x6e: {  	[tilespmem:s11], [sflag:$0x2] =	stream.indirect.gather [hbm4b:s8+s22], $0x1, s22, s22, $0xb8;
	[tilespmem:$0x6400] =	vst v63  }
0x6f: {  	_ = 	snop  }
0x70: {  	[tilespmem:s10], [sflag:$0x2] =	stream.indirect.gather [hbm4b:s9+s22], $0x1, s22, s22, $0xb8;
	[tilespmem:$0x6400] =	vst v63  }
0x71: {  	_ =	swait.ge [sflag:s23], $0xC80  }
0x72: {  	[sflag:s23] =	ssyncset.done $0x0  }
0x73: {  	[sflag:s23] =	ssyncadd.s32 $0xFFFFF380  }
0x74: {  	_ =	swait.ge [sflag:s23], $0xC80  }
0x75: {  	[sflag:s23] =	ssyncset.done $0x0  }
0x76: {  	[sflag:s23] =	ssyncadd.s32 $0xFFFFF380  }
0x77: {  	_ =	swait.ge [sflag:s23], $0xC80  }
0x78: {  	[sflag:s23] =	ssyncset.done $0x0  }
0x79: {  	s0 =	rddreg [dreg:$0xc];
	[sflag:s23] =	ssyncadd.s32 $0xFFFFF380  }
0x7a: {  	[hbm4b:s0+s2] =	stream.linear.scatter [tilespmem:s19], [sflag:$0x3], $0xC80, $0x38;
	[tilespmem:$0x6400] =	vst v63  }
0x7b: {  	_ =	swait.ge [sflag:s4], $0xC80  }
0x7c: {  	[sflag:s4] =	ssyncset.done $0x0  }
0x7d: {  	s0 =	rddreg [dreg:$0xd];
	[sflag:s4] =	ssyncadd.s32 $0xFFFFF380  }
0x7e: {  	[hbm4b:s0+s2] =	stream.linear.scatter [tilespmem:s17], [sflag:$0x3], $0xC80, $0x38;
	[tilespmem:$0x6400] =	vst v63  }
0x7f: {  	_ =	swait.ge [sflag:s4], $0xC80  }
0x80: {  	[sflag:s4] =	ssyncset.done $0x0  }
0x81: {  	s0 =	rddreg [dreg:$0xe];
	[sflag:s4] =	ssyncadd.s32 $0xFFFFF380  }
0x82: {  	[hbm4b:s0+s2] =	stream.linear.scatter [tilespmem:s18], [sflag:$0x3], $0xC80, $0x38;
	[tilespmem:$0x6400] =	vst v63  }
0x83: {  	_ =	swait.ge [sflag:s4], $0xC80  }
0x84: {  	[sflag:s4] =	ssyncset.done $0x0  }
0x85: {  	s0 =	rddreg [dreg:$0xf];
	[sflag:s4] =	ssyncadd.s32 $0xFFFFF380  }
0x86: {  	[tilespmem:s2], [sflag:$0x3] =	stream.linear.gather [hbm4b:s0+s2], $0xC80, $0x38;
	[tilespmem:$0x6400] =	vst v63  }
0x87: {  	_ =	swait.ge [sflag:s4], $0xC80  }
0x88: {  	[sflag:s4] =	ssyncset.done $0x0  }
0x89: {  	[sflag:s4] =	ssyncadd.s32 $0xFFFFF380  }
0x8a: {  	[tilespmem:s19], [sflag:$0x1] =	stream.indirect.gather [hbm4b:s3+s22], $0x1, s2, s22, $0xb8;
	[tilespmem:$0x6400] =	vst v63  }
0x8b: {  	_ = 	snop  }
0x8c: {  	[tilespmem:s17], [sflag:$0x1] =	stream.indirect.gather [hbm4b:s8+s22], $0x1, s2, s22, $0xb8;
	[tilespmem:$0x6400] =	vst v63  }
0x8d: {  	_ = 	snop  }
0x8e: {  	[tilespmem:s18], [sflag:$0x1] =	stream.indirect.gather [hbm4b:s9+s22], $0x1, s2, s22, $0xb8;
	[tilespmem:$0x6400] =	vst v63  }
0x8f: {  	_ =	swait.ge [sflag:s15], $0xC80  }
0x90: {  	[sflag:s15] =	ssyncset.done $0x0  }
0x91: {  	[sflag:s15] =	ssyncadd.s32 $0xFFFFF380  }
0x92: {  	_ =	swait.ge [sflag:s15], $0xC80  }
0x93: {  	[sflag:s15] =	ssyncset.done $0x0  }
0x94: {  	[sflag:s15] =	ssyncadd.s32 $0xFFFFF380  }
0x95: {  	_ =	swait.ge [sflag:s15], $0xC80  }
0x96: {  	[sflag:s15] =	ssyncset.done $0x0  }
0x97: {  	s0 =	rddreg [dreg:$0x10];
	[sflag:s15] =	ssyncadd.s32 $0xFFFFF380  }
0x98: {  	[hbm4b:s0+s2] =	stream.linear.scatter [tilespmem:s13], [sflag:$0x3], $0xC80, $0x38;
	[tilespmem:$0x6400] =	vst v63  }
0x99: {  	_ =	swait.ge [sflag:s4], $0xC80  }
0x9a: {  	[sflag:s4] =	ssyncset.done $0x0  }
0x9b: {  	s0 =	rddreg [dreg:$0x11];
	[sflag:s4] =	ssyncadd.s32 $0xFFFFF380  }
0x9c: {  	[hbm4b:s0+s2] =	stream.linear.scatter [tilespmem:s11], [sflag:$0x3], $0xC80, $0x38;
	[tilespmem:$0x6400] =	vst v63  }
0x9d: {  	_ =	swait.ge [sflag:s4], $0xC80  }
0x9e: {  	[sflag:s4] =	ssyncset.done $0x0  }
0x9f: {  	s0 =	rddreg [dreg:$0x12];
	[sflag:s4] =	ssyncadd.s32 $0xFFFFF380  }
0xa0: {  	[hbm4b:s0+s2] =	stream.linear.scatter [tilespmem:s10], [sflag:$0x3], $0xC80, $0x38;
	[tilespmem:$0x6400] =	vst v63  }
0xa1: {  	_ =	swait.ge [sflag:s4], $0xC80  }
0xa2: {  	[sflag:s4] =	ssyncset.done $0x0  }
0xa3: {  	s0 =	rddreg [dreg:$0x13];
	[sflag:s4] =	ssyncadd.s32 $0xFFFFF380  }
0xa4: {  	[tilespmem:s22], [sflag:$0x3] =	stream.linear.gather [hbm4b:s0+s2], $0xC80, $0x38;
	[tilespmem:$0x6400] =	vst v63  }
0xa5: {  	_ =	swait.ge [sflag:s4], $0xC80  }
0xa6: {  	[sflag:s4] =	ssyncset.done $0x0  }
0xa7: {  	[sflag:s4] =	ssyncadd.s32 $0xFFFFF380  }
0xa8: {  	[tilespmem:s13], [sflag:$0x2] =	stream.indirect.gather [hbm4b:s3+s22], $0x1, s22, s22, $0xb8;
	[tilespmem:$0x6400] =	vst v63  }
0xa9: {  	_ = 	snop  }
0xaa: {  	[tilespmem:s11], [sflag:$0x2] =	stream.indirect.gather [hbm4b:s8+s22], $0x1, s22, s22, $0xb8;
	[tilespmem:$0x6400] =	vst v63  }
0xab: {  	_ = 	snop  }
0xac: {  	[tilespmem:s10], [sflag:$0x2] =	stream.indirect.gather [hbm4b:s9+s22], $0x1, s22, s22, $0xb8;
	[tilespmem:$0x6400] =	vst v63  }
0xad: {  	_ =	swait.ge [sflag:s23], $0xC80  }
0xae: {  	[sflag:s23] =	ssyncset.done $0x0  }
0xaf: {  	[sflag:s23] =	ssyncadd.s32 $0xFFFFF380  }
0xb0: {  	_ =	swait.ge [sflag:s23], $0xC80  }
0xb1: {  	[sflag:s23] =	ssyncset.done $0x0  }
0xb2: {  	[sflag:s23] =	ssyncadd.s32 $0xFFFFF380  }
0xb3: {  	_ =	swait.ge [sflag:s23], $0xC80  }
0xb4: {  	[sflag:s23] =	ssyncset.done $0x0  }
0xb5: {  	[sflag:s23] =	ssyncadd.s32 $0xFFFFF380  }
0xb6: {  	[hbm4b:s30+s2] =	stream.linear.scatter [tilespmem:s19], [sflag:$0x3], $0xC80, $0x38;
	[tilespmem:$0x6400] =	vst v63  }
0xb7: {  	_ =	swait.ge [sflag:s4], $0xC80  }
0xb8: {  	[sflag:s4] =	ssyncset.done $0x0  }
0xb9: {  	[sflag:s4] =	ssyncadd.s32 $0xFFFFF380  }
0xba: {  	[hbm4b:s29+s2] =	stream.linear.scatter [tilespmem:s17], [sflag:$0x3], $0xC80, $0x38;
	[tilespmem:$0x6400] =	vst v63  }
0xbb: {  	_ =	swait.ge [sflag:s4], $0xC80  }
0xbc: {  	[sflag:s4] =	ssyncset.done $0x0  }
0xbd: {  	[sflag:s4] =	ssyncadd.s32 $0xFFFFF380  }
0xbe: {  	[hbm4b:s28+s2] =	stream.linear.scatter [tilespmem:s18], [sflag:$0x3], $0xC80, $0x38;
	[tilespmem:$0x6400] =	vst v63  }
0xbf: {  	_ =	swait.ge [sflag:s4], $0xC80  }
0xc0: {  	[sflag:s4] =	ssyncset.done $0x0  }
0xc1: {  	[sflag:s4] =	ssyncadd.s32 $0xFFFFF380  }
0xc2: {  	[tilespmem:s2], [sflag:$0x3] =	stream.linear.gather [hbm4b:s26+s2], $0xC80, $0x38;
	[tilespmem:$0x6400] =	vst v63  }
0xc3: {  	_ =	swait.ge [sflag:s4], $0xC80  }
0xc4: {  	[sflag:s4] =	ssyncset.done $0x0  }
0xc5: {  	[sflag:s4] =	ssyncadd.s32 $0xFFFFF380  }
0xc6: {  	[tilespmem:s19], [sflag:$0x1] =	stream.indirect.gather [hbm4b:s3+s22], $0x1, s2, s22, $0xb8;
	[tilespmem:$0x6400] =	vst v63  }
0xc7: {  	_ = 	snop  }
0xc8: {  	[tilespmem:s17], [sflag:$0x1] =	stream.indirect.gather [hbm4b:s8+s22], $0x1, s2, s22, $0xb8;
	[tilespmem:$0x6400] =	vst v63  }
0xc9: {  	_ = 	snop  }
0xca: {  	[tilespmem:s18], [sflag:$0x1] =	stream.indirect.gather [hbm4b:s9+s22], $0x1, s2, s22, $0xb8;
	[tilespmem:$0x6400] =	vst v63  }
0xcb: {  	_ =	swait.ge [sflag:s15], $0xC80  }
0xcc: {  	[sflag:s15] =	ssyncset.done $0x0  }
0xcd: {  	[sflag:s15] =	ssyncadd.s32 $0xFFFFF380  }
0xce: {  	_ =	swait.ge [sflag:s15], $0xC80  }
0xcf: {  	[sflag:s15] =	ssyncset.done $0x0  }
0xd0: {  	[sflag:s15] =	ssyncadd.s32 $0xFFFFF380  }
0xd1: {  	_ =	swait.ge [sflag:s15], $0xC80  }
0xd2: {  	[sflag:s15] =	ssyncset.done $0x0  }
0xd3: {  	[sflag:s15] =	ssyncadd.s32 $0xFFFFF380  }
0xd4: {  	[hbm4b:s25+s2] =	stream.linear.scatter [tilespmem:s13], [sflag:$0x3], $0xC80, $0x38;
	[tilespmem:$0x6400] =	vst v63  }
0xd5: {  	_ =	swait.ge [sflag:s4], $0xC80  }
0xd6: {  	[sflag:s4] =	ssyncset.done $0x0  }
0xd7: {  	[sflag:s4] =	ssyncadd.s32 $0xFFFFF380  }
0xd8: {  	[hbm4b:s24+s2] =	stream.linear.scatter [tilespmem:s11], [sflag:$0x3], $0xC80, $0x38;
	[tilespmem:$0x6400] =	vst v63  }
0xd9: {  	_ =	swait.ge [sflag:s4], $0xC80  }
0xda: {  	[sflag:s4] =	ssyncset.done $0x0  }
0xdb: {  	[sflag:s4] =	ssyncadd.s32 $0xFFFFF380  }
0xdc: {  	[hbm4b:s21+s2] =	stream.linear.scatter [tilespmem:s10], [sflag:$0x3], $0xC80, $0x38;
	[tilespmem:$0x6400] =	vst v63  }
0xdd: {  	_ =	swait.ge [sflag:s4], $0xC80  }
0xde: {  	[sflag:s4] =	ssyncset.done $0x0  }
0xdf: {  	[sflag:s4] =	ssyncadd.s32 $0xFFFFF380  }
0xe0: {  	[tilespmem:s22], [sflag:$0x3] =	stream.linear.gather [hbm4b:s20+s2], $0xC80, $0x38;
	[tilespmem:$0x6400] =	vst v63  }
0xe1: {  	_ =	swait.ge [sflag:s4], $0xC80  }
0xe2: {  	[sflag:s4] =	ssyncset.done $0x0  }
0xe3: {  	[sflag:s4] =	ssyncadd.s32 $0xFFFFF380  }
0xe4: {  	[tilespmem:s13], [sflag:$0x2] =	stream.indirect.gather [hbm4b:s3+s22], $0x1, s22, s22, $0xb8;
	[tilespmem:$0x6400] =	vst v63  }
0xe5: {  	_ = 	snop  }
0xe6: {  	[tilespmem:s11], [sflag:$0x2] =	stream.indirect.gather [hbm4b:s8+s22], $0x1, s22, s22, $0xb8;
	[tilespmem:$0x6400] =	vst v63  }
0xe7: {  	_ = 	snop  }
0xe8: {  	[tilespmem:s10], [sflag:$0x2] =	stream.indirect.gather [hbm4b:s9+s22], $0x1, s22, s22, $0xb8;
	[tilespmem:$0x6400] =	vst v63  }
0xe9: {  	_ =	swait.ge [sflag:s23], $0xC80  }
0xea: {  	[sflag:s23] =	ssyncset.done $0x0  }
0xeb: {  	[sflag:s23] =	ssyncadd.s32 $0xFFFFF380  }
0xec: {  	_ =	swait.ge [sflag:s23], $0xC80  }
0xed: {  	[sflag:s23] =	ssyncset.done $0x0  }
0xee: {  	[sflag:s23] =	ssyncadd.s32 $0xFFFFF380  }
0xef: {  	_ =	swait.ge [sflag:s23], $0xC80  }
0xf0: {  	[sflag:s23] =	ssyncset.done $0x0  }
0xf1: {  	[sflag:s23] =	ssyncadd.s32 $0xFFFFF380  }
0xf2: {  	[hbm4b:s16+s2] =	stream.linear.scatter [tilespmem:s19], [sflag:$0x3], $0xC80, $0x38;
	[tilespmem:$0x6400] =	vst v63  }
0xf3: {  	_ =	swait.ge [sflag:s4], $0xC80  }
0xf4: {  	[sflag:s4] =	ssyncset.done $0x0  }
0xf5: {  	[sflag:s4] =	ssyncadd.s32 $0xFFFFF380  }
0xf6: {  	[hbm4b:s14+s2] =	stream.linear.scatter [tilespmem:s17], [sflag:$0x3], $0xC80, $0x38;
	[tilespmem:$0x6400] =	vst v63  }
0xf7: {  	_ =	swait.ge [sflag:s4], $0xC80  }
0xf8: {  	[sflag:s4] =	ssyncset.done $0x0  }
0xf9: {  	[sflag:s4] =	ssyncadd.s32 $0xFFFFF380  }
0xfa: {  	[hbm4b:s12+s2] =	stream.linear.scatter [tilespmem:s18], [sflag:$0x3], $0xC80, $0x38;
	[tilespmem:$0x6400] =	vst v63  }
0xfb: {  	_ =	swait.ge [sflag:s4], $0xC80  }
0xfc: {  	[sflag:s4] =	ssyncset.done $0x0  }
0xfd: {  	[sflag:s4] =	ssyncadd.s32 $0xFFFFF380  }
0xfe: {  	_ =	swait.ge [sflag:s15], $0xC80  }
0xff: {  	[sflag:s15] =	ssyncset.done $0x0  }
0x100: {  	[sflag:s15] =	ssyncadd.s32 $0xFFFFF380  }
0x101: {  	_ =	swait.ge [sflag:s15], $0xC80  }
0x102: {  	[sflag:s15] =	ssyncset.done $0x0  }
0x103: {  	[sflag:s15] =	ssyncadd.s32 $0xFFFFF380  }
0x104: {  	_ =	swait.ge [sflag:s15], $0xC80  }
0x105: {  	[sflag:s15] =	ssyncset.done $0x0  }
0x106: {  	[sflag:s15] =	ssyncadd.s32 $0xFFFFF380  }
0x107: {  	[hbm4b:s7+s2] =	stream.linear.scatter [tilespmem:s13], [sflag:$0x3], $0xC80, $0x38;
	[tilespmem:$0x6400] =	vst v63  }
0x108: {  	_ =	swait.ge [sflag:s4], $0xC80  }
0x109: {  	[sflag:s4] =	ssyncset.done $0x0  }
0x10a: {  	[sflag:s4] =	ssyncadd.s32 $0xFFFFF380  }
0x10b: {  	[hbm4b:s6+s2] =	stream.linear.scatter [tilespmem:s11], [sflag:$0x3], $0xC80, $0x38;
	[tilespmem:$0x6400] =	vst v63  }
0x10c: {  	p1 =	sne.s32 s1, $0x1;
	_ =	swait.ge [sflag:s4], $0xC80  }
.Ltmp1:
0x10d: {  	[sflag:s4] =	ssyncset.done $0x0;
	(pc) =	sbr.rel @!p1 .LBB2_3-.Ltmp1, $4  }
0x10e: {  	[sflag:s4] =	ssyncadd.s32 $0xFFFFF380  }
0x10f: {  	[hbm4b:s5+s2] =	stream.linear.scatter [tilespmem:s10], [sflag:$0x3], $0xC80, $0x38;
	[tilespmem:$0x6400] =	vst v63  }
0x110: {  	s1 =	sadd.s32 $0xFFFFFFFF, s1;
	_ =	swait.ge [sflag:s4], $0xC80  }
0x111: {  	p0 =	por $0x1, $0x1;
	s0 =	rddreg [dreg:$0x3];
	[sflag:s4] =	ssyncset.done $0x0  }
.LBB2_2:
0x112: {  	[sflag:s4] =	ssyncadd.s32 $0xFFFFF380  }
0x113: {  	[tilespmem:s2], [sflag:$0x3] =	stream.linear.gather [hbm4b:s0+s2], $0xC80, $0x38;
	[tilespmem:$0x6400] =	vst v63  }
0x114: {  	_ =	swait.ge [sflag:s4], $0xC80  }
0x115: {  	[sflag:s4] =	ssyncset.done $0x0  }
0x116: {  	[sflag:s4] =	ssyncadd.s32 $0xFFFFF380  }
0x117: {  	[tilespmem:s19], [sflag:$0x1] =	stream.indirect.gather [hbm4b:s3+s22], $0x1, s2, s22, $0xb8;
	[tilespmem:$0x6400] =	vst v63  }
0x118: {  	_ = 	snop  }
0x119: {  	[tilespmem:s17], [sflag:$0x1] =	stream.indirect.gather [hbm4b:s8+s22], $0x1, s2, s22, $0xb8;
	[tilespmem:$0x6400] =	vst v63  }
0x11a: {  	_ = 	snop  }
0x11b: {  	[tilespmem:s18], [sflag:$0x1] =	stream.indirect.gather [hbm4b:s9+s22], $0x1, s2, s22, $0xb8;
	[tilespmem:$0x6400] =	vst v63  }
0x11c: {  	s0 =	rddreg [dreg:$0x4]  }
0x11d: {  	[tilespmem:s22], [sflag:$0x3] =	stream.linear.gather [hbm4b:s0+s2], $0xC80, $0x38;
	[tilespmem:$0x6400] =	vst v63  }
0x11e: {  	_ =	swait.ge [sflag:s4], $0xC80  }
0x11f: {  	[sflag:s4] =	ssyncset.done $0x0  }
0x120: {  	[sflag:s4] =	ssyncadd.s32 $0xFFFFF380  }
0x121: {  	[tilespmem:s13], [sflag:$0x2] =	stream.indirect.gather [hbm4b:s3+s22], $0x1, s22, s22, $0xb8;
	[tilespmem:$0x6400] =	vst v63  }
0x122: {  	_ = 	snop  }
0x123: {  	[tilespmem:s11], [sflag:$0x2] =	stream.indirect.gather [hbm4b:s8+s22], $0x1, s22, s22, $0xb8;
	[tilespmem:$0x6400] =	vst v63  }
0x124: {  	_ = 	snop  }
0x125: {  	[tilespmem:s10], [sflag:$0x2] =	stream.indirect.gather [hbm4b:s9+s22], $0x1, s22, s22, $0xb8;
	[tilespmem:$0x6400] =	vst v63  }
0x126: {  	_ =	swait.ge [sflag:s23], $0xC80  }
0x127: {  	[sflag:s23] =	ssyncset.done $0x0  }
0x128: {  	[sflag:s23] =	ssyncadd.s32 $0xFFFFF380  }
0x129: {  	_ =	swait.ge [sflag:s23], $0xC80  }
0x12a: {  	[sflag:s23] =	ssyncset.done $0x0  }
0x12b: {  	[sflag:s23] =	ssyncadd.s32 $0xFFFFF380  }
0x12c: {  	_ =	swait.ge [sflag:s23], $0xC80  }
0x12d: {  	[sflag:s23] =	ssyncset.done $0x0  }
0x12e: {  	[sflag:s23] =	ssyncadd.s32 $0xFFFFF380  }
0x12f: {  	[hbm4b:s31+s2] =	stream.linear.scatter [tilespmem:s19], [sflag:$0x3], $0xC80, $0x38;
	[tilespmem:$0x6400] =	vst v63  }
0x130: {  	_ =	swait.ge [sflag:s4], $0xC80  }
0x131: {  	[sflag:s4] =	ssyncset.done $0x0  }
0x132: {  	s0 =	rddreg [dreg:$0x5];
	[sflag:s4] =	ssyncadd.s32 $0xFFFFF380  }
0x133: {  	[hbm4b:s0+s2] =	stream.linear.scatter [tilespmem:s17], [sflag:$0x3], $0xC80, $0x38;
	[tilespmem:$0x6400] =	vst v63  }
0x134: {  	_ =	swait.ge [sflag:s4], $0xC80  }
0x135: {  	[sflag:s4] =	ssyncset.done $0x0  }
0x136: {  	s0 =	rddreg [dreg:$0x6];
	[sflag:s4] =	ssyncadd.s32 $0xFFFFF380  }
0x137: {  	[hbm4b:s0+s2] =	stream.linear.scatter [tilespmem:s18], [sflag:$0x3], $0xC80, $0x38;
	[tilespmem:$0x6400] =	vst v63  }
0x138: {  	_ =	swait.ge [sflag:s4], $0xC80  }
0x139: {  	[sflag:s4] =	ssyncset.done $0x0  }
0x13a: {  	s0 =	rddreg [dreg:$0x7];
	[sflag:s4] =	ssyncadd.s32 $0xFFFFF380  }
0x13b: {  	[tilespmem:s2], [sflag:$0x3] =	stream.linear.gather [hbm4b:s0+s2], $0xC80, $0x38;
	[tilespmem:$0x6400] =	vst v63  }
0x13c: {  	_ =	swait.ge [sflag:s4], $0xC80  }
0x13d: {  	[sflag:s4] =	ssyncset.done $0x0  }
0x13e: {  	[sflag:s4] =	ssyncadd.s32 $0xFFFFF380  }
0x13f: {  	[tilespmem:s19], [sflag:$0x1] =	stream.indirect.gather [hbm4b:s3+s22], $0x1, s2, s22, $0xb8;
	[tilespmem:$0x6400] =	vst v63  }
0x140: {  	_ = 	snop  }
0x141: {  	[tilespmem:s17], [sflag:$0x1] =	stream.indirect.gather [hbm4b:s8+s22], $0x1, s2, s22, $0xb8;
	[tilespmem:$0x6400] =	vst v63  }
0x142: {  	_ = 	snop  }
0x143: {  	[tilespmem:s18], [sflag:$0x1] =	stream.indirect.gather [hbm4b:s9+s22], $0x1, s2, s22, $0xb8;
	[tilespmem:$0x6400] =	vst v63  }
0x144: {  	_ =	swait.ge [sflag:s15], $0xC80  }
0x145: {  	[sflag:s15] =	ssyncset.done $0x0  }
0x146: {  	[sflag:s15] =	ssyncadd.s32 $0xFFFFF380  }
0x147: {  	_ =	swait.ge [sflag:s15], $0xC80  }
0x148: {  	[sflag:s15] =	ssyncset.done $0x0  }
0x149: {  	[sflag:s15] =	ssyncadd.s32 $0xFFFFF380  }
0x14a: {  	_ =	swait.ge [sflag:s15], $0xC80  }
0x14b: {  	[sflag:s15] =	ssyncset.done $0x0  }
0x14c: {  	s0 =	rddreg [dreg:$0x8];
	[sflag:s15] =	ssyncadd.s32 $0xFFFFF380  }
0x14d: {  	[hbm4b:s0+s2] =	stream.linear.scatter [tilespmem:s13], [sflag:$0x3], $0xC80, $0x38;
	[tilespmem:$0x6400] =	vst v63  }
0x14e: {  	_ =	swait.ge [sflag:s4], $0xC80  }
0x14f: {  	[sflag:s4] =	ssyncset.done $0x0  }
0x150: {  	s0 =	rddreg [dreg:$0x9];
	[sflag:s4] =	ssyncadd.s32 $0xFFFFF380  }
0x151: {  	[hbm4b:s0+s2] =	stream.linear.scatter [tilespmem:s11], [sflag:$0x3], $0xC80, $0x38;
	[tilespmem:$0x6400] =	vst v63  }
0x152: {  	_ =	swait.ge [sflag:s4], $0xC80  }
0x153: {  	[sflag:s4] =	ssyncset.done $0x0  }
0x154: {  	s0 =	rddreg [dreg:$0xa];
	[sflag:s4] =	ssyncadd.s32 $0xFFFFF380  }
0x155: {  	[hbm4b:s0+s2] =	stream.linear.scatter [tilespmem:s10], [sflag:$0x3], $0xC80, $0x38;
	[tilespmem:$0x6400] =	vst v63  }
0x156: {  	_ =	swait.ge [sflag:s4], $0xC80  }
0x157: {  	[sflag:s4] =	ssyncset.done $0x0  }
0x158: {  	s0 =	rddreg [dreg:$0xb];
	[sflag:s4] =	ssyncadd.s32 $0xFFFFF380  }
0x159: {  	[tilespmem:s22], [sflag:$0x3] =	stream.linear.gather [hbm4b:s0+s2], $0xC80, $0x38;
	[tilespmem:$0x6400] =	vst v63  }
0x15a: {  	_ =	swait.ge [sflag:s4], $0xC80  }
0x15b: {  	[sflag:s4] =	ssyncset.done $0x0  }
0x15c: {  	[sflag:s4] =	ssyncadd.s32 $0xFFFFF380  }
0x15d: {  	[tilespmem:s13], [sflag:$0x2] =	stream.indirect.gather [hbm4b:s3+s22], $0x1, s22, s22, $0xb8;
	[tilespmem:$0x6400] =	vst v63  }
0x15e: {  	_ = 	snop  }
0x15f: {  	[tilespmem:s11], [sflag:$0x2] =	stream.indirect.gather [hbm4b:s8+s22], $0x1, s22, s22, $0xb8;
	[tilespmem:$0x6400] =	vst v63  }
0x160: {  	_ = 	snop  }
0x161: {  	[tilespmem:s10], [sflag:$0x2] =	stream.indirect.gather [hbm4b:s9+s22], $0x1, s22, s22, $0xb8;
	[tilespmem:$0x6400] =	vst v63  }
0x162: {  	_ =	swait.ge [sflag:s23], $0xC80  }
0x163: {  	[sflag:s23] =	ssyncset.done $0x0  }
0x164: {  	[sflag:s23] =	ssyncadd.s32 $0xFFFFF380  }
0x165: {  	_ =	swait.ge [sflag:s23], $0xC80  }
0x166: {  	[sflag:s23] =	ssyncset.done $0x0  }
0x167: {  	[sflag:s23] =	ssyncadd.s32 $0xFFFFF380  }
0x168: {  	_ =	swait.ge [sflag:s23], $0xC80  }
0x169: {  	[sflag:s23] =	ssyncset.done $0x0  }
0x16a: {  	s0 =	rddreg [dreg:$0xc];
	[sflag:s23] =	ssyncadd.s32 $0xFFFFF380  }
0x16b: {  	[hbm4b:s0+s2] =	stream.linear.scatter [tilespmem:s19], [sflag:$0x3], $0xC80, $0x38;
	[tilespmem:$0x6400] =	vst v63  }
0x16c: {  	_ =	swait.ge [sflag:s4], $0xC80  }
0x16d: {  	[sflag:s4] =	ssyncset.done $0x0  }
0x16e: {  	s0 =	rddreg [dreg:$0xd];
	[sflag:s4] =	ssyncadd.s32 $0xFFFFF380  }
0x16f: {  	[hbm4b:s0+s2] =	stream.linear.scatter [tilespmem:s17], [sflag:$0x3], $0xC80, $0x38;
	[tilespmem:$0x6400] =	vst v63  }
0x170: {  	_ =	swait.ge [sflag:s4], $0xC80  }
0x171: {  	[sflag:s4] =	ssyncset.done $0x0  }
0x172: {  	s0 =	rddreg [dreg:$0xe];
	[sflag:s4] =	ssyncadd.s32 $0xFFFFF380  }
0x173: {  	[hbm4b:s0+s2] =	stream.linear.scatter [tilespmem:s18], [sflag:$0x3], $0xC80, $0x38;
	[tilespmem:$0x6400] =	vst v63  }
0x174: {  	_ =	swait.ge [sflag:s4], $0xC80  }
0x175: {  	[sflag:s4] =	ssyncset.done $0x0  }
0x176: {  	s0 =	rddreg [dreg:$0xf];
	[sflag:s4] =	ssyncadd.s32 $0xFFFFF380  }
0x177: {  	[tilespmem:s2], [sflag:$0x3] =	stream.linear.gather [hbm4b:s0+s2], $0xC80, $0x38;
	[tilespmem:$0x6400] =	vst v63  }
0x178: {  	_ =	swait.ge [sflag:s4], $0xC80  }
0x179: {  	[sflag:s4] =	ssyncset.done $0x0  }
0x17a: {  	[sflag:s4] =	ssyncadd.s32 $0xFFFFF380  }
0x17b: {  	[tilespmem:s19], [sflag:$0x1] =	stream.indirect.gather [hbm4b:s3+s22], $0x1, s2, s22, $0xb8;
	[tilespmem:$0x6400] =	vst v63  }
0x17c: {  	_ = 	snop  }
0x17d: {  	[tilespmem:s17], [sflag:$0x1] =	stream.indirect.gather [hbm4b:s8+s22], $0x1, s2, s22, $0xb8;
	[tilespmem:$0x6400] =	vst v63  }
0x17e: {  	_ = 	snop  }
0x17f: {  	[tilespmem:s18], [sflag:$0x1] =	stream.indirect.gather [hbm4b:s9+s22], $0x1, s2, s22, $0xb8;
	[tilespmem:$0x6400] =	vst v63  }
0x180: {  	_ =	swait.ge [sflag:s15], $0xC80  }
0x181: {  	[sflag:s15] =	ssyncset.done $0x0  }
0x182: {  	[sflag:s15] =	ssyncadd.s32 $0xFFFFF380  }
0x183: {  	_ =	swait.ge [sflag:s15], $0xC80  }
0x184: {  	[sflag:s15] =	ssyncset.done $0x0  }
0x185: {  	[sflag:s15] =	ssyncadd.s32 $0xFFFFF380  }
0x186: {  	_ =	swait.ge [sflag:s15], $0xC80  }
0x187: {  	[sflag:s15] =	ssyncset.done $0x0  }
0x188: {  	s0 =	rddreg [dreg:$0x10];
	[sflag:s15] =	ssyncadd.s32 $0xFFFFF380  }
0x189: {  	[hbm4b:s0+s2] =	stream.linear.scatter [tilespmem:s13], [sflag:$0x3], $0xC80, $0x38;
	[tilespmem:$0x6400] =	vst v63  }
0x18a: {  	_ =	swait.ge [sflag:s4], $0xC80  }
0x18b: {  	[sflag:s4] =	ssyncset.done $0x0  }
0x18c: {  	s0 =	rddreg [dreg:$0x11];
	[sflag:s4] =	ssyncadd.s32 $0xFFFFF380  }
0x18d: {  	[hbm4b:s0+s2] =	stream.linear.scatter [tilespmem:s11], [sflag:$0x3], $0xC80, $0x38;
	[tilespmem:$0x6400] =	vst v63  }
0x18e: {  	_ =	swait.ge [sflag:s4], $0xC80  }
0x18f: {  	[sflag:s4] =	ssyncset.done $0x0  }
0x190: {  	s0 =	rddreg [dreg:$0x12];
	[sflag:s4] =	ssyncadd.s32 $0xFFFFF380  }
0x191: {  	[hbm4b:s0+s2] =	stream.linear.scatter [tilespmem:s10], [sflag:$0x3], $0xC80, $0x38;
	[tilespmem:$0x6400] =	vst v63  }
0x192: {  	_ =	swait.ge [sflag:s4], $0xC80  }
0x193: {  	[sflag:s4] =	ssyncset.done $0x0  }
0x194: {  	s0 =	rddreg [dreg:$0x13];
	[sflag:s4] =	ssyncadd.s32 $0xFFFFF380  }
0x195: {  	[tilespmem:s22], [sflag:$0x3] =	stream.linear.gather [hbm4b:s0+s2], $0xC80, $0x38;
	[tilespmem:$0x6400] =	vst v63  }
0x196: {  	_ =	swait.ge [sflag:s4], $0xC80  }
0x197: {  	[sflag:s4] =	ssyncset.done $0x0  }
0x198: {  	[sflag:s4] =	ssyncadd.s32 $0xFFFFF380  }
0x199: {  	[tilespmem:s13], [sflag:$0x2] =	stream.indirect.gather [hbm4b:s3+s22], $0x1, s22, s22, $0xb8;
	[tilespmem:$0x6400] =	vst v63  }
0x19a: {  	_ = 	snop  }
0x19b: {  	[tilespmem:s11], [sflag:$0x2] =	stream.indirect.gather [hbm4b:s8+s22], $0x1, s22, s22, $0xb8;
	[tilespmem:$0x6400] =	vst v63  }
0x19c: {  	_ = 	snop  }
0x19d: {  	[tilespmem:s10], [sflag:$0x2] =	stream.indirect.gather [hbm4b:s9+s22], $0x1, s22, s22, $0xb8;
	[tilespmem:$0x6400] =	vst v63  }
0x19e: {  	_ =	swait.ge [sflag:s23], $0xC80  }
0x19f: {  	[sflag:s23] =	ssyncset.done $0x0  }
0x1a0: {  	[sflag:s23] =	ssyncadd.s32 $0xFFFFF380  }
0x1a1: {  	_ =	swait.ge [sflag:s23], $0xC80  }
0x1a2: {  	[sflag:s23] =	ssyncset.done $0x0  }
0x1a3: {  	[sflag:s23] =	ssyncadd.s32 $0xFFFFF380  }
0x1a4: {  	_ =	swait.ge [sflag:s23], $0xC80  }
0x1a5: {  	[sflag:s23] =	ssyncset.done $0x0  }
0x1a6: {  	[sflag:s23] =	ssyncadd.s32 $0xFFFFF380  }
0x1a7: {  	[hbm4b:s30+s2] =	stream.linear.scatter [tilespmem:s19], [sflag:$0x3], $0xC80, $0x38;
	[tilespmem:$0x6400] =	vst v63  }
0x1a8: {  	_ =	swait.ge [sflag:s4], $0xC80  }
0x1a9: {  	[sflag:s4] =	ssyncset.done $0x0  }
0x1aa: {  	[sflag:s4] =	ssyncadd.s32 $0xFFFFF380  }
0x1ab: {  	[hbm4b:s29+s2] =	stream.linear.scatter [tilespmem:s17], [sflag:$0x3], $0xC80, $0x38;
	[tilespmem:$0x6400] =	vst v63  }
0x1ac: {  	_ =	swait.ge [sflag:s4], $0xC80  }
0x1ad: {  	[sflag:s4] =	ssyncset.done $0x0  }
0x1ae: {  	[sflag:s4] =	ssyncadd.s32 $0xFFFFF380  }
0x1af: {  	[hbm4b:s28+s2] =	stream.linear.scatter [tilespmem:s18], [sflag:$0x3], $0xC80, $0x38;
	[tilespmem:$0x6400] =	vst v63  }
0x1b0: {  	_ =	swait.ge [sflag:s4], $0xC80  }
0x1b1: {  	[sflag:s4] =	ssyncset.done $0x0  }
0x1b2: {  	[sflag:s4] =	ssyncadd.s32 $0xFFFFF380  }
0x1b3: {  	[tilespmem:s2], [sflag:$0x3] =	stream.linear.gather [hbm4b:s26+s2], $0xC80, $0x38;
	[tilespmem:$0x6400] =	vst v63  }
0x1b4: {  	_ =	swait.ge [sflag:s4], $0xC80  }
0x1b5: {  	[sflag:s4] =	ssyncset.done $0x0  }
0x1b6: {  	[sflag:s4] =	ssyncadd.s32 $0xFFFFF380  }
0x1b7: {  	[tilespmem:s19], [sflag:$0x1] =	stream.indirect.gather [hbm4b:s3+s22], $0x1, s2, s22, $0xb8;
	[tilespmem:$0x6400] =	vst v63  }
0x1b8: {  	_ = 	snop  }
0x1b9: {  	[tilespmem:s17], [sflag:$0x1] =	stream.indirect.gather [hbm4b:s8+s22], $0x1, s2, s22, $0xb8;
	[tilespmem:$0x6400] =	vst v63  }
0x1ba: {  	_ = 	snop  }
0x1bb: {  	[tilespmem:s18], [sflag:$0x1] =	stream.indirect.gather [hbm4b:s9+s22], $0x1, s2, s22, $0xb8;
	[tilespmem:$0x6400] =	vst v63  }
0x1bc: {  	_ =	swait.ge [sflag:s15], $0xC80  }
0x1bd: {  	[sflag:s15] =	ssyncset.done $0x0  }
0x1be: {  	[sflag:s15] =	ssyncadd.s32 $0xFFFFF380  }
0x1bf: {  	_ =	swait.ge [sflag:s15], $0xC80  }
0x1c0: {  	[sflag:s15] =	ssyncset.done $0x0  }
0x1c1: {  	[sflag:s15] =	ssyncadd.s32 $0xFFFFF380  }
0x1c2: {  	_ =	swait.ge [sflag:s15], $0xC80  }
0x1c3: {  	[sflag:s15] =	ssyncset.done $0x0  }
0x1c4: {  	[sflag:s15] =	ssyncadd.s32 $0xFFFFF380  }
0x1c5: {  	[hbm4b:s25+s2] =	stream.linear.scatter [tilespmem:s13], [sflag:$0x3], $0xC80, $0x38;
	[tilespmem:$0x6400] =	vst v63  }
0x1c6: {  	_ =	swait.ge [sflag:s4], $0xC80  }
0x1c7: {  	[sflag:s4] =	ssyncset.done $0x0  }
0x1c8: {  	[sflag:s4] =	ssyncadd.s32 $0xFFFFF380  }
0x1c9: {  	[hbm4b:s24+s2] =	stream.linear.scatter [tilespmem:s11], [sflag:$0x3], $0xC80, $0x38;
	[tilespmem:$0x6400] =	vst v63  }
0x1ca: {  	_ =	swait.ge [sflag:s4], $0xC80  }
0x1cb: {  	[sflag:s4] =	ssyncset.done $0x0  }
0x1cc: {  	[sflag:s4] =	ssyncadd.s32 $0xFFFFF380  }
0x1cd: {  	[hbm4b:s21+s2] =	stream.linear.scatter [tilespmem:s10], [sflag:$0x3], $0xC80, $0x38;
	[tilespmem:$0x6400] =	vst v63  }
0x1ce: {  	_ =	swait.ge [sflag:s4], $0xC80  }
0x1cf: {  	[sflag:s4] =	ssyncset.done $0x0  }
0x1d0: {  	[sflag:s4] =	ssyncadd.s32 $0xFFFFF380  }
0x1d1: {  	[tilespmem:s22], [sflag:$0x3] =	stream.linear.gather [hbm4b:s20+s2], $0xC80, $0x38;
	[tilespmem:$0x6400] =	vst v63  }
0x1d2: {  	_ =	swait.ge [sflag:s4], $0xC80  }
0x1d3: {  	[sflag:s4] =	ssyncset.done $0x0  }
0x1d4: {  	[sflag:s4] =	ssyncadd.s32 $0xFFFFF380  }
0x1d5: {  	[tilespmem:s13], [sflag:$0x2] =	stream.indirect.gather [hbm4b:s3+s22], $0x1, s22, s22, $0xb8;
	[tilespmem:$0x6400] =	vst v63  }
0x1d6: {  	_ = 	snop  }
0x1d7: {  	[tilespmem:s11], [sflag:$0x2] =	stream.indirect.gather [hbm4b:s8+s22], $0x1, s22, s22, $0xb8;
	[tilespmem:$0x6400] =	vst v63  }
0x1d8: {  	_ = 	snop  }
0x1d9: {  	[tilespmem:s10], [sflag:$0x2] =	stream.indirect.gather [hbm4b:s9+s22], $0x1, s22, s22, $0xb8;
	[tilespmem:$0x6400] =	vst v63  }
0x1da: {  	_ =	swait.ge [sflag:s23], $0xC80  }
0x1db: {  	[sflag:s23] =	ssyncset.done $0x0  }
0x1dc: {  	[sflag:s23] =	ssyncadd.s32 $0xFFFFF380  }
0x1dd: {  	_ =	swait.ge [sflag:s23], $0xC80  }
0x1de: {  	[sflag:s23] =	ssyncset.done $0x0  }
0x1df: {  	[sflag:s23] =	ssyncadd.s32 $0xFFFFF380  }
0x1e0: {  	_ =	swait.ge [sflag:s23], $0xC80  }
0x1e1: {  	[sflag:s23] =	ssyncset.done $0x0  }
0x1e2: {  	[sflag:s23] =	ssyncadd.s32 $0xFFFFF380  }
0x1e3: {  	[hbm4b:s16+s2] =	stream.linear.scatter [tilespmem:s19], [sflag:$0x3], $0xC80, $0x38;
	[tilespmem:$0x6400] =	vst v63  }
0x1e4: {  	_ =	swait.ge [sflag:s4], $0xC80  }
0x1e5: {  	[sflag:s4] =	ssyncset.done $0x0  }
0x1e6: {  	[sflag:s4] =	ssyncadd.s32 $0xFFFFF380  }
0x1e7: {  	[hbm4b:s14+s2] =	stream.linear.scatter [tilespmem:s17], [sflag:$0x3], $0xC80, $0x38;
	[tilespmem:$0x6400] =	vst v63  }
0x1e8: {  	_ =	swait.ge [sflag:s4], $0xC80  }
0x1e9: {  	[sflag:s4] =	ssyncset.done $0x0  }
0x1ea: {  	[sflag:s4] =	ssyncadd.s32 $0xFFFFF380  }
0x1eb: {  	[hbm4b:s12+s2] =	stream.linear.scatter [tilespmem:s18], [sflag:$0x3], $0xC80, $0x38;
	[tilespmem:$0x6400] =	vst v63  }
0x1ec: {  	_ =	swait.ge [sflag:s4], $0xC80  }
0x1ed: {  	[sflag:s4] =	ssyncset.done $0x0  }
0x1ee: {  	[sflag:s4] =	ssyncadd.s32 $0xFFFFF380  }
0x1ef: {  	_ =	swait.ge [sflag:s15], $0xC80  }
0x1f0: {  	[sflag:s15] =	ssyncset.done $0x0  }
0x1f1: {  	[sflag:s15] =	ssyncadd.s32 $0xFFFFF380  }
0x1f2: {  	_ =	swait.ge [sflag:s15], $0xC80  }
0x1f3: {  	[sflag:s15] =	ssyncset.done $0x0  }
0x1f4: {  	[sflag:s15] =	ssyncadd.s32 $0xFFFFF380  }
0x1f5: {  	_ =	swait.ge [sflag:s15], $0xC80  }
0x1f6: {  	[sflag:s15] =	ssyncset.done $0x0  }
0x1f7: {  	[sflag:s15] =	ssyncadd.s32 $0xFFFFF380  }
0x1f8: {  	[hbm4b:s7+s2] =	stream.linear.scatter [tilespmem:s13], [sflag:$0x3], $0xC80, $0x38;
	[tilespmem:$0x6400] =	vst v63  }
0x1f9: {  	_ =	swait.ge [sflag:s4], $0xC80  }
0x1fa: {  	[sflag:s4] =	ssyncset.done $0x0  }
0x1fb: {  	[sflag:s4] =	ssyncadd.s32 $0xFFFFF380  }
0x1fc: {  	[hbm4b:s6+s2] =	stream.linear.scatter [tilespmem:s11], [sflag:$0x3], $0xC80, $0x38;
	[tilespmem:$0x6400] =	vst v63  }
0x1fd: {  	p1 =	sne.s32 s1, $0x1;
	_ =	swait.ge [sflag:s4], $0xC80  }
.Ltmp2:
0x1fe: {  	[sflag:s4] =	ssyncset.done $0x0;
	(pc) =	sbr.rel @p1 .LBB2_2-.Ltmp2, $4  }
0x1ff: {  	[sflag:s4] =	ssyncadd.s32 $0xFFFFF380  }
0x200: {  	[hbm4b:s5+s2] =	stream.linear.scatter [tilespmem:s10], [sflag:$0x3], $0xC80, $0x38;
	[tilespmem:$0x6400] =	vst v63  }
0x201: {  	_ =	swait.ge [sflag:s4], $0xC80  }
0x202: {  	s1 =	sadd.s32 $0xFFFFFFFF, s1;
	s0 =	rddreg [dreg:$0x3];
	[sflag:s4] =	ssyncset.done $0x0  }
.LBB2_3:
0x203: {  	[sflag:s4] =	ssyncadd.s32 @p0 $0xFFFFF380  }
0x204: {  	[tilespmem:s2], [sflag:$0x3] =	stream.linear.gather [hbm4b:s0+s2], $0xC80, $0x38;
	[tilespmem:$0x6400] =	vst v63  }
0x205: {  	_ =	swait.ge [sflag:s4], $0xC80  }
0x206: {  	[sflag:s4] =	ssyncset.done $0x0  }
0x207: {  	[sflag:s4] =	ssyncadd.s32 $0xFFFFF380  }
0x208: {  	[tilespmem:s19], [sflag:$0x1] =	stream.indirect.gather [hbm4b:s3+s22], $0x1, s2, s22, $0xb8;
	[tilespmem:$0x6400] =	vst v63  }
0x209: {  	_ = 	snop  }
0x20a: {  	[tilespmem:s17], [sflag:$0x1] =	stream.indirect.gather [hbm4b:s8+s22], $0x1, s2, s22, $0xb8;
	[tilespmem:$0x6400] =	vst v63  }
0x20b: {  	_ = 	snop  }
0x20c: {  	[tilespmem:s18], [sflag:$0x1] =	stream.indirect.gather [hbm4b:s9+s22], $0x1, s2, s22, $0xb8;
	[tilespmem:$0x6400] =	vst v63  }
0x20d: {  	s1 =	rddreg [dreg:$0x4]  }
0x20e: {  	[tilespmem:s22], [sflag:$0x3] =	stream.linear.gather [hbm4b:s1+s2], $0xC80, $0x38;
	[tilespmem:$0x6400] =	vst v63  }
0x20f: {  	_ =	swait.ge [sflag:s4], $0xC80  }
0x210: {  	[sflag:s4] =	ssyncset.done $0x0  }
0x211: {  	[sflag:s4] =	ssyncadd.s32 $0xFFFFF380  }
0x212: {  	[tilespmem:s13], [sflag:$0x2] =	stream.indirect.gather [hbm4b:s3+s22], $0x1, s22, s22, $0xb8;
	[tilespmem:$0x6400] =	vst v63  }
0x213: {  	_ = 	snop  }
0x214: {  	[tilespmem:s11], [sflag:$0x2] =	stream.indirect.gather [hbm4b:s8+s22], $0x1, s22, s22, $0xb8;
	[tilespmem:$0x6400] =	vst v63  }
0x215: {  	_ = 	snop  }
0x216: {  	[tilespmem:s10], [sflag:$0x2] =	stream.indirect.gather [hbm4b:s9+s22], $0x1, s22, s22, $0xb8;
	[tilespmem:$0x6400] =	vst v63  }
0x217: {  	_ =	swait.ge [sflag:s23], $0xC80  }
0x218: {  	[sflag:s23] =	ssyncset.done $0x0  }
0x219: {  	[sflag:s23] =	ssyncadd.s32 $0xFFFFF380  }
0x21a: {  	_ =	swait.ge [sflag:s23], $0xC80  }
0x21b: {  	[sflag:s23] =	ssyncset.done $0x0  }
0x21c: {  	[sflag:s23] =	ssyncadd.s32 $0xFFFFF380  }
0x21d: {  	_ =	swait.ge [sflag:s23], $0xC80  }
0x21e: {  	[sflag:s23] =	ssyncset.done $0x0  }
0x21f: {  	[sflag:s23] =	ssyncadd.s32 $0xFFFFF380  }
0x220: {  	[hbm4b:s31+s2] =	stream.linear.scatter [tilespmem:s19], [sflag:$0x3], $0xC80, $0x38;
	[tilespmem:$0x6400] =	vst v63  }
0x221: {  	_ =	swait.ge [sflag:s4], $0xC80  }
0x222: {  	[sflag:s4] =	ssyncset.done $0x0  }
0x223: {  	s1 =	rddreg [dreg:$0x5];
	[sflag:s4] =	ssyncadd.s32 $0xFFFFF380  }
0x224: {  	[hbm4b:s1+s2] =	stream.linear.scatter [tilespmem:s17], [sflag:$0x3], $0xC80, $0x38;
	[tilespmem:$0x6400] =	vst v63  }
0x225: {  	_ =	swait.ge [sflag:s4], $0xC80  }
0x226: {  	[sflag:s4] =	ssyncset.done $0x0  }
0x227: {  	s31 =	rddreg [dreg:$0x6];
	[sflag:s4] =	ssyncadd.s32 $0xFFFFF380  }
0x228: {  	[hbm4b:s31+s2] =	stream.linear.scatter [tilespmem:s18], [sflag:$0x3], $0xC80, $0x38;
	[tilespmem:$0x6400] =	vst v63  }
0x229: {  	_ =	swait.ge [sflag:s4], $0xC80  }
0x22a: {  	[sflag:s4] =	ssyncset.done $0x0  }
0x22b: {  	s1 =	rddreg [dreg:$0x7];
	[sflag:s4] =	ssyncadd.s32 $0xFFFFF380  }
0x22c: {  	[tilespmem:s2], [sflag:$0x3] =	stream.linear.gather [hbm4b:s1+s2], $0xC80, $0x38;
	[tilespmem:$0x6400] =	vst v63  }
0x22d: {  	_ =	swait.ge [sflag:s4], $0xC80  }
0x22e: {  	[sflag:s4] =	ssyncset.done $0x0  }
0x22f: {  	[sflag:s4] =	ssyncadd.s32 $0xFFFFF380  }
0x230: {  	[tilespmem:s19], [sflag:$0x1] =	stream.indirect.gather [hbm4b:s3+s22], $0x1, s2, s22, $0xb8;
	[tilespmem:$0x6400] =	vst v63  }
0x231: {  	_ = 	snop  }
0x232: {  	[tilespmem:s17], [sflag:$0x1] =	stream.indirect.gather [hbm4b:s8+s22], $0x1, s2, s22, $0xb8;
	[tilespmem:$0x6400] =	vst v63  }
0x233: {  	_ = 	snop  }
0x234: {  	[tilespmem:s18], [sflag:$0x1] =	stream.indirect.gather [hbm4b:s9+s22], $0x1, s2, s22, $0xb8;
	[tilespmem:$0x6400] =	vst v63  }
0x235: {  	_ =	swait.ge [sflag:s15], $0xC80  }
0x236: {  	[sflag:s15] =	ssyncset.done $0x0  }
0x237: {  	[sflag:s15] =	ssyncadd.s32 $0xFFFFF380  }
0x238: {  	_ =	swait.ge [sflag:s15], $0xC80  }
0x239: {  	[sflag:s15] =	ssyncset.done $0x0  }
0x23a: {  	[sflag:s15] =	ssyncadd.s32 $0xFFFFF380  }
0x23b: {  	_ =	swait.ge [sflag:s15], $0xC80  }
0x23c: {  	[sflag:s15] =	ssyncset.done $0x0  }
0x23d: {  	s31 =	rddreg [dreg:$0x8];
	[sflag:s15] =	ssyncadd.s32 $0xFFFFF380  }
0x23e: {  	[hbm4b:s31+s2] =	stream.linear.scatter [tilespmem:s13], [sflag:$0x3], $0xC80, $0x38;
	[tilespmem:$0x6400] =	vst v63  }
0x23f: {  	_ =	swait.ge [sflag:s4], $0xC80  }
0x240: {  	[sflag:s4] =	ssyncset.done $0x0  }
0x241: {  	s1 =	rddreg [dreg:$0x9];
	[sflag:s4] =	ssyncadd.s32 $0xFFFFF380  }
0x242: {  	[hbm4b:s1+s2] =	stream.linear.scatter [tilespmem:s11], [sflag:$0x3], $0xC80, $0x38;
	[tilespmem:$0x6400] =	vst v63  }
0x243: {  	_ =	swait.ge [sflag:s4], $0xC80  }
0x244: {  	[sflag:s4] =	ssyncset.done $0x0  }
0x245: {  	s31 =	rddreg [dreg:$0xa];
	[sflag:s4] =	ssyncadd.s32 $0xFFFFF380  }
0x246: {  	[hbm4b:s31+s2] =	stream.linear.scatter [tilespmem:s10], [sflag:$0x3], $0xC80, $0x38;
	[tilespmem:$0x6400] =	vst v63  }
0x247: {  	_ =	swait.ge [sflag:s4], $0xC80  }
0x248: {  	[sflag:s4] =	ssyncset.done $0x0  }
0x249: {  	s1 =	rddreg [dreg:$0xb];
	[sflag:s4] =	ssyncadd.s32 $0xFFFFF380  }
0x24a: {  	[tilespmem:s22], [sflag:$0x3] =	stream.linear.gather [hbm4b:s1+s2], $0xC80, $0x38;
	[tilespmem:$0x6400] =	vst v63  }
0x24b: {  	_ =	swait.ge [sflag:s4], $0xC80  }
0x24c: {  	[sflag:s4] =	ssyncset.done $0x0  }
0x24d: {  	[sflag:s4] =	ssyncadd.s32 $0xFFFFF380  }
0x24e: {  	[tilespmem:s13], [sflag:$0x2] =	stream.indirect.gather [hbm4b:s3+s22], $0x1, s22, s22, $0xb8;
	[tilespmem:$0x6400] =	vst v63  }
0x24f: {  	_ = 	snop  }
0x250: {  	[tilespmem:s11], [sflag:$0x2] =	stream.indirect.gather [hbm4b:s8+s22], $0x1, s22, s22, $0xb8;
	[tilespmem:$0x6400] =	vst v63  }
0x251: {  	_ = 	snop  }
0x252: {  	[tilespmem:s10], [sflag:$0x2] =	stream.indirect.gather [hbm4b:s9+s22], $0x1, s22, s22, $0xb8;
	[tilespmem:$0x6400] =	vst v63  }
0x253: {  	_ =	swait.ge [sflag:s23], $0xC80  }
0x254: {  	[sflag:s23] =	ssyncset.done $0x0  }
0x255: {  	[sflag:s23] =	ssyncadd.s32 $0xFFFFF380  }
0x256: {  	_ =	swait.ge [sflag:s23], $0xC80  }
0x257: {  	[sflag:s23] =	ssyncset.done $0x0  }
0x258: {  	[sflag:s23] =	ssyncadd.s32 $0xFFFFF380  }
0x259: {  	_ =	swait.ge [sflag:s23], $0xC80  }
0x25a: {  	[sflag:s23] =	ssyncset.done $0x0  }
0x25b: {  	s31 =	rddreg [dreg:$0xc];
	[sflag:s23] =	ssyncadd.s32 $0xFFFFF380  }
0x25c: {  	[hbm4b:s31+s2] =	stream.linear.scatter [tilespmem:s19], [sflag:$0x3], $0xC80, $0x38;
	[tilespmem:$0x6400] =	vst v63  }
0x25d: {  	_ =	swait.ge [sflag:s4], $0xC80  }
0x25e: {  	[sflag:s4] =	ssyncset.done $0x0  }
0x25f: {  	s1 =	rddreg [dreg:$0xd];
	[sflag:s4] =	ssyncadd.s32 $0xFFFFF380  }
0x260: {  	[hbm4b:s1+s2] =	stream.linear.scatter [tilespmem:s17], [sflag:$0x3], $0xC80, $0x38;
	[tilespmem:$0x6400] =	vst v63  }
0x261: {  	_ =	swait.ge [sflag:s4], $0xC80  }
0x262: {  	[sflag:s4] =	ssyncset.done $0x0  }
0x263: {  	s31 =	rddreg [dreg:$0xe];
	[sflag:s4] =	ssyncadd.s32 $0xFFFFF380  }
0x264: {  	[hbm4b:s31+s2] =	stream.linear.scatter [tilespmem:s18], [sflag:$0x3], $0xC80, $0x38;
	[tilespmem:$0x6400] =	vst v63  }
0x265: {  	_ =	swait.ge [sflag:s4], $0xC80  }
0x266: {  	[sflag:s4] =	ssyncset.done $0x0  }
0x267: {  	s1 =	rddreg [dreg:$0xf];
	[sflag:s4] =	ssyncadd.s32 $0xFFFFF380  }
0x268: {  	[tilespmem:s2], [sflag:$0x3] =	stream.linear.gather [hbm4b:s1+s2], $0xC80, $0x38;
	[tilespmem:$0x6400] =	vst v63  }
0x269: {  	_ =	swait.ge [sflag:s4], $0xC80  }
0x26a: {  	[sflag:s4] =	ssyncset.done $0x0  }
0x26b: {  	[sflag:s4] =	ssyncadd.s32 $0xFFFFF380  }
0x26c: {  	[tilespmem:s19], [sflag:$0x1] =	stream.indirect.gather [hbm4b:s3+s22], $0x1, s2, s22, $0xb8;
	[tilespmem:$0x6400] =	vst v63  }
0x26d: {  	_ = 	snop  }
0x26e: {  	[tilespmem:s17], [sflag:$0x1] =	stream.indirect.gather [hbm4b:s8+s22], $0x1, s2, s22, $0xb8;
	[tilespmem:$0x6400] =	vst v63  }
0x26f: {  	_ = 	snop  }
0x270: {  	[tilespmem:s18], [sflag:$0x1] =	stream.indirect.gather [hbm4b:s9+s22], $0x1, s2, s22, $0xb8;
	[tilespmem:$0x6400] =	vst v63  }
0x271: {  	_ =	swait.ge [sflag:s15], $0xC80  }
0x272: {  	[sflag:s15] =	ssyncset.done $0x0  }
0x273: {  	[sflag:s15] =	ssyncadd.s32 $0xFFFFF380  }
0x274: {  	_ =	swait.ge [sflag:s15], $0xC80  }
0x275: {  	[sflag:s15] =	ssyncset.done $0x0  }
0x276: {  	[sflag:s15] =	ssyncadd.s32 $0xFFFFF380  }
0x277: {  	_ =	swait.ge [sflag:s15], $0xC80  }
0x278: {  	[sflag:s15] =	ssyncset.done $0x0  }
0x279: {  	s31 =	rddreg [dreg:$0x10];
	[sflag:s15] =	ssyncadd.s32 $0xFFFFF380  }
0x27a: {  	[hbm4b:s31+s2] =	stream.linear.scatter [tilespmem:s13], [sflag:$0x3], $0xC80, $0x38;
	[tilespmem:$0x6400] =	vst v63  }
0x27b: {  	_ =	swait.ge [sflag:s4], $0xC80  }
0x27c: {  	[sflag:s4] =	ssyncset.done $0x0  }
0x27d: {  	s1 =	rddreg [dreg:$0x11];
	[sflag:s4] =	ssyncadd.s32 $0xFFFFF380  }
0x27e: {  	[hbm4b:s1+s2] =	stream.linear.scatter [tilespmem:s11], [sflag:$0x3], $0xC80, $0x38;
	[tilespmem:$0x6400] =	vst v63  }
0x27f: {  	_ =	swait.ge [sflag:s4], $0xC80  }
0x280: {  	[sflag:s4] =	ssyncset.done $0x0  }
0x281: {  	s31 =	rddreg [dreg:$0x12];
	[sflag:s4] =	ssyncadd.s32 $0xFFFFF380  }
0x282: {  	[hbm4b:s31+s2] =	stream.linear.scatter [tilespmem:s10], [sflag:$0x3], $0xC80, $0x38;
	[tilespmem:$0x6400] =	vst v63  }
0x283: {  	_ =	swait.ge [sflag:s4], $0xC80  }
0x284: {  	[sflag:s4] =	ssyncset.done $0x0  }
0x285: {  	s1 =	rddreg [dreg:$0x13];
	[sflag:s4] =	ssyncadd.s32 $0xFFFFF380  }
0x286: {  	[tilespmem:s22], [sflag:$0x3] =	stream.linear.gather [hbm4b:s1+s2], $0xC80, $0x38;
	[tilespmem:$0x6400] =	vst v63  }
0x287: {  	_ =	swait.ge [sflag:s4], $0xC80  }
0x288: {  	[sflag:s4] =	ssyncset.done $0x0  }
0x289: {  	[sflag:s4] =	ssyncadd.s32 $0xFFFFF380  }
0x28a: {  	[tilespmem:s13], [sflag:$0x2] =	stream.indirect.gather [hbm4b:s3+s22], $0x1, s22, s22, $0xb8;
	[tilespmem:$0x6400] =	vst v63  }
0x28b: {  	_ = 	snop  }
0x28c: {  	[tilespmem:s11], [sflag:$0x2] =	stream.indirect.gather [hbm4b:s8+s22], $0x1, s22, s22, $0xb8;
	[tilespmem:$0x6400] =	vst v63  }
0x28d: {  	_ = 	snop  }
0x28e: {  	[tilespmem:s10], [sflag:$0x2] =	stream.indirect.gather [hbm4b:s9+s22], $0x1, s22, s22, $0xb8;
	[tilespmem:$0x6400] =	vst v63  }
0x28f: {  	_ =	swait.ge [sflag:s23], $0xC80  }
0x290: {  	[sflag:s23] =	ssyncset.done $0x0  }
0x291: {  	[sflag:s23] =	ssyncadd.s32 $0xFFFFF380  }
0x292: {  	_ =	swait.ge [sflag:s23], $0xC80  }
0x293: {  	[sflag:s23] =	ssyncset.done $0x0  }
0x294: {  	[sflag:s23] =	ssyncadd.s32 $0xFFFFF380  }
0x295: {  	_ =	swait.ge [sflag:s23], $0xC80  }
0x296: {  	[sflag:s23] =	ssyncset.done $0x0  }
0x297: {  	[sflag:s23] =	ssyncadd.s32 $0xFFFFF380  }
0x298: {  	[hbm4b:s30+s2] =	stream.linear.scatter [tilespmem:s19], [sflag:$0x3], $0xC80, $0x38;
	[tilespmem:$0x6400] =	vst v63  }
0x299: {  	_ =	swait.ge [sflag:s4], $0xC80  }
0x29a: {  	[sflag:s4] =	ssyncset.done $0x0  }
0x29b: {  	[sflag:s4] =	ssyncadd.s32 $0xFFFFF380  }
0x29c: {  	[hbm4b:s29+s2] =	stream.linear.scatter [tilespmem:s17], [sflag:$0x3], $0xC80, $0x38;
	[tilespmem:$0x6400] =	vst v63  }
0x29d: {  	_ =	swait.ge [sflag:s4], $0xC80  }
0x29e: {  	[sflag:s4] =	ssyncset.done $0x0  }
0x29f: {  	[sflag:s4] =	ssyncadd.s32 $0xFFFFF380  }
0x2a0: {  	[hbm4b:s28+s2] =	stream.linear.scatter [tilespmem:s18], [sflag:$0x3], $0xC80, $0x38;
	[tilespmem:$0x6400] =	vst v63  }
0x2a1: {  	_ =	swait.ge [sflag:s4], $0xC80  }
0x2a2: {  	[sflag:s4] =	ssyncset.done $0x0  }
0x2a3: {  	[sflag:s4] =	ssyncadd.s32 $0xFFFFF380  }
0x2a4: {  	[tilespmem:s2], [sflag:$0x3] =	stream.linear.gather [hbm4b:s26+s2], $0xC80, $0x38;
	[tilespmem:$0x6400] =	vst v63  }
0x2a5: {  	_ =	swait.ge [sflag:s4], $0xC80  }
0x2a6: {  	[sflag:s4] =	ssyncset.done $0x0  }
0x2a7: {  	[sflag:s4] =	ssyncadd.s32 $0xFFFFF380  }
0x2a8: {  	[tilespmem:s19], [sflag:$0x1] =	stream.indirect.gather [hbm4b:s3+s22], $0x1, s2, s22, $0xb8;
	[tilespmem:$0x6400] =	vst v63  }
0x2a9: {  	_ = 	snop  }
0x2aa: {  	[tilespmem:s17], [sflag:$0x1] =	stream.indirect.gather [hbm4b:s8+s22], $0x1, s2, s22, $0xb8;
	[tilespmem:$0x6400] =	vst v63  }
0x2ab: {  	_ = 	snop  }
0x2ac: {  	[tilespmem:s18], [sflag:$0x1] =	stream.indirect.gather [hbm4b:s9+s22], $0x1, s2, s22, $0xb8;
	[tilespmem:$0x6400] =	vst v63  }
0x2ad: {  	_ =	swait.ge [sflag:s15], $0xC80  }
0x2ae: {  	[sflag:s15] =	ssyncset.done $0x0  }
0x2af: {  	[sflag:s15] =	ssyncadd.s32 $0xFFFFF380  }
0x2b0: {  	_ =	swait.ge [sflag:s15], $0xC80  }
0x2b1: {  	[sflag:s15] =	ssyncset.done $0x0  }
0x2b2: {  	[sflag:s15] =	ssyncadd.s32 $0xFFFFF380  }
0x2b3: {  	_ =	swait.ge [sflag:s15], $0xC80  }
0x2b4: {  	[sflag:s15] =	ssyncset.done $0x0  }
0x2b5: {  	[sflag:s15] =	ssyncadd.s32 $0xFFFFF380  }
0x2b6: {  	[hbm4b:s25+s2] =	stream.linear.scatter [tilespmem:s13], [sflag:$0x3], $0xC80, $0x38;
	[tilespmem:$0x6400] =	vst v63  }
0x2b7: {  	_ =	swait.ge [sflag:s4], $0xC80  }
0x2b8: {  	[sflag:s4] =	ssyncset.done $0x0  }
0x2b9: {  	[sflag:s4] =	ssyncadd.s32 $0xFFFFF380  }
0x2ba: {  	[hbm4b:s24+s2] =	stream.linear.scatter [tilespmem:s11], [sflag:$0x3], $0xC80, $0x38;
	[tilespmem:$0x6400] =	vst v63  }
0x2bb: {  	_ =	swait.ge [sflag:s4], $0xC80  }
0x2bc: {  	[sflag:s4] =	ssyncset.done $0x0  }
0x2bd: {  	[sflag:s4] =	ssyncadd.s32 $0xFFFFF380  }
0x2be: {  	[hbm4b:s21+s2] =	stream.linear.scatter [tilespmem:s10], [sflag:$0x3], $0xC80, $0x38;
	[tilespmem:$0x6400] =	vst v63  }
0x2bf: {  	_ =	swait.ge [sflag:s4], $0xC80  }
0x2c0: {  	[sflag:s4] =	ssyncset.done $0x0  }
0x2c1: {  	[sflag:s4] =	ssyncadd.s32 $0xFFFFF380  }
0x2c2: {  	[tilespmem:s22], [sflag:$0x3] =	stream.linear.gather [hbm4b:s20+s2], $0xC80, $0x38;
	[tilespmem:$0x6400] =	vst v63  }
0x2c3: {  	_ =	swait.ge [sflag:s4], $0xC80  }
0x2c4: {  	[sflag:s4] =	ssyncset.done $0x0  }
0x2c5: {  	[sflag:s4] =	ssyncadd.s32 $0xFFFFF380  }
0x2c6: {  	[tilespmem:s13], [sflag:$0x2] =	stream.indirect.gather [hbm4b:s3+s22], $0x1, s22, s22, $0xb8;
	[tilespmem:$0x6400] =	vst v63  }
0x2c7: {  	_ = 	snop  }
0x2c8: {  	[tilespmem:s11], [sflag:$0x2] =	stream.indirect.gather [hbm4b:s8+s22], $0x1, s22, s22, $0xb8;
	[tilespmem:$0x6400] =	vst v63  }
0x2c9: {  	_ = 	snop  }
0x2ca: {  	[tilespmem:s10], [sflag:$0x2] =	stream.indirect.gather [hbm4b:s9+s22], $0x1, s22, s22, $0xb8;
	[tilespmem:$0x6400] =	vst v63  }
0x2cb: {  	_ =	swait.ge [sflag:s23], $0xC80  }
0x2cc: {  	[sflag:s23] =	ssyncset.done $0x0  }
0x2cd: {  	[sflag:s23] =	ssyncadd.s32 $0xFFFFF380  }
0x2ce: {  	_ =	swait.ge [sflag:s23], $0xC80  }
0x2cf: {  	[sflag:s23] =	ssyncset.done $0x0  }
0x2d0: {  	[sflag:s23] =	ssyncadd.s32 $0xFFFFF380  }
0x2d1: {  	_ =	swait.ge [sflag:s23], $0xC80  }
0x2d2: {  	[sflag:s23] =	ssyncset.done $0x0  }
0x2d3: {  	[sflag:s23] =	ssyncadd.s32 $0xFFFFF380  }
0x2d4: {  	[hbm4b:s16+s2] =	stream.linear.scatter [tilespmem:s19], [sflag:$0x3], $0xC80, $0x38;
	[tilespmem:$0x6400] =	vst v63  }
0x2d5: {  	_ =	swait.ge [sflag:s4], $0xC80  }
0x2d6: {  	[sflag:s4] =	ssyncset.done $0x0  }
0x2d7: {  	[sflag:s4] =	ssyncadd.s32 $0xFFFFF380  }
0x2d8: {  	[hbm4b:s14+s2] =	stream.linear.scatter [tilespmem:s17], [sflag:$0x3], $0xC80, $0x38;
	[tilespmem:$0x6400] =	vst v63  }
0x2d9: {  	_ =	swait.ge [sflag:s4], $0xC80  }
0x2da: {  	[sflag:s4] =	ssyncset.done $0x0  }
0x2db: {  	[sflag:s4] =	ssyncadd.s32 $0xFFFFF380  }
0x2dc: {  	[hbm4b:s12+s2] =	stream.linear.scatter [tilespmem:s18], [sflag:$0x3], $0xC80, $0x38;
	[tilespmem:$0x6400] =	vst v63  }
0x2dd: {  	_ =	swait.ge [sflag:s4], $0xC80  }
0x2de: {  	[sflag:s4] =	ssyncset.done $0x0  }
0x2df: {  	[sflag:s4] =	ssyncadd.s32 $0xFFFFF380  }
0x2e0: {  	_ =	swait.ge [sflag:s15], $0xC80  }
0x2e1: {  	[sflag:s15] =	ssyncset.done $0x0  }
0x2e2: {  	[sflag:s15] =	ssyncadd.s32 $0xFFFFF380  }
0x2e3: {  	_ =	swait.ge [sflag:s15], $0xC80  }
0x2e4: {  	[sflag:s15] =	ssyncset.done $0x0  }
0x2e5: {  	[sflag:s15] =	ssyncadd.s32 $0xFFFFF380  }
0x2e6: {  	_ =	swait.ge [sflag:s15], $0xC80  }
0x2e7: {  	[sflag:s15] =	ssyncset.done $0x0  }
0x2e8: {  	[sflag:s15] =	ssyncadd.s32 $0xFFFFF380  }
0x2e9: {  	[hbm4b:s7+s2] =	stream.linear.scatter [tilespmem:s13], [sflag:$0x3], $0xC80, $0x38;
	[tilespmem:$0x6400] =	vst v63  }
0x2ea: {  	_ =	swait.ge [sflag:s4], $0xC80  }
0x2eb: {  	[sflag:s4] =	ssyncset.done $0x0  }
0x2ec: {  	[sflag:s4] =	ssyncadd.s32 $0xFFFFF380  }
0x2ed: {  	[hbm4b:s6+s2] =	stream.linear.scatter [tilespmem:s11], [sflag:$0x3], $0xC80, $0x38;
	[tilespmem:$0x6400] =	vst v63  }
0x2ee: {  	_ =	swait.ge [sflag:s4], $0xC80  }
0x2ef: {  	[sflag:s4] =	ssyncset.done $0x0  }
0x2f0: {  	[sflag:s4] =	ssyncadd.s32 $0xFFFFF380  }
0x2f1: {  	[hbm4b:s5+s2] =	stream.linear.scatter [tilespmem:s10], [sflag:$0x3], $0xC80, $0x38;
	[tilespmem:$0x6400] =	vst v63  }
0x2f2: {  	_ =	swait.ge [sflag:s4], $0xC80  }
0x2f3: {  	[sflag:s4] =	ssyncset.done $0x0  }
0x2f4: {  	[sflag:s4] =	ssyncadd.s32 $0xFFFFF380  }
0x2f5: {  	_ =	sfence.sel $0x180000  }
0x2f6: {  	[bflag:$0x0] =	sbarrier.arrive $0xFFFF  }
0x2f7: {  	_ =	strace $0x90000047  }
0x2f8: {  	s31 =	stileid.u32;
	[bflag:$0x2] =	sbarrier.arrive $0xFFFF  }
0x2f9: {  	p0 =	sne.s32 s31, $0x0;
	s0 =	rddreg [dreg:$0x2]  }
0x2fa: {  	s0 =	sadd.s32 @!p0 $0x100000, s0  }
0x2fb: {  	[sflag:s0] =	ssyncadd.tile.s32 @!p0 $0x1;
	_ =	shalt  }
.Lfunc_end2:
_tile_overlayer_lowered:
.L_overlay_start_2:
0x2fc: {  	(tag) =	ssettag $0x2  }
0x2fd: {  	s0 =	rddreg [dreg:$0x0];
	s2 =	stileid.u32  }
0x2fe: {  	s1 =	rddreg [dreg:$0x1];
	p0 =	sne.s32 s2, $0x0  }
0x2ff: {  	s3 =	rddreg [dreg:$0x2];
	[bflag:$0x3] =	sbarrier.arrive $0xFFFF;
	s2 =	simm.s32 @!p0 $0x1C03  }
0x300: {  	[timem:s3], [sflag:s2] =	dma.local @!p0 [hbm:s0], s1  }
0x301: {  	s0 =	simm.s32 @!p0 $0x3  }
0x302: {  	_ =	swait.ge @!p0 [sflag:s0], s1  }
0x303: {  	s1 =	ssub.s32 @!p0 $0x0, s1;
	[sflag:s0] =	ssyncset.done @!p0 $0x0  }
0x304: {  	[sflag:s0] =	ssyncadd.s32 @!p0 s1  }
0x305: {  	[bflag:$0x3] =	sbarrier.arrive $0xFFFF  }
0x306: {  	_ =	shalt  }

</sc_bundles>
